<compile_context>
chip_gen: v7x
topology: tpu7x:2x2x1
jax: 0.10.2.dev20260603
libtpu: 0.0.44.dev20260713+nightly
codegen_flags: <defaults>
</compile_context>

<pallas_src>
import functools

import jax
import jax.numpy as jnp
from jax import lax
from jax.experimental import pallas as pl
from jax.experimental.pallas import tpu as pltpu
from jax.experimental.pallas import tpu_sc as plsc

L = 16


def _newton_sqrt(x):
    i = lax.bitcast_convert_type(x, jnp.int32)
    i = jnp.int32(0x5F3759DF) - lax.shift_right_arithmetic(i, 1)
    y = lax.bitcast_convert_type(i, jnp.float32)
    xh = x * jnp.float32(0.5)
    for _ in range(3):
        y = y * (jnp.float32(1.5) - xh * y * y)
    return x * y


def _make_sc_kernel(num_workers, chunks, chunk_rows, dim):
    groups = chunk_rows // L
    kdim = dim // L
    mesh = plsc.VectorSubcoreMesh(core_axis_name="c", subcore_axis_name="s")
    info = plsc.get_sparse_core_info()
    nc = info.num_cores

    @functools.partial(
        pl.kernel,
        out_type=jax.ShapeDtypeStruct((num_workers * chunks * chunk_rows,), jnp.float32),
        mesh=mesh,
        scratch_types=[
            pltpu.VMEM((chunks, chunk_rows), jnp.int32),
            pltpu.VMEM((2, chunk_rows, dim), jnp.float32),
            pltpu.VMEM((2, chunk_rows, dim), jnp.float32),
            pltpu.VMEM((dim,), jnp.float32),
            pltpu.VMEM((groups * L * L,), jnp.float32),
            pltpu.VMEM((chunks * chunk_rows,), jnp.float32),
            pltpu.SemaphoreType.DMA((2,)),
            pltpu.SemaphoreType.DMA((2,)),
        ],
        compiler_params=pltpu.CompilerParams(needs_layout_passes=False),
    )
    def sc_kernel(prot_hbm, idx_hbm, table_hbm, rel_hbm, out_hbm,
                  idx_v, p_buf, t_buf, rel_v, tr_v, out_v, sem_t, sem_p):
        wid = lax.axis_index("s") * nc + lax.axis_index("c")
        pltpu.sync_copy(idx_hbm.at[wid], idx_v)
        pltpu.sync_copy(rel_hbm, rel_v)
        rels = [rel_v[pl.ds(L * k, L)] for k in range(kdim)]
        lane_iota = lax.iota(jnp.int32, L)

        def start(c):
            b = jnp.bitwise_and(c, 1)
            pltpu.make_async_copy(
                table_hbm.at[idx_v.at[c]], t_buf.at[b], sem_t.at[b]).start()
            pltpu.make_async_copy(
                prot_hbm.at[wid, c], p_buf.at[b], sem_p.at[b]).start()

        def wait(c):
            b = jnp.bitwise_and(c, 1)
            pltpu.make_async_copy(
                table_hbm.at[idx_v.at[c]], t_buf.at[b], sem_t.at[b]).wait()
            pltpu.make_async_copy(
                prot_hbm.at[wid, c], p_buf.at[b], sem_p.at[b]).wait()

        start(0)

        def chunk_body(c, _):
            b = jnp.bitwise_and(c, 1)
            wait(c)

            @pl.when(c + 1 < chunks)
            def _():
                start(c + 1)

            @plsc.parallel_loop(0, groups)
            def group_body(g, c=c, b=b):
                accs = [jnp.zeros((L,), jnp.float32) for _ in range(L)]
                for k in range(kdim):
                    pvs = [p_buf[b, g * L + r, pl.ds(L * k, L)] for r in range(L)]
                    tvs = [t_buf[b, g * L + r, pl.ds(L * k, L)] for r in range(L)]
                    for r in range(L):
                        d = (pvs[r] - tvs[r]) + rels[k]
                        accs[r] = accs[r] + d * d
                tr_base = g * (L * L)
                for r in range(L):
                    tr_v[pl.ds(tr_base + r * L, L)] = accs[r]
                row_base = tr_base + lane_iota * L
                cols = [plsc.load_gather(tr_v, [row_base + l]) for l in range(L)]
                while len(cols) > 1:
                    cols = [cols[i] + cols[i + 1] for i in range(0, len(cols), 2)]
                out_v[pl.ds((c * groups + g) * L, L)] = _newton_sqrt(cols[0])

            return 0

        lax.fori_loop(0, chunks, chunk_body, 0)

        pltpu.sync_copy(out_v, out_hbm.at[pl.ds(wid * chunks * chunk_rows,
                                                chunks * chunk_rows)])

    return sc_kernel


@jax.jit
def kernel(prot_vecs, type_ids, type_emb, rel):
    batch, dim = prot_vecs.shape
    info = plsc.get_sparse_core_info()
    nw = info.num_cores * info.num_subcores
    rows_per_w = batch // nw
    chunk_rows = 128
    chunks = rows_per_w // chunk_rows

    idx = type_ids.astype(jnp.int32).reshape(nw, chunks, chunk_rows)
    prot_r = prot_vecs.reshape(nw, chunks, chunk_rows, dim)
    sc_kernel = _make_sc_kernel(nw, chunks, chunk_rows, dim)
    return sc_kernel(prot_r, idx, type_emb, rel)

# --- scband reference (transcript-rebuilt; emitter-appended) ---
"""Pipeline reference for scband-trans-eprotein-type-78005196030062 (READ-ONLY COPY).

The authoritative reference and input builder live on the scoring server;
editing this copy changes nothing except your own understanding.
"""

import jax, jax.numpy as jnp
import numpy as np

NUM_TYPES = 100000
DIM = 128
BATCH = 16384


def setup_inputs(seed: int = 0) -> dict:
    key = jax.random.key(seed)
    k1, k2, k3, k4 = jax.random.split(key, 4)
    prot_vecs = jax.random.normal(k1, (BATCH, DIM), dtype=jnp.float32)
    type_ids = jax.random.randint(k2, (BATCH,), 0, NUM_TYPES, dtype=jnp.int64)
    # xavier_uniform init for embedding table of shape (num_types, dim)
    bound = float(np.sqrt(6.0 / (NUM_TYPES + DIM)))
    type_emb = jax.random.uniform(k3, (NUM_TYPES, DIM), dtype=jnp.float32, minval=-bound, maxval=bound)
    # rel parameter: uniform(-0.01, 0.01)
    rel = jax.random.uniform(k4, (DIM,), dtype=jnp.float32, minval=-0.01, maxval=0.01)
    return {"prot_vecs": prot_vecs, "type_ids": type_ids, "type_emb": type_emb, "rel": rel}


def reference(prot_vecs, type_ids, type_emb, rel):
    # t = self.type_emb(type_ids)  -> embedding gather
    t = jnp.take(type_emb, type_ids, axis=0)
    # score_dist: torch.norm(h + rel - t, p=2, dim=-1)
    diff = prot_vecs + rel - t
    return jnp.sqrt(jnp.sum(diff * diff, axis=-1))

if __name__ == "__main__":
    import jax
    _d = setup_inputs()
    print(jax.jit(kernel)(*tuple(_d.values())))

</pallas_src>

<mosaic_0001>
#map = affine_map<(d0, d1) -> (0, 0, 0, 0)>
#map1 = affine_map<(d0, d1) -> (0, 0, 0)>
#map2 = affine_map<(d0, d1) -> (0, 0)>
#map3 = affine_map<(d0, d1) -> (0)>
module attributes {stable_mosaic.version = 14 : i64} {
  func.func @sc_kernel(%arg0: i32, %arg1: i32, %arg2: memref<32x4x128x128xf32, #tpu.memory_space<hbm>>, %arg3: memref<32x4x128xi32, #tpu.memory_space<hbm>>, %arg4: memref<100000x128xf32, #tpu.memory_space<hbm>>, %arg5: memref<128xf32, #tpu.memory_space<hbm>>, %arg6: memref<16384xf32, #tpu.memory_space<hbm>>, %arg7: memref<4x128xi32, #tpu.memory_space<vmem>>, %arg8: memref<2x128x128xf32, #tpu.memory_space<vmem>>, %arg9: memref<2x128x128xf32, #tpu.memory_space<vmem>>, %arg10: memref<128xf32, #tpu.memory_space<vmem>>, %arg11: memref<2048xf32, #tpu.memory_space<vmem>>, %arg12: memref<512xf32, #tpu.memory_space<vmem>>, %arg13: memref<2x!tpu.dma_semaphore, #tpu.memory_space<semaphore_mem>>, %arg14: memref<2x!tpu.dma_semaphore, #tpu.memory_space<semaphore_mem>>) attributes {dimension_semantics = [#tpu.dimension_semantics<core_parallel>, #tpu.dimension_semantics<subcore_parallel>], iteration_bounds = array<i64: 2, 16>, scalar_prefetch = 0 : i64, scratch_operands = 8 : i64, tpu.core_type = #tpu.core_type<sc_vector_subcore>, window_params = [{transform_indices = #map}, {transform_indices = #map1}, {transform_indices = #map2}, {transform_indices = #map3}, {transform_indices = #map3}]} {
    %mul3A = arith.constant 2 : i32
    %mul3A_0 = arith.muli %arg1, %mul3A : i32
    %add3A = arith.addi %mul3A_0, %arg0 : i32
    "tpu.region"() ({
      %run_scoped3A = tpu.sem_alloc : memref<!tpu.dma_semaphore, #tpu.memory_space<semaphore_mem>>
      %dma_start3A_59 = arith.constant 0 : i32
      %dma_start3A_60 = arith.constant 0 : i32
      %dma_start3A_61 = tpu.memref_slice %arg3[%add3A, %dma_start3A_59, %dma_start3A_60] : memref<32x4x128xi32, #tpu.memory_space<hbm>> -> memref<1x4x128xi32, #tpu.memory_space<hbm>>
      %dma_start3A_62 = tpu.memref_squeeze %dma_start3A_61 : memref<1x4x128xi32, #tpu.memory_space<hbm>> -> memref<4x128xi32, #tpu.memory_space<hbm>>
      %dma_start3A_63 = arith.constant 0 : i32
      %dma_start3A_64 = arith.constant 0 : i32
      %dma_start3A_65 = tpu.memref_slice %arg3[%add3A, %dma_start3A_63, %dma_start3A_64] : memref<32x4x128xi32, #tpu.memory_space<hbm>> -> memref<1x4x128xi32, #tpu.memory_space<hbm>>
      %dma_start3A_66 = tpu.memref_squeeze %dma_start3A_65 : memref<1x4x128xi32, #tpu.memory_space<hbm>> -> memref<4x128xi32, #tpu.memory_space<hbm>>
      tpu.enqueue_dma source(%dma_start3A_66 : memref<4x128xi32, #tpu.memory_space<hbm>>) target(%arg7 : memref<4x128xi32, #tpu.memory_space<vmem>>) target_semaphore(%run_scoped3A : memref<!tpu.dma_semaphore, #tpu.memory_space<semaphore_mem>>)
      %dma_wait3A = arith.constant 0 : i32
      %dma_wait3A_67 = arith.constant 0 : i32
      %dma_wait3A_68 = tpu.memref_slice %arg3[%add3A, %dma_wait3A, %dma_wait3A_67] : memref<32x4x128xi32, #tpu.memory_space<hbm>> -> memref<1x4x128xi32, #tpu.memory_space<hbm>>
      %dma_wait3A_69 = tpu.memref_squeeze %dma_wait3A_68 : memref<1x4x128xi32, #tpu.memory_space<hbm>> -> memref<4x128xi32, #tpu.memory_space<hbm>>
      %dma_wait3A_70 = arith.constant 0 : i32
      %dma_wait3A_71 = arith.constant 0 : i32
      %dma_wait3A_72 = tpu.memref_slice %arg3[%add3A, %dma_wait3A_70, %dma_wait3A_71] : memref<32x4x128xi32, #tpu.memory_space<hbm>> -> memref<1x4x128xi32, #tpu.memory_space<hbm>>
      %dma_wait3A_73 = tpu.memref_squeeze %dma_wait3A_72 : memref<1x4x128xi32, #tpu.memory_space<hbm>> -> memref<4x128xi32, #tpu.memory_space<hbm>>
      tpu.wait_dma2 semaphore(%run_scoped3A : memref<!tpu.dma_semaphore, #tpu.memory_space<semaphore_mem>>) src(%dma_wait3A_73 : memref<4x128xi32, #tpu.memory_space<hbm>>) dst(%arg7 : memref<4x128xi32, #tpu.memory_space<vmem>>)
      tpu.yield
    }) : () -> ()
    "tpu.region"() ({
      %run_scoped3A = tpu.sem_alloc : memref<!tpu.dma_semaphore, #tpu.memory_space<semaphore_mem>>
      tpu.enqueue_dma source(%arg5 : memref<128xf32, #tpu.memory_space<hbm>>) target(%arg10 : memref<128xf32, #tpu.memory_space<vmem>>) target_semaphore(%run_scoped3A : memref<!tpu.dma_semaphore, #tpu.memory_space<semaphore_mem>>)
      tpu.wait_dma2 semaphore(%run_scoped3A : memref<!tpu.dma_semaphore, #tpu.memory_space<semaphore_mem>>) src(%arg5 : memref<128xf32, #tpu.memory_space<hbm>>) dst(%arg10 : memref<128xf32, #tpu.memory_space<vmem>>)
      tpu.yield
    }) : () -> ()
    %get3A = arith.constant 0 : index
    %get3A_1 = tpu.vector_load %arg10[%get3A] {strides = array<i32>} : memref<128xf32, #tpu.memory_space<vmem>>, vector<16xf32>,
    %get3A_2 = arith.constant 16 : index
    %get3A_3 = tpu.vector_load %arg10[%get3A_2] {strides = array<i32>} : memref<128xf32, #tpu.memory_space<vmem>>, vector<16xf32>,
    %get3A_4 = arith.constant 32 : index
    %get3A_5 = tpu.vector_load %arg10[%get3A_4] {strides = array<i32>} : memref<128xf32, #tpu.memory_space<vmem>>, vector<16xf32>,
    %get3A_6 = arith.constant 48 : index
    %get3A_7 = tpu.vector_load %arg10[%get3A_6] {strides = array<i32>} : memref<128xf32, #tpu.memory_space<vmem>>, vector<16xf32>,
    %get3A_8 = arith.constant 64 : index
    %get3A_9 = tpu.vector_load %arg10[%get3A_8] {strides = array<i32>} : memref<128xf32, #tpu.memory_space<vmem>>, vector<16xf32>,
    %get3A_10 = arith.constant 80 : index
    %get3A_11 = tpu.vector_load %arg10[%get3A_10] {strides = array<i32>} : memref<128xf32, #tpu.memory_space<vmem>>, vector<16xf32>,
    %get3A_12 = arith.constant 96 : index
    %get3A_13 = tpu.vector_load %arg10[%get3A_12] {strides = array<i32>} : memref<128xf32, #tpu.memory_space<vmem>>, vector<16xf32>,
    %get3A_14 = arith.constant 112 : index
    %get3A_15 = tpu.vector_load %arg10[%get3A_14] {strides = array<i32>} : memref<128xf32, #tpu.memory_space<vmem>>, vector<16xf32>,
    %iota3A = tpu.iota {dimensions = array<i32: 0>} : vector<16xi32>
    %and3A = arith.constant 0 : i32
    %and3A_16 = arith.constant 1 : i32
    %and3A_17 = arith.andi %and3A, %and3A_16 : i32
    %dma_start3A = arith.constant 0 : i32
    %dma_start3A_18 = arith.constant 0 : i32
    %dma_start3A_19 = arith.constant 0 : i32
    %dma_start3A_20 = tpu.memref_slice %arg9[%and3A_17, %dma_start3A_18, %dma_start3A_19] : memref<2x128x128xf32, #tpu.memory_space<vmem>> -> memref<1x128x128xf32, #tpu.memory_space<vmem>>
    %dma_start3A_21 = tpu.memref_squeeze %dma_start3A_20 : memref<1x128x128xf32, #tpu.memory_space<vmem>> -> memref<128x128xf32, #tpu.memory_space<vmem>>
    %dma_start3A_22 = arith.constant 0 : i32
    %dma_start3A_23 = tpu.memref_slice %arg7[%dma_start3A, %dma_start3A_22] : memref<4x128xi32, #tpu.memory_space<vmem>> -> memref<1x128xi32, #tpu.memory_space<vmem>>
    %dma_start3A_24 = tpu.memref_squeeze %dma_start3A_23 : memref<1x128xi32, #tpu.memory_space<vmem>> -> memref<128xi32, #tpu.memory_space<vmem>>
    %dma_start3A_25 = arith.constant 0 : i32
    %dma_start3A_26 = arith.constant 0 : i32
    %dma_start3A_27 = tpu.memref_slice %arg4[%dma_start3A_25, %dma_start3A_26] : memref<100000x128xf32, #tpu.memory_space<hbm>> -> memref<100000x128xf32, #tpu.memory_space<hbm>>
    %dma_start3A_28 = tpu.memref_slice %arg13[%and3A_17] : memref<2x!tpu.dma_semaphore, #tpu.memory_space<semaphore_mem>> -> memref<1x!tpu.dma_semaphore, #tpu.memory_space<semaphore_mem>>
    %dma_start3A_29 = tpu.memref_squeeze %dma_start3A_28 : memref<1x!tpu.dma_semaphore, #tpu.memory_space<semaphore_mem>> -> memref<!tpu.dma_semaphore, #tpu.memory_space<semaphore_mem>>
    tpu.enqueue_indirect_dma source(%dma_start3A_27 : memref<100000x128xf32, #tpu.memory_space<hbm>>) target(%dma_start3A_21 : memref<128x128xf32, #tpu.memory_space<vmem>>) offsets(%dma_start3A_24 : memref<128xi32, #tpu.memory_space<vmem>>) semaphore(%dma_start3A_29 : memref<!tpu.dma_semaphore, #tpu.memory_space<semaphore_mem>>)
    %dma_start3A_30 = arith.constant 0 : i32
    %dma_start3A_31 = arith.constant 0 : i32
    %dma_start3A_32 = arith.constant 0 : i32
    %dma_start3A_33 = tpu.memref_slice %arg8[%and3A_17, %dma_start3A_31, %dma_start3A_32] : memref<2x128x128xf32, #tpu.memory_space<vmem>> -> memref<1x128x128xf32, #tpu.memory_space<vmem>>
    %dma_start3A_34 = tpu.memref_squeeze %dma_start3A_33 : memref<1x128x128xf32, #tpu.memory_space<vmem>> -> memref<128x128xf32, #tpu.memory_space<vmem>>
    %dma_start3A_35 = arith.constant 0 : i32
    %dma_start3A_36 = arith.constant 0 : i32
    %dma_start3A_37 = tpu.memref_slice %arg2[%add3A, %dma_start3A_30, %dma_start3A_35, %dma_start3A_36] : memref<32x4x128x128xf32, #tpu.memory_space<hbm>> -> memref<1x1x128x128xf32, #tpu.memory_space<hbm>>
    %dma_start3A_38 = tpu.memref_squeeze %dma_start3A_37 : memref<1x1x128x128xf32, #tpu.memory_space<hbm>> -> memref<128x128xf32, #tpu.memory_space<hbm>>
    %dma_start3A_39 = tpu.memref_slice %arg14[%and3A_17] : memref<2x!tpu.dma_semaphore, #tpu.memory_space<semaphore_mem>> -> memref<1x!tpu.dma_semaphore, #tpu.memory_space<semaphore_mem>>
    %dma_start3A_40 = tpu.memref_squeeze %dma_start3A_39 : memref<1x!tpu.dma_semaphore, #tpu.memory_space<semaphore_mem>> -> memref<!tpu.dma_semaphore, #tpu.memory_space<semaphore_mem>>
    %dma_start3A_41 = arith.constant 0 : i32
    %dma_start3A_42 = arith.constant 0 : i32
    %dma_start3A_43 = tpu.memref_slice %arg8[%and3A_17, %dma_start3A_41, %dma_start3A_42] : memref<2x128x128xf32, #tpu.memory_space<vmem>> -> memref<1x128x128xf32, #tpu.memory_space<vmem>>
    %dma_start3A_44 = tpu.memref_squeeze %dma_start3A_43 : memref<1x128x128xf32, #tpu.memory_space<vmem>> -> memref<128x128xf32, #tpu.memory_space<vmem>>
    %dma_start3A_45 = arith.constant 0 : i32
    %dma_start3A_46 = arith.constant 0 : i32
    %dma_start3A_47 = tpu.memref_slice %arg2[%add3A, %dma_start3A_30, %dma_start3A_45, %dma_start3A_46] : memref<32x4x128x128xf32, #tpu.memory_space<hbm>> -> memref<1x1x128x128xf32, #tpu.memory_space<hbm>>
    %dma_start3A_48 = tpu.memref_squeeze %dma_start3A_47 : memref<1x1x128x128xf32, #tpu.memory_space<hbm>> -> memref<128x128xf32, #tpu.memory_space<hbm>>
    tpu.enqueue_dma source(%dma_start3A_48 : memref<128x128xf32, #tpu.memory_space<hbm>>) target(%dma_start3A_44 : memref<128x128xf32, #tpu.memory_space<vmem>>) target_semaphore(%dma_start3A_40 : memref<!tpu.dma_semaphore, #tpu.memory_space<semaphore_mem>>)
    %scan3A = arith.constant 0 : i32
    %scan3A_49 = arith.constant 0 : i32
    %scan3A_50 = arith.constant 4 : i32
    %scan3A_51 = arith.addi %scan3A_49, %scan3A_50 : i32
    %scan3A_52 = arith.constant 1 : i32
    %scan3A_53 = scf.for %scan3A_59 = %scan3A_49 to %scan3A_51 step %scan3A_52 iter_args(%scan3A_60 = %scan3A) -> (i32)  : i32 {
      %and3A_61 = arith.constant 1 : i32
      %and3A_62 = arith.andi %scan3A_59, %and3A_61 : i32
      %and3A_63 = arith.constant 1 : i32
      %and3A_64 = arith.andi %scan3A_59, %and3A_63 : i32
      %dma_wait3A = arith.constant 0 : i32
      %dma_wait3A_65 = arith.constant 0 : i32
      %dma_wait3A_66 = tpu.memref_slice %arg9[%and3A_64, %dma_wait3A, %dma_wait3A_65] : memref<2x128x128xf32, #tpu.memory_space<vmem>> -> memref<1x128x128xf32, #tpu.memory_space<vmem>>
      %dma_wait3A_67 = tpu.memref_squeeze %dma_wait3A_66 : memref<1x128x128xf32, #tpu.memory_space<vmem>> -> memref<128x128xf32, #tpu.memory_space<vmem>>
      %dma_wait3A_68 = arith.constant 0 : i32
      %dma_wait3A_69 = tpu.memref_slice %arg7[%scan3A_59, %dma_wait3A_68] : memref<4x128xi32, #tpu.memory_space<vmem>> -> memref<1x128xi32, #tpu.memory_space<vmem>>
      %dma_wait3A_70 = tpu.memref_squeeze %dma_wait3A_69 : memref<1x128xi32, #tpu.memory_space<vmem>> -> memref<128xi32, #tpu.memory_space<vmem>>
      %dma_wait3A_71 = arith.constant 0 : i32
      %dma_wait3A_72 = arith.constant 0 : i32
      %dma_wait3A_73 = tpu.memref_slice %arg4[%dma_wait3A_71, %dma_wait3A_72] : memref<100000x128xf32, #tpu.memory_space<hbm>> -> memref<100000x128xf32, #tpu.memory_space<hbm>>
      %dma_wait3A_74 = tpu.memref_slice %arg13[%and3A_64] : memref<2x!tpu.dma_semaphore, #tpu.memory_space<semaphore_mem>> -> memref<1x!tpu.dma_semaphore, #tpu.memory_space<semaphore_mem>>
      %dma_wait3A_75 = tpu.memref_squeeze %dma_wait3A_74 : memref<1x!tpu.dma_semaphore, #tpu.memory_space<semaphore_mem>> -> memref<!tpu.dma_semaphore, #tpu.memory_space<semaphore_mem>>
      tpu.wait_indirect_dma semaphore(%dma_wait3A_75 : memref<!tpu.dma_semaphore, #tpu.memory_space<semaphore_mem>>) src(%dma_wait3A_73 : memref<100000x128xf32, #tpu.memory_space<hbm>>) dst(%dma_wait3A_67 : memref<128x128xf32, #tpu.memory_space<vmem>>)
      %dma_wait3A_76 = arith.constant 0 : i32
      %dma_wait3A_77 = arith.constant 0 : i32
      %dma_wait3A_78 = tpu.memref_slice %arg8[%and3A_64, %dma_wait3A_76, %dma_wait3A_77] : memref<2x128x128xf32, #tpu.memory_space<vmem>> -> memref<1x128x128xf32, #tpu.memory_space<vmem>>
      %dma_wait3A_79 = tpu.memref_squeeze %dma_wait3A_78 : memref<1x128x128xf32, #tpu.memory_space<vmem>> -> memref<128x128xf32, #tpu.memory_space<vmem>>
      %dma_wait3A_80 = arith.constant 0 : i32
      %dma_wait3A_81 = arith.constant 0 : i32
      %dma_wait3A_82 = tpu.memref_slice %arg2[%add3A, %scan3A_59, %dma_wait3A_80, %dma_wait3A_81] : memref<32x4x128x128xf32, #tpu.memory_space<hbm>> -> memref<1x1x128x128xf32, #tpu.memory_space<hbm>>
      %dma_wait3A_83 = tpu.memref_squeeze %dma_wait3A_82 : memref<1x1x128x128xf32, #tpu.memory_space<hbm>> -> memref<128x128xf32, #tpu.memory_space<hbm>>
      %dma_wait3A_84 = tpu.memref_slice %arg14[%and3A_64] : memref<2x!tpu.dma_semaphore, #tpu.memory_space<semaphore_mem>> -> memref<1x!tpu.dma_semaphore, #tpu.memory_space<semaphore_mem>>
      %dma_wait3A_85 = tpu.memref_squeeze %dma_wait3A_84 : memref<1x!tpu.dma_semaphore, #tpu.memory_space<semaphore_mem>> -> memref<!tpu.dma_semaphore, #tpu.memory_space<semaphore_mem>>
      %dma_wait3A_86 = arith.constant 0 : i32
      %dma_wait3A_87 = arith.constant 0 : i32
      %dma_wait3A_88 = tpu.memref_slice %arg8[%and3A_64, %dma_wait3A_86, %dma_wait3A_87] : memref<2x128x128xf32, #tpu.memory_space<vmem>> -> memref<1x128x128xf32, #tpu.memory_space<vmem>>
      %dma_wait3A_89 = tpu.memref_squeeze %dma_wait3A_88 : memref<1x128x128xf32, #tpu.memory_space<vmem>> -> memref<128x128xf32, #tpu.memory_space<vmem>>
      %dma_wait3A_90 = arith.constant 0 : i32
      %dma_wait3A_91 = arith.constant 0 : i32
      %dma_wait3A_92 = tpu.memref_slice %arg2[%add3A, %scan3A_59, %dma_wait3A_90, %dma_wait3A_91] : memref<32x4x128x128xf32, #tpu.memory_space<hbm>> -> memref<1x1x128x128xf32, #tpu.memory_space<hbm>>
      %dma_wait3A_93 = tpu.memref_squeeze %dma_wait3A_92 : memref<1x1x128x128xf32, #tpu.memory_space<hbm>> -> memref<128x128xf32, #tpu.memory_space<hbm>>
      tpu.wait_dma2 semaphore(%dma_wait3A_85 : memref<!tpu.dma_semaphore, #tpu.memory_space<semaphore_mem>>) src(%dma_wait3A_93 : memref<128x128xf32, #tpu.memory_space<hbm>>) dst(%dma_wait3A_89 : memref<128x128xf32, #tpu.memory_space<vmem>>)
      %add3A_94 = arith.constant 1 : i32
      %add3A_95 = arith.addi %scan3A_59, %add3A_94 : i32
      %lt3A = arith.constant 4 : i32
      %lt3A_96 = arith.cmpi slt, %add3A_95, %lt3A : i32
      %convert_element_type3A = arith.extui %lt3A_96 : i1 to i32
      %cond3A = arith.constant 0 : i32
      %cond3A_97 = arith.cmpi ne, %convert_element_type3A, %cond3A : i32
      scf.if %cond3A_97 {
        %add3A_101 = arith.constant 1 : i32
        %add3A_102 = arith.addi %scan3A_59, %add3A_101 : i32
        %and3A_103 = arith.constant 1 : i32
        %and3A_104 = arith.andi %add3A_102, %and3A_103 : i32
        %dma_start3A_105 = arith.constant 0 : i32
        %dma_start3A_106 = arith.constant 0 : i32
        %dma_start3A_107 = tpu.memref_slice %arg9[%and3A_104, %dma_start3A_105, %dma_start3A_106] : memref<2x128x128xf32, #tpu.memory_space<vmem>> -> memref<1x128x128xf32, #tpu.memory_space<vmem>>
        %dma_start3A_108 = tpu.memref_squeeze %dma_start3A_107 : memref<1x128x128xf32, #tpu.memory_space<vmem>> -> memref<128x128xf32, #tpu.memory_space<vmem>>
        %dma_start3A_109 = arith.constant 0 : i32
        %dma_start3A_110 = tpu.memref_slice %arg7[%add3A_102, %dma_start3A_109] : memref<4x128xi32, #tpu.memory_space<vmem>> -> memref<1x128xi32, #tpu.memory_space<vmem>>
        %dma_start3A_111 = tpu.memref_squeeze %dma_start3A_110 : memref<1x128xi32, #tpu.memory_space<vmem>> -> memref<128xi32, #tpu.memory_space<vmem>>
        %dma_start3A_112 = arith.constant 0 : i32
        %dma_start3A_113 = arith.constant 0 : i32
        %dma_start3A_114 = tpu.memref_slice %arg4[%dma_start3A_112, %dma_start3A_113] : memref<100000x128xf32, #tpu.memory_space<hbm>> -> memref<100000x128xf32, #tpu.memory_space<hbm>>
        %dma_start3A_115 = tpu.memref_slice %arg13[%and3A_104] : memref<2x!tpu.dma_semaphore, #tpu.memory_space<semaphore_mem>> -> memref<1x!tpu.dma_semaphore, #tpu.memory_space<semaphore_mem>>
        %dma_start3A_116 = tpu.memref_squeeze %dma_start3A_115 : memref<1x!tpu.dma_semaphore, #tpu.memory_space<semaphore_mem>> -> memref<!tpu.dma_semaphore, #tpu.memory_space<semaphore_mem>>
        tpu.enqueue_indirect_dma source(%dma_start3A_114 : memref<100000x128xf32, #tpu.memory_space<hbm>>) target(%dma_start3A_108 : memref<128x128xf32, #tpu.memory_space<vmem>>) offsets(%dma_start3A_111 : memref<128xi32, #tpu.memory_space<vmem>>) semaphore(%dma_start3A_116 : memref<!tpu.dma_semaphore, #tpu.memory_space<semaphore_mem>>)
        %dma_start3A_117 = arith.constant 0 : i32
        %dma_start3A_118 = arith.constant 0 : i32
        %dma_start3A_119 = tpu.memref_slice %arg8[%and3A_104, %dma_start3A_117, %dma_start3A_118] : memref<2x128x128xf32, #tpu.memory_space<vmem>> -> memref<1x128x128xf32, #tpu.memory_space<vmem>>
        %dma_start3A_120 = tpu.memref_squeeze %dma_start3A_119 : memref<1x128x128xf32, #tpu.memory_space<vmem>> -> memref<128x128xf32, #tpu.memory_space<vmem>>
        %dma_start3A_121 = arith.constant 0 : i32
        %dma_start3A_122 = arith.constant 0 : i32
        %dma_start3A_123 = tpu.memref_slice %arg2[%add3A, %add3A_102, %dma_start3A_121, %dma_start3A_122] : memref<32x4x128x128xf32, #tpu.memory_space<hbm>> -> memref<1x1x128x128xf32, #tpu.memory_space<hbm>>
        %dma_start3A_124 = tpu.memref_squeeze %dma_start3A_123 : memref<1x1x128x128xf32, #tpu.memory_space<hbm>> -> memref<128x128xf32, #tpu.memory_space<hbm>>
        %dma_start3A_125 = tpu.memref_slice %arg14[%and3A_104] : memref<2x!tpu.dma_semaphore, #tpu.memory_space<semaphore_mem>> -> memref<1x!tpu.dma_semaphore, #tpu.memory_space<semaphore_mem>>
        %dma_start3A_126 = tpu.memref_squeeze %dma_start3A_125 : memref<1x!tpu.dma_semaphore, #tpu.memory_space<semaphore_mem>> -> memref<!tpu.dma_semaphore, #tpu.memory_space<semaphore_mem>>
        %dma_start3A_127 = arith.constant 0 : i32
        %dma_start3A_128 = arith.constant 0 : i32
        %dma_start3A_129 = tpu.memref_slice %arg8[%and3A_104, %dma_start3A_127, %dma_start3A_128] : memref<2x128x128xf32, #tpu.memory_space<vmem>> -> memref<1x128x128xf32, #tpu.memory_space<vmem>>
        %dma_start3A_130 = tpu.memref_squeeze %dma_start3A_129 : memref<1x128x128xf32, #tpu.memory_space<vmem>> -> memref<128x128xf32, #tpu.memory_space<vmem>>
        %dma_start3A_131 = arith.constant 0 : i32
        %dma_start3A_132 = arith.constant 0 : i32
        %dma_start3A_133 = tpu.memref_slice %arg2[%add3A, %add3A_102, %dma_start3A_131, %dma_start3A_132] : memref<32x4x128x128xf32, #tpu.memory_space<hbm>> -> memref<1x1x128x128xf32, #tpu.memory_space<hbm>>
        %dma_start3A_134 = tpu.memref_squeeze %dma_start3A_133 : memref<1x1x128x128xf32, #tpu.memory_space<hbm>> -> memref<128x128xf32, #tpu.memory_space<hbm>>
        tpu.enqueue_dma source(%dma_start3A_134 : memref<128x128xf32, #tpu.memory_space<hbm>>) target(%dma_start3A_130 : memref<128x128xf32, #tpu.memory_space<vmem>>) target_semaphore(%dma_start3A_126 : memref<!tpu.dma_semaphore, #tpu.memory_space<semaphore_mem>>)
      } else {
      }
      %parallel_loop3A = arith.constant 0 : i32
      %parallel_loop3A_98 = arith.constant 8 : i32
      %parallel_loop3A_99 = arith.constant 1 : i32
      scf.for %parallel_loop3A_101 = %parallel_loop3A to %parallel_loop3A_98 step %parallel_loop3A_99  : i32 {
        %parallel_loop3A_102 = arith.constant 0.000000e+00 : f32
        %parallel_loop3A_103 = vector.broadcast %parallel_loop3A_102 : f32 to vector<16xf32>
        %parallel_loop3A_104 = arith.constant 0.000000e+00 : f32
        %parallel_loop3A_105 = vector.broadcast %parallel_loop3A_104 : f32 to vector<16xf32>
        %parallel_loop3A_106 = arith.constant 0.000000e+00 : f32
        %parallel_loop3A_107 = vector.broadcast %parallel_loop3A_106 : f32 to vector<16xf32>
        %parallel_loop3A_108 = arith.constant 0.000000e+00 : f32
        %parallel_loop3A_109 = vector.broadcast %parallel_loop3A_108 : f32 to vector<16xf32>
        %parallel_loop3A_110 = arith.constant 0.000000e+00 : f32
        %parallel_loop3A_111 = vector.broadcast %parallel_loop3A_110 : f32 to vector<16xf32>
        %parallel_loop3A_112 = arith.constant 0.000000e+00 : f32
        %parallel_loop3A_113 = vector.broadcast %parallel_loop3A_112 : f32 to vector<16xf32>
        %parallel_loop3A_114 = arith.constant 0.000000e+00 : f32
        %parallel_loop3A_115 = vector.broadcast %parallel_loop3A_114 : f32 to vector<16xf32>
        %parallel_loop3A_116 = arith.constant 0.000000e+00 : f32
        %parallel_loop3A_117 = vector.broadcast %parallel_loop3A_116 : f32 to vector<16xf32>
        %parallel_loop3A_118 = arith.constant 0.000000e+00 : f32
        %parallel_loop3A_119 = vector.broadcast %parallel_loop3A_118 : f32 to vector<16xf32>
        %parallel_loop3A_120 = arith.constant 0.000000e+00 : f32
        %parallel_loop3A_121 = vector.broadcast %parallel_loop3A_120 : f32 to vector<16xf32>
        %parallel_loop3A_122 = arith.constant 0.000000e+00 : f32
        %parallel_loop3A_123 = vector.broadcast %parallel_loop3A_122 : f32 to vector<16xf32>
        %parallel_loop3A_124 = arith.constant 0.000000e+00 : f32
        %parallel_loop3A_125 = vector.broadcast %parallel_loop3A_124 : f32 to vector<16xf32>
        %parallel_loop3A_126 = arith.constant 0.000000e+00 : f32
        %parallel_loop3A_127 = vector.broadcast %parallel_loop3A_126 : f32 to vector<16xf32>
        %parallel_loop3A_128 = arith.constant 0.000000e+00 : f32
        %parallel_loop3A_129 = vector.broadcast %parallel_loop3A_128 : f32 to vector<16xf32>
        %parallel_loop3A_130 = arith.constant 0.000000e+00 : f32
        %parallel_loop3A_131 = vector.broadcast %parallel_loop3A_130 : f32 to vector<16xf32>
        %parallel_loop3A_132 = arith.constant 0.000000e+00 : f32
        %parallel_loop3A_133 = vector.broadcast %parallel_loop3A_132 : f32 to vector<16xf32>
        %parallel_loop3A_134 = arith.constant 16 : i32
        %parallel_loop3A_135 = arith.muli %parallel_loop3A_101, %parallel_loop3A_134 : i32
        %parallel_loop3A_136 = arith.constant 0 : i32
        %parallel_loop3A_137 = arith.addi %parallel_loop3A_135, %parallel_loop3A_136 : i32
        %parallel_loop3A_138 = arith.index_cast %and3A_62 : i32 to index
        %parallel_loop3A_139 = arith.index_cast %parallel_loop3A_137 : i32 to index
        %parallel_loop3A_140 = arith.constant 0 : index
        %parallel_loop3A_141 = tpu.vector_load %arg8[%parallel_loop3A_138, %parallel_loop3A_139, %parallel_loop3A_140] {strides = array<i32>} : memref<2x128x128xf32, #tpu.memory_space<vmem>>, vector<16xf32>,
        %parallel_loop3A_142 = arith.constant 16 : i32
        %parallel_loop3A_143 = arith.muli %parallel_loop3A_101, %parallel_loop3A_142 : i32
        %parallel_loop3A_144 = arith.constant 1 : i32
        %parallel_loop3A_145 = arith.addi %parallel_loop3A_143, %parallel_loop3A_144 : i32
        %parallel_loop3A_146 = arith.index_cast %and3A_62 : i32 to index
        %parallel_loop3A_147 = arith.index_cast %parallel_loop3A_145 : i32 to index
        %parallel_loop3A_148 = arith.constant 0 : index
        %parallel_loop3A_149 = tpu.vector_load %arg8[%parallel_loop3A_146, %parallel_loop3A_147, %parallel_loop3A_148] {strides = array<i32>} : memref<2x128x128xf32, #tpu.memory_space<vmem>>, vector<16xf32>,
        %parallel_loop3A_150 = arith.constant 16 : i32
        %parallel_loop3A_151 = arith.muli %parallel_loop3A_101, %parallel_loop3A_150 : i32
        %parallel_loop3A_152 = arith.constant 2 : i32
        %parallel_loop3A_153 = arith.addi %parallel_loop3A_151, %parallel_loop3A_152 : i32
        %parallel_loop3A_154 = arith.index_cast %and3A_62 : i32 to index
        %parallel_loop3A_155 = arith.index_cast %parallel_loop3A_153 : i32 to index
        %parallel_loop3A_156 = arith.constant 0 : index
        %parallel_loop3A_157 = tpu.vector_load %arg8[%parallel_loop3A_154, %parallel_loop3A_155, %parallel_loop3A_156] {strides = array<i32>} : memref<2x128x128xf32, #tpu.memory_space<vmem>>, vector<16xf32>,
        %parallel_loop3A_158 = arith.constant 16 : i32
        %parallel_loop3A_159 = arith.muli %parallel_loop3A_101, %parallel_loop3A_158 : i32
        %parallel_loop3A_160 = arith.constant 3 : i32
        %parallel_loop3A_161 = arith.addi %parallel_loop3A_159, %parallel_loop3A_160 : i32
        %parallel_loop3A_162 = arith.index_cast %and3A_62 : i32 to index
        %parallel_loop3A_163 = arith.index_cast %parallel_loop3A_161 : i32 to index
        %parallel_loop3A_164 = arith.constant 0 : index
        %parallel_loop3A_165 = tpu.vector_load %arg8[%parallel_loop3A_162, %parallel_loop3A_163, %parallel_loop3A_164] {strides = array<i32>} : memref<2x128x128xf32, #tpu.memory_space<vmem>>, vector<16xf32>,
        %parallel_loop3A_166 = arith.constant 16 : i32
        %parallel_loop3A_167 = arith.muli %parallel_loop3A_101, %parallel_loop3A_166 : i32
        %parallel_loop3A_168 = arith.constant 4 : i32
        %parallel_loop3A_169 = arith.addi %parallel_loop3A_167, %parallel_loop3A_168 : i32
        %parallel_loop3A_170 = arith.index_cast %and3A_62 : i32 to index
        %parallel_loop3A_171 = arith.index_cast %parallel_loop3A_169 : i32 to index
        %parallel_loop3A_172 = arith.constant 0 : index
        %parallel_loop3A_173 = tpu.vector_load %arg8[%parallel_loop3A_170, %parallel_loop3A_171, %parallel_loop3A_172] {strides = array<i32>} : memref<2x128x128xf32, #tpu.memory_space<vmem>>, vector<16xf32>,
        %parallel_loop3A_174 = arith.constant 16 : i32
        %parallel_loop3A_175 = arith.muli %parallel_loop3A_101, %parallel_loop3A_174 : i32
        %parallel_loop3A_176 = arith.constant 5 : i32
        %parallel_loop3A_177 = arith.addi %parallel_loop3A_175, %parallel_loop3A_176 : i32
        %parallel_loop3A_178 = arith.index_cast %and3A_62 : i32 to index
        %parallel_loop3A_179 = arith.index_cast %parallel_loop3A_177 : i32 to index
        %parallel_loop3A_180 = arith.constant 0 : index
        %parallel_loop3A_181 = tpu.vector_load %arg8[%parallel_loop3A_178, %parallel_loop3A_179, %parallel_loop3A_180] {strides = array<i32>} : memref<2x128x128xf32, #tpu.memory_space<vmem>>, vector<16xf32>,
        %parallel_loop3A_182 = arith.constant 16 : i32
        %parallel_loop3A_183 = arith.muli %parallel_loop3A_101, %parallel_loop3A_182 : i32
        %parallel_loop3A_184 = arith.constant 6 : i32
        %parallel_loop3A_185 = arith.addi %parallel_loop3A_183, %parallel_loop3A_184 : i32
        %parallel_loop3A_186 = arith.index_cast %and3A_62 : i32 to index
        %parallel_loop3A_187 = arith.index_cast %parallel_loop3A_185 : i32 to index
        %parallel_loop3A_188 = arith.constant 0 : index
        %parallel_loop3A_189 = tpu.vector_load %arg8[%parallel_loop3A_186, %parallel_loop3A_187, %parallel_loop3A_188] {strides = array<i32>} : memref<2x128x128xf32, #tpu.memory_space<vmem>>, vector<16xf32>,
        %parallel_loop3A_190 = arith.constant 16 : i32
        %parallel_loop3A_191 = arith.muli %parallel_loop3A_101, %parallel_loop3A_190 : i32
        %parallel_loop3A_192 = arith.constant 7 : i32
        %parallel_loop3A_193 = arith.addi %parallel_loop3A_191, %parallel_loop3A_192 : i32
        %parallel_loop3A_194 = arith.index_cast %and3A_62 : i32 to index
        %parallel_loop3A_195 = arith.index_cast %parallel_loop3A_193 : i32 to index
        %parallel_loop3A_196 = arith.constant 0 : index
        %parallel_loop3A_197 = tpu.vector_load %arg8[%parallel_loop3A_194, %parallel_loop3A_195, %parallel_loop3A_196] {strides = array<i32>} : memref<2x128x128xf32, #tpu.memory_space<vmem>>, vector<16xf32>,
        %parallel_loop3A_198 = arith.constant 16 : i32
        %parallel_loop3A_199 = arith.muli %parallel_loop3A_101, %parallel_loop3A_198 : i32
        %parallel_loop3A_200 = arith.constant 8 : i32
        %parallel_loop3A_201 = arith.addi %parallel_loop3A_199, %parallel_loop3A_200 : i32
        %parallel_loop3A_202 = arith.index_cast %and3A_62 : i32 to index
        %parallel_loop3A_203 = arith.index_cast %parallel_loop3A_201 : i32 to index
        %parallel_loop3A_204 = arith.constant 0 : index
        %parallel_loop3A_205 = tpu.vector_load %arg8[%parallel_loop3A_202, %parallel_loop3A_203, %parallel_loop3A_204] {strides = array<i32>} : memref<2x128x128xf32, #tpu.memory_space<vmem>>, vector<16xf32>,
        %parallel_loop3A_206 = arith.constant 16 : i32
        %parallel_loop3A_207 = arith.muli %parallel_loop3A_101, %parallel_loop3A_206 : i32
        %parallel_loop3A_208 = arith.constant 9 : i32
        %parallel_loop3A_209 = arith.addi %parallel_loop3A_207, %parallel_loop3A_208 : i32
        %parallel_loop3A_210 = arith.index_cast %and3A_62 : i32 to index
        %parallel_loop3A_211 = arith.index_cast %parallel_loop3A_209 : i32 to index
        %parallel_loop3A_212 = arith.constant 0 : index
        %parallel_loop3A_213 = tpu.vector_load %arg8[%parallel_loop3A_210, %parallel_loop3A_211, %parallel_loop3A_212] {strides = array<i32>} : memref<2x128x128xf32, #tpu.memory_space<vmem>>, vector<16xf32>,
        %parallel_loop3A_214 = arith.constant 16 : i32
        %parallel_loop3A_215 = arith.muli %parallel_loop3A_101, %parallel_loop3A_214 : i32
        %parallel_loop3A_216 = arith.constant 10 : i32
        %parallel_loop3A_217 = arith.addi %parallel_loop3A_215, %parallel_loop3A_216 : i32
        %parallel_loop3A_218 = arith.index_cast %and3A_62 : i32 to index
        %parallel_loop3A_219 = arith.index_cast %parallel_loop3A_217 : i32 to index
        %parallel_loop3A_220 = arith.constant 0 : index
        %parallel_loop3A_221 = tpu.vector_load %arg8[%parallel_loop3A_218, %parallel_loop3A_219, %parallel_loop3A_220] {strides = array<i32>} : memref<2x128x128xf32, #tpu.memory_space<vmem>>, vector<16xf32>,
        %parallel_loop3A_222 = arith.constant 16 : i32
        %parallel_loop3A_223 = arith.muli %parallel_loop3A_101, %parallel_loop3A_222 : i32
        %parallel_loop3A_224 = arith.constant 11 : i32
        %parallel_loop3A_225 = arith.addi %parallel_loop3A_223, %parallel_loop3A_224 : i32
        %parallel_loop3A_226 = arith.index_cast %and3A_62 : i32 to index
        %parallel_loop3A_227 = arith.index_cast %parallel_loop3A_225 : i32 to index
        %parallel_loop3A_228 = arith.constant 0 : index
        %parallel_loop3A_229 = tpu.vector_load %arg8[%parallel_loop3A_226, %parallel_loop3A_227, %parallel_loop3A_228] {strides = array<i32>} : memref<2x128x128xf32, #tpu.memory_space<vmem>>, vector<16xf32>,
        %parallel_loop3A_230 = arith.constant 16 : i32
        %parallel_loop3A_231 = arith.muli %parallel_loop3A_101, %parallel_loop3A_230 : i32
        %parallel_loop3A_232 = arith.constant 12 : i32
        %parallel_loop3A_233 = arith.addi %parallel_loop3A_231, %parallel_loop3A_232 : i32
        %parallel_loop3A_234 = arith.index_cast %and3A_62 : i32 to index
        %parallel_loop3A_235 = arith.index_cast %parallel_loop3A_233 : i32 to index
        %parallel_loop3A_236 = arith.constant 0 : index
        %parallel_loop3A_237 = tpu.vector_load %arg8[%parallel_loop3A_234, %parallel_loop3A_235, %parallel_loop3A_236] {strides = array<i32>} : memref<2x128x128xf32, #tpu.memory_space<vmem>>, vector<16xf32>,
        %parallel_loop3A_238 = arith.constant 16 : i32
        %parallel_loop3A_239 = arith.muli %parallel_loop3A_101, %parallel_loop3A_238 : i32
        %parallel_loop3A_240 = arith.constant 13 : i32
        %parallel_loop3A_241 = arith.addi %parallel_loop3A_239, %parallel_loop3A_240 : i32
        %parallel_loop3A_242 = arith.index_cast %and3A_62 : i32 to index
        %parallel_loop3A_243 = arith.index_cast %parallel_loop3A_241 : i32 to index
        %parallel_loop3A_244 = arith.constant 0 : index
        %parallel_loop3A_245 = tpu.vector_load %arg8[%parallel_loop3A_242, %parallel_loop3A_243, %parallel_loop3A_244] {strides = array<i32>} : memref<2x128x128xf32, #tpu.memory_space<vmem>>, vector<16xf32>,
        %parallel_loop3A_246 = arith.constant 16 : i32
        %parallel_loop3A_247 = arith.muli %parallel_loop3A_101, %parallel_loop3A_246 : i32
        %parallel_loop3A_248 = arith.constant 14 : i32
        %parallel_loop3A_249 = arith.addi %parallel_loop3A_247, %parallel_loop3A_248 : i32
        %parallel_loop3A_250 = arith.index_cast %and3A_62 : i32 to index
        %parallel_loop3A_251 = arith.index_cast %parallel_loop3A_249 : i32 to index
        %parallel_loop3A_252 = arith.constant 0 : index
        %parallel_loop3A_253 = tpu.vector_load %arg8[%parallel_loop3A_250, %parallel_loop3A_251, %parallel_loop3A_252] {strides = array<i32>} : memref<2x128x128xf32, #tpu.memory_space<vmem>>, vector<16xf32>,
        %parallel_loop3A_254 = arith.constant 16 : i32
        %parallel_loop3A_255 = arith.muli %parallel_loop3A_101, %parallel_loop3A_254 : i32
        %parallel_loop3A_256 = arith.constant 15 : i32
        %parallel_loop3A_257 = arith.addi %parallel_loop3A_255, %parallel_loop3A_256 : i32
        %parallel_loop3A_258 = arith.index_cast %and3A_62 : i32 to index
        %parallel_loop3A_259 = arith.index_cast %parallel_loop3A_257 : i32 to index
        %parallel_loop3A_260 = arith.constant 0 : index
        %parallel_loop3A_261 = tpu.vector_load %arg8[%parallel_loop3A_258, %parallel_loop3A_259, %parallel_loop3A_260] {strides = array<i32>} : memref<2x128x128xf32, #tpu.memory_space<vmem>>, vector<16xf32>,
        %parallel_loop3A_262 = arith.constant 16 : i32
        %parallel_loop3A_263 = arith.muli %parallel_loop3A_101, %parallel_loop3A_262 : i32
        %parallel_loop3A_264 = arith.constant 0 : i32
        %parallel_loop3A_265 = arith.addi %parallel_loop3A_263, %parallel_loop3A_264 : i32
        %parallel_loop3A_266 = arith.index_cast %and3A_62 : i32 to index
        %parallel_loop3A_267 = arith.index_cast %parallel_loop3A_265 : i32 to index
        %parallel_loop3A_268 = arith.constant 0 : index
        %parallel_loop3A_269 = tpu.vector_load %arg9[%parallel_loop3A_266, %parallel_loop3A_267, %parallel_loop3A_268] {strides = array<i32>} : memref<2x128x128xf32, #tpu.memory_space<vmem>>, vector<16xf32>,
        %parallel_loop3A_270 = arith.constant 16 : i32
        %parallel_loop3A_271 = arith.muli %parallel_loop3A_101, %parallel_loop3A_270 : i32
        %parallel_loop3A_272 = arith.constant 1 : i32
        %parallel_loop3A_273 = arith.addi %parallel_loop3A_271, %parallel_loop3A_272 : i32
        %parallel_loop3A_274 = arith.index_cast %and3A_62 : i32 to index
        %parallel_loop3A_275 = arith.index_cast %parallel_loop3A_273 : i32 to index
        %parallel_loop3A_276 = arith.constant 0 : index
        %parallel_loop3A_277 = tpu.vector_load %arg9[%parallel_loop3A_274, %parallel_loop3A_275, %parallel_loop3A_276] {strides = array<i32>} : memref<2x128x128xf32, #tpu.memory_space<vmem>>, vector<16xf32>,
        %parallel_loop3A_278 = arith.constant 16 : i32
        %parallel_loop3A_279 = arith.muli %parallel_loop3A_101, %parallel_loop3A_278 : i32
        %parallel_loop3A_280 = arith.constant 2 : i32
        %parallel_loop3A_281 = arith.addi %parallel_loop3A_279, %parallel_loop3A_280 : i32
        %parallel_loop3A_282 = arith.index_cast %and3A_62 : i32 to index
        %parallel_loop3A_283 = arith.index_cast %parallel_loop3A_281 : i32 to index
        %parallel_loop3A_284 = arith.constant 0 : index
        %parallel_loop3A_285 = tpu.vector_load %arg9[%parallel_loop3A_282, %parallel_loop3A_283, %parallel_loop3A_284] {strides = array<i32>} : memref<2x128x128xf32, #tpu.memory_space<vmem>>, vector<16xf32>,
        %parallel_loop3A_286 = arith.constant 16 : i32
        %parallel_loop3A_287 = arith.muli %parallel_loop3A_101, %parallel_loop3A_286 : i32
        %parallel_loop3A_288 = arith.constant 3 : i32
        %parallel_loop3A_289 = arith.addi %parallel_loop3A_287, %parallel_loop3A_288 : i32
        %parallel_loop3A_290 = arith.index_cast %and3A_62 : i32 to index
        %parallel_loop3A_291 = arith.index_cast %parallel_loop3A_289 : i32 to index
        %parallel_loop3A_292 = arith.constant 0 : index
        %parallel_loop3A_293 = tpu.vector_load %arg9[%parallel_loop3A_290, %parallel_loop3A_291, %parallel_loop3A_292] {strides = array<i32>} : memref<2x128x128xf32, #tpu.memory_space<vmem>>, vector<16xf32>,
        %parallel_loop3A_294 = arith.constant 16 : i32
        %parallel_loop3A_295 = arith.muli %parallel_loop3A_101, %parallel_loop3A_294 : i32
        %parallel_loop3A_296 = arith.constant 4 : i32
        %parallel_loop3A_297 = arith.addi %parallel_loop3A_295, %parallel_loop3A_296 : i32
        %parallel_loop3A_298 = arith.index_cast %and3A_62 : i32 to index
        %parallel_loop3A_299 = arith.index_cast %parallel_loop3A_297 : i32 to index
        %parallel_loop3A_300 = arith.constant 0 : index
        %parallel_loop3A_301 = tpu.vector_load %arg9[%parallel_loop3A_298, %parallel_loop3A_299, %parallel_loop3A_300] {strides = array<i32>} : memref<2x128x128xf32, #tpu.memory_space<vmem>>, vector<16xf32>,
        %parallel_loop3A_302 = arith.constant 16 : i32
        %parallel_loop3A_303 = arith.muli %parallel_loop3A_101, %parallel_loop3A_302 : i32
        %parallel_loop3A_304 = arith.constant 5 : i32
        %parallel_loop3A_305 = arith.addi %parallel_loop3A_303, %parallel_loop3A_304 : i32
        %parallel_loop3A_306 = arith.index_cast %and3A_62 : i32 to index
        %parallel_loop3A_307 = arith.index_cast %parallel_loop3A_305 : i32 to index
        %parallel_loop3A_308 = arith.constant 0 : index
        %parallel_loop3A_309 = tpu.vector_load %arg9[%parallel_loop3A_306, %parallel_loop3A_307, %parallel_loop3A_308] {strides = array<i32>} : memref<2x128x128xf32, #tpu.memory_space<vmem>>, vector<16xf32>,
        %parallel_loop3A_310 = arith.constant 16 : i32
        %parallel_loop3A_311 = arith.muli %parallel_loop3A_101, %parallel_loop3A_310 : i32
        %parallel_loop3A_312 = arith.constant 6 : i32
        %parallel_loop3A_313 = arith.addi %parallel_loop3A_311, %parallel_loop3A_312 : i32
        %parallel_loop3A_314 = arith.index_cast %and3A_62 : i32 to index
        %parallel_loop3A_315 = arith.index_cast %parallel_loop3A_313 : i32 to index
        %parallel_loop3A_316 = arith.constant 0 : index
        %parallel_loop3A_317 = tpu.vector_load %arg9[%parallel_loop3A_314, %parallel_loop3A_315, %parallel_loop3A_316] {strides = array<i32>} : memref<2x128x128xf32, #tpu.memory_space<vmem>>, vector<16xf32>,
        %parallel_loop3A_318 = arith.constant 16 : i32
        %parallel_loop3A_319 = arith.muli %parallel_loop3A_101, %parallel_loop3A_318 : i32
        %parallel_loop3A_320 = arith.constant 7 : i32
        %parallel_loop3A_321 = arith.addi %parallel_loop3A_319, %parallel_loop3A_320 : i32
        %parallel_loop3A_322 = arith.index_cast %and3A_62 : i32 to index
        %parallel_loop3A_323 = arith.index_cast %parallel_loop3A_321 : i32 to index
        %parallel_loop3A_324 = arith.constant 0 : index
        %parallel_loop3A_325 = tpu.vector_load %arg9[%parallel_loop3A_322, %parallel_loop3A_323, %parallel_loop3A_324] {strides = array<i32>} : memref<2x128x128xf32, #tpu.memory_space<vmem>>, vector<16xf32>,
        %parallel_loop3A_326 = arith.constant 16 : i32
        %parallel_loop3A_327 = arith.muli %parallel_loop3A_101, %parallel_loop3A_326 : i32
        %parallel_loop3A_328 = arith.constant 8 : i32
        %parallel_loop3A_329 = arith.addi %parallel_loop3A_327, %parallel_loop3A_328 : i32
        %parallel_loop3A_330 = arith.index_cast %and3A_62 : i32 to index
        %parallel_loop3A_331 = arith.index_cast %parallel_loop3A_329 : i32 to index
        %parallel_loop3A_332 = arith.constant 0 : index
        %parallel_loop3A_333 = tpu.vector_load %arg9[%parallel_loop3A_330, %parallel_loop3A_331, %parallel_loop3A_332] {strides = array<i32>} : memref<2x128x128xf32, #tpu.memory_space<vmem>>, vector<16xf32>,
        %parallel_loop3A_334 = arith.constant 16 : i32
        %parallel_loop3A_335 = arith.muli %parallel_loop3A_101, %parallel_loop3A_334 : i32
        %parallel_loop3A_336 = arith.constant 9 : i32
        %parallel_loop3A_337 = arith.addi %parallel_loop3A_335, %parallel_loop3A_336 : i32
        %parallel_loop3A_338 = arith.index_cast %and3A_62 : i32 to index
        %parallel_loop3A_339 = arith.index_cast %parallel_loop3A_337 : i32 to index
        %parallel_loop3A_340 = arith.constant 0 : index
        %parallel_loop3A_341 = tpu.vector_load %arg9[%parallel_loop3A_338, %parallel_loop3A_339, %parallel_loop3A_340] {strides = array<i32>} : memref<2x128x128xf32, #tpu.memory_space<vmem>>, vector<16xf32>,
        %parallel_loop3A_342 = arith.constant 16 : i32
        %parallel_loop3A_343 = arith.muli %parallel_loop3A_101, %parallel_loop3A_342 : i32
        %parallel_loop3A_344 = arith.constant 10 : i32
        %parallel_loop3A_345 = arith.addi %parallel_loop3A_343, %parallel_loop3A_344 : i32
        %parallel_loop3A_346 = arith.index_cast %and3A_62 : i32 to index
        %parallel_loop3A_347 = arith.index_cast %parallel_loop3A_345 : i32 to index
        %parallel_loop3A_348 = arith.constant 0 : index
        %parallel_loop3A_349 = tpu.vector_load %arg9[%parallel_loop3A_346, %parallel_loop3A_347, %parallel_loop3A_348] {strides = array<i32>} : memref<2x128x128xf32, #tpu.memory_space<vmem>>, vector<16xf32>,
        %parallel_loop3A_350 = arith.constant 16 : i32
        %parallel_loop3A_351 = arith.muli %parallel_loop3A_101, %parallel_loop3A_350 : i32
        %parallel_loop3A_352 = arith.constant 11 : i32
        %parallel_loop3A_353 = arith.addi %parallel_loop3A_351, %parallel_loop3A_352 : i32
        %parallel_loop3A_354 = arith.index_cast %and3A_62 : i32 to index
        %parallel_loop3A_355 = arith.index_cast %parallel_loop3A_353 : i32 to index
        %parallel_loop3A_356 = arith.constant 0 : index
        %parallel_loop3A_357 = tpu.vector_load %arg9[%parallel_loop3A_354, %parallel_loop3A_355, %parallel_loop3A_356] {strides = array<i32>} : memref<2x128x128xf32, #tpu.memory_space<vmem>>, vector<16xf32>,
        %parallel_loop3A_358 = arith.constant 16 : i32
        %parallel_loop3A_359 = arith.muli %parallel_loop3A_101, %parallel_loop3A_358 : i32
        %parallel_loop3A_360 = arith.constant 12 : i32
        %parallel_loop3A_361 = arith.addi %parallel_loop3A_359, %parallel_loop3A_360 : i32
        %parallel_loop3A_362 = arith.index_cast %and3A_62 : i32 to index
        %parallel_loop3A_363 = arith.index_cast %parallel_loop3A_361 : i32 to index
        %parallel_loop3A_364 = arith.constant 0 : index
        %parallel_loop3A_365 = tpu.vector_load %arg9[%parallel_loop3A_362, %parallel_loop3A_363, %parallel_loop3A_364] {strides = array<i32>} : memref<2x128x128xf32, #tpu.memory_space<vmem>>, vector<16xf32>,
        %parallel_loop3A_366 = arith.constant 16 : i32
        %parallel_loop3A_367 = arith.muli %parallel_loop3A_101, %parallel_loop3A_366 : i32
        %parallel_loop3A_368 = arith.constant 13 : i32
        %parallel_loop3A_369 = arith.addi %parallel_loop3A_367, %parallel_loop3A_368 : i32
        %parallel_loop3A_370 = arith.index_cast %and3A_62 : i32 to index
        %parallel_loop3A_371 = arith.index_cast %parallel_loop3A_369 : i32 to index
        %parallel_loop3A_372 = arith.constant 0 : index
        %parallel_loop3A_373 = tpu.vector_load %arg9[%parallel_loop3A_370, %parallel_loop3A_371, %parallel_loop3A_372] {strides = array<i32>} : memref<2x128x128xf32, #tpu.memory_space<vmem>>, vector<16xf32>,
        %parallel_loop3A_374 = arith.constant 16 : i32
        %parallel_loop3A_375 = arith.muli %parallel_loop3A_101, %parallel_loop3A_374 : i32
        %parallel_loop3A_376 = arith.constant 14 : i32
        %parallel_loop3A_377 = arith.addi %parallel_loop3A_375, %parallel_loop3A_376 : i32
        %parallel_loop3A_378 = arith.index_cast %and3A_62 : i32 to index
        %parallel_loop3A_379 = arith.index_cast %parallel_loop3A_377 : i32 to index
        %parallel_loop3A_380 = arith.constant 0 : index
        %parallel_loop3A_381 = tpu.vector_load %arg9[%parallel_loop3A_378, %parallel_loop3A_379, %parallel_loop3A_380] {strides = array<i32>} : memref<2x128x128xf32, #tpu.memory_space<vmem>>, vector<16xf32>,
        %parallel_loop3A_382 = arith.constant 16 : i32
        %parallel_loop3A_383 = arith.muli %parallel_loop3A_101, %parallel_loop3A_382 : i32
        %parallel_loop3A_384 = arith.constant 15 : i32
        %parallel_loop3A_385 = arith.addi %parallel_loop3A_383, %parallel_loop3A_384 : i32
        %parallel_loop3A_386 = arith.index_cast %and3A_62 : i32 to index
        %parallel_loop3A_387 = arith.index_cast %parallel_loop3A_385 : i32 to index
        %parallel_loop3A_388 = arith.constant 0 : index
        %parallel_loop3A_389 = tpu.vector_load %arg9[%parallel_loop3A_386, %parallel_loop3A_387, %parallel_loop3A_388] {strides = array<i32>} : memref<2x128x128xf32, #tpu.memory_space<vmem>>, vector<16xf32>,
        %parallel_loop3A_390 = arith.subf %parallel_loop3A_141, %parallel_loop3A_269 : vector<16xf32>
        %parallel_loop3A_391 = arith.addf %parallel_loop3A_390, %get3A_1 : vector<16xf32>
        %parallel_loop3A_392 = arith.mulf %parallel_loop3A_391, %parallel_loop3A_391 : vector<16xf32>
        %parallel_loop3A_393 = arith.addf %parallel_loop3A_103, %parallel_loop3A_392 : vector<16xf32>
        %parallel_loop3A_394 = arith.subf %parallel_loop3A_149, %parallel_loop3A_277 : vector<16xf32>
        %parallel_loop3A_395 = arith.addf %parallel_loop3A_394, %get3A_1 : vector<16xf32>
        %parallel_loop3A_396 = arith.mulf %parallel_loop3A_395, %parallel_loop3A_395 : vector<16xf32>
        %parallel_loop3A_397 = arith.addf %parallel_loop3A_105, %parallel_loop3A_396 : vector<16xf32>
        %parallel_loop3A_398 = arith.subf %parallel_loop3A_157, %parallel_loop3A_285 : vector<16xf32>
        %parallel_loop3A_399 = arith.addf %parallel_loop3A_398, %get3A_1 : vector<16xf32>
        %parallel_loop3A_400 = arith.mulf %parallel_loop3A_399, %parallel_loop3A_399 : vector<16xf32>
        %parallel_loop3A_401 = arith.addf %parallel_loop3A_107, %parallel_loop3A_400 : vector<16xf32>
        %parallel_loop3A_402 = arith.subf %parallel_loop3A_165, %parallel_loop3A_293 : vector<16xf32>
        %parallel_loop3A_403 = arith.addf %parallel_loop3A_402, %get3A_1 : vector<16xf32>
        %parallel_loop3A_404 = arith.mulf %parallel_loop3A_403, %parallel_loop3A_403 : vector<16xf32>
        %parallel_loop3A_405 = arith.addf %parallel_loop3A_109, %parallel_loop3A_404 : vector<16xf32>
        %parallel_loop3A_406 = arith.subf %parallel_loop3A_173, %parallel_loop3A_301 : vector<16xf32>
        %parallel_loop3A_407 = arith.addf %parallel_loop3A_406, %get3A_1 : vector<16xf32>
        %parallel_loop3A_408 = arith.mulf %parallel_loop3A_407, %parallel_loop3A_407 : vector<16xf32>
        %parallel_loop3A_409 = arith.addf %parallel_loop3A_111, %parallel_loop3A_408 : vector<16xf32>
        %parallel_loop3A_410 = arith.subf %parallel_loop3A_181, %parallel_loop3A_309 : vector<16xf32>
        %parallel_loop3A_411 = arith.addf %parallel_loop3A_410, %get3A_1 : vector<16xf32>
        %parallel_loop3A_412 = arith.mulf %parallel_loop3A_411, %parallel_loop3A_411 : vector<16xf32>
        %parallel_loop3A_413 = arith.addf %parallel_loop3A_113, %parallel_loop3A_412 : vector<16xf32>
        %parallel_loop3A_414 = arith.subf %parallel_loop3A_189, %parallel_loop3A_317 : vector<16xf32>
        %parallel_loop3A_415 = arith.addf %parallel_loop3A_414, %get3A_1 : vector<16xf32>
        %parallel_loop3A_416 = arith.mulf %parallel_loop3A_415, %parallel_loop3A_415 : vector<16xf32>
        %parallel_loop3A_417 = arith.addf %parallel_loop3A_115, %parallel_loop3A_416 : vector<16xf32>
        %parallel_loop3A_418 = arith.subf %parallel_loop3A_197, %parallel_loop3A_325 : vector<16xf32>
        %parallel_loop3A_419 = arith.addf %parallel_loop3A_418, %get3A_1 : vector<16xf32>
        %parallel_loop3A_420 = arith.mulf %parallel_loop3A_419, %parallel_loop3A_419 : vector<16xf32>
        %parallel_loop3A_421 = arith.addf %parallel_loop3A_117, %parallel_loop3A_420 : vector<16xf32>
        %parallel_loop3A_422 = arith.subf %parallel_loop3A_205, %parallel_loop3A_333 : vector<16xf32>
        %parallel_loop3A_423 = arith.addf %parallel_loop3A_422, %get3A_1 : vector<16xf32>
        %parallel_loop3A_424 = arith.mulf %parallel_loop3A_423, %parallel_loop3A_423 : vector<16xf32>
        %parallel_loop3A_425 = arith.addf %parallel_loop3A_119, %parallel_loop3A_424 : vector<16xf32>
        %parallel_loop3A_426 = arith.subf %parallel_loop3A_213, %parallel_loop3A_341 : vector<16xf32>
        %parallel_loop3A_427 = arith.addf %parallel_loop3A_426, %get3A_1 : vector<16xf32>
        %parallel_loop3A_428 = arith.mulf %parallel_loop3A_427, %parallel_loop3A_427 : vector<16xf32>
        %parallel_loop3A_429 = arith.addf %parallel_loop3A_121, %parallel_loop3A_428 : vector<16xf32>
        %parallel_loop3A_430 = arith.subf %parallel_loop3A_221, %parallel_loop3A_349 : vector<16xf32>
        %parallel_loop3A_431 = arith.addf %parallel_loop3A_430, %get3A_1 : vector<16xf32>
        %parallel_loop3A_432 = arith.mulf %parallel_loop3A_431, %parallel_loop3A_431 : vector<16xf32>
        %parallel_loop3A_433 = arith.addf %parallel_loop3A_123, %parallel_loop3A_432 : vector<16xf32>
        %parallel_loop3A_434 = arith.subf %parallel_loop3A_229, %parallel_loop3A_357 : vector<16xf32>
        %parallel_loop3A_435 = arith.addf %parallel_loop3A_434, %get3A_1 : vector<16xf32>
        %parallel_loop3A_436 = arith.mulf %parallel_loop3A_435, %parallel_loop3A_435 : vector<16xf32>
        %parallel_loop3A_437 = arith.addf %parallel_loop3A_125, %parallel_loop3A_436 : vector<16xf32>
        %parallel_loop3A_438 = arith.subf %parallel_loop3A_237, %parallel_loop3A_365 : vector<16xf32>
        %parallel_loop3A_439 = arith.addf %parallel_loop3A_438, %get3A_1 : vector<16xf32>
        %parallel_loop3A_440 = arith.mulf %parallel_loop3A_439, %parallel_loop3A_439 : vector<16xf32>
        %parallel_loop3A_441 = arith.addf %parallel_loop3A_127, %parallel_loop3A_440 : vector<16xf32>
        %parallel_loop3A_442 = arith.subf %parallel_loop3A_245, %parallel_loop3A_373 : vector<16xf32>
        %parallel_loop3A_443 = arith.addf %parallel_loop3A_442, %get3A_1 : vector<16xf32>
        %parallel_loop3A_444 = arith.mulf %parallel_loop3A_443, %parallel_loop3A_443 : vector<16xf32>
        %parallel_loop3A_445 = arith.addf %parallel_loop3A_129, %parallel_loop3A_444 : vector<16xf32>
        %parallel_loop3A_446 = arith.subf %parallel_loop3A_253, %parallel_loop3A_381 : vector<16xf32>
        %parallel_loop3A_447 = arith.addf %parallel_loop3A_446, %get3A_1 : vector<16xf32>
        %parallel_loop3A_448 = arith.mulf %parallel_loop3A_447, %parallel_loop3A_447 : vector<16xf32>
        %parallel_loop3A_449 = arith.addf %parallel_loop3A_131, %parallel_loop3A_448 : vector<16xf32>
        %parallel_loop3A_450 = arith.subf %parallel_loop3A_261, %parallel_loop3A_389 : vector<16xf32>
        %parallel_loop3A_451 = arith.addf %parallel_loop3A_450, %get3A_1 : vector<16xf32>
        %parallel_loop3A_452 = arith.mulf %parallel_loop3A_451, %parallel_loop3A_451 : vector<16xf32>
        %parallel_loop3A_453 = arith.addf %parallel_loop3A_133, %parallel_loop3A_452 : vector<16xf32>
        %parallel_loop3A_454 = arith.constant 16 : i32
        %parallel_loop3A_455 = arith.muli %parallel_loop3A_101, %parallel_loop3A_454 : i32
        %parallel_loop3A_456 = arith.constant 0 : i32
        %parallel_loop3A_457 = arith.addi %parallel_loop3A_455, %parallel_loop3A_456 : i32
        %parallel_loop3A_458 = arith.index_cast %and3A_62 : i32 to index
        %parallel_loop3A_459 = arith.index_cast %parallel_loop3A_457 : i32 to index
        %parallel_loop3A_460 = arith.constant 16 : index
        %parallel_loop3A_461 = tpu.vector_load %arg8[%parallel_loop3A_458, %parallel_loop3A_459, %parallel_loop3A_460] {strides = array<i32>} : memref<2x128x128xf32, #tpu.memory_space<vmem>>, vector<16xf32>,
        %parallel_loop3A_462 = arith.constant 16 : i32
        %parallel_loop3A_463 = arith.muli %parallel_loop3A_101, %parallel_loop3A_462 : i32
        %parallel_loop3A_464 = arith.constant 1 : i32
        %parallel_loop3A_465 = arith.addi %parallel_loop3A_463, %parallel_loop3A_464 : i32
        %parallel_loop3A_466 = arith.index_cast %and3A_62 : i32 to index
        %parallel_loop3A_467 = arith.index_cast %parallel_loop3A_465 : i32 to index
        %parallel_loop3A_468 = arith.constant 16 : index
        %parallel_loop3A_469 = tpu.vector_load %arg8[%parallel_loop3A_466, %parallel_loop3A_467, %parallel_loop3A_468] {strides = array<i32>} : memref<2x128x128xf32, #tpu.memory_space<vmem>>, vector<16xf32>,
        %parallel_loop3A_470 = arith.constant 16 : i32
        %parallel_loop3A_471 = arith.muli %parallel_loop3A_101, %parallel_loop3A_470 : i32
        %parallel_loop3A_472 = arith.constant 2 : i32
        %parallel_loop3A_473 = arith.addi %parallel_loop3A_471, %parallel_loop3A_472 : i32
        %parallel_loop3A_474 = arith.index_cast %and3A_62 : i32 to index
        %parallel_loop3A_475 = arith.index_cast %parallel_loop3A_473 : i32 to index
        %parallel_loop3A_476 = arith.constant 16 : index
        %parallel_loop3A_477 = tpu.vector_load %arg8[%parallel_loop3A_474, %parallel_loop3A_475, %parallel_loop3A_476] {strides = array<i32>} : memref<2x128x128xf32, #tpu.memory_space<vmem>>, vector<16xf32>,
        %parallel_loop3A_478 = arith.constant 16 : i32
        %parallel_loop3A_479 = arith.muli %parallel_loop3A_101, %parallel_loop3A_478 : i32
        %parallel_loop3A_480 = arith.constant 3 : i32
        %parallel_loop3A_481 = arith.addi %parallel_loop3A_479, %parallel_loop3A_480 : i32
        %parallel_loop3A_482 = arith.index_cast %and3A_62 : i32 to index
        %parallel_loop3A_483 = arith.index_cast %parallel_loop3A_481 : i32 to index
        %parallel_loop3A_484 = arith.constant 16 : index
        %parallel_loop3A_485 = tpu.vector_load %arg8[%parallel_loop3A_482, %parallel_loop3A_483, %parallel_loop3A_484] {strides = array<i32>} : memref<2x128x128xf32, #tpu.memory_space<vmem>>, vector<16xf32>,
        %parallel_loop3A_486 = arith.constant 16 : i32
        %parallel_loop3A_487 = arith.muli %parallel_loop3A_101, %parallel_loop3A_486 : i32
        %parallel_loop3A_488 = arith.constant 4 : i32
        %parallel_loop3A_489 = arith.addi %parallel_loop3A_487, %parallel_loop3A_488 : i32
        %parallel_loop3A_490 = arith.index_cast %and3A_62 : i32 to index
        %parallel_loop3A_491 = arith.index_cast %parallel_loop3A_489 : i32 to index
        %parallel_loop3A_492 = arith.constant 16 : index
        %parallel_loop3A_493 = tpu.vector_load %arg8[%parallel_loop3A_490, %parallel_loop3A_491, %parallel_loop3A_492] {strides = array<i32>} : memref<2x128x128xf32, #tpu.memory_space<vmem>>, vector<16xf32>,
        %parallel_loop3A_494 = arith.constant 16 : i32
        %parallel_loop3A_495 = arith.muli %parallel_loop3A_101, %parallel_loop3A_494 : i32
        %parallel_loop3A_496 = arith.constant 5 : i32
        %parallel_loop3A_497 = arith.addi %parallel_loop3A_495, %parallel_loop3A_496 : i32
        %parallel_loop3A_498 = arith.index_cast %and3A_62 : i32 to index
        %parallel_loop3A_499 = arith.index_cast %parallel_loop3A_497 : i32 to index
        %parallel_loop3A_500 = arith.constant 16 : index
        %parallel_loop3A_501 = tpu.vector_load %arg8[%parallel_loop3A_498, %parallel_loop3A_499, %parallel_loop3A_500] {strides = array<i32>} : memref<2x128x128xf32, #tpu.memory_space<vmem>>, vector<16xf32>,
        %parallel_loop3A_502 = arith.constant 16 : i32
        %parallel_loop3A_503 = arith.muli %parallel_loop3A_101, %parallel_loop3A_502 : i32
        %parallel_loop3A_504 = arith.constant 6 : i32
        %parallel_loop3A_505 = arith.addi %parallel_loop3A_503, %parallel_loop3A_504 : i32
        %parallel_loop3A_506 = arith.index_cast %and3A_62 : i32 to index
        %parallel_loop3A_507 = arith.index_cast %parallel_loop3A_505 : i32 to index
        %parallel_loop3A_508 = arith.constant 16 : index
        %parallel_loop3A_509 = tpu.vector_load %arg8[%parallel_loop3A_506, %parallel_loop3A_507, %parallel_loop3A_508] {strides = array<i32>} : memref<2x128x128xf32, #tpu.memory_space<vmem>>, vector<16xf32>,
        %parallel_loop3A_510 = arith.constant 16 : i32
        %parallel_loop3A_511 = arith.muli %parallel_loop3A_101, %parallel_loop3A_510 : i32
        %parallel_loop3A_512 = arith.constant 7 : i32
        %parallel_loop3A_513 = arith.addi %parallel_loop3A_511, %parallel_loop3A_512 : i32
        %parallel_loop3A_514 = arith.index_cast %and3A_62 : i32 to index
        %parallel_loop3A_515 = arith.index_cast %parallel_loop3A_513 : i32 to index
        %parallel_loop3A_516 = arith.constant 16 : index
        %parallel_loop3A_517 = tpu.vector_load %arg8[%parallel_loop3A_514, %parallel_loop3A_515, %parallel_loop3A_516] {strides = array<i32>} : memref<2x128x128xf32, #tpu.memory_space<vmem>>, vector<16xf32>,
        %parallel_loop3A_518 = arith.constant 16 : i32
        %parallel_loop3A_519 = arith.muli %parallel_loop3A_101, %parallel_loop3A_518 : i32
        %parallel_loop3A_520 = arith.constant 8 : i32
        %parallel_loop3A_521 = arith.addi %parallel_loop3A_519, %parallel_loop3A_520 : i32
        %parallel_loop3A_522 = arith.index_cast %and3A_62 : i32 to index
        %parallel_loop3A_523 = arith.index_cast %parallel_loop3A_521 : i32 to index
        %parallel_loop3A_524 = arith.constant 16 : index
        %parallel_loop3A_525 = tpu.vector_load %arg8[%parallel_loop3A_522, %parallel_loop3A_523, %parallel_loop3A_524] {strides = array<i32>} : memref<2x128x128xf32, #tpu.memory_space<vmem>>, vector<16xf32>,
        %parallel_loop3A_526 = arith.constant 16 : i32
        %parallel_loop3A_527 = arith.muli %parallel_loop3A_101, %parallel_loop3A_526 : i32
        %parallel_loop3A_528 = arith.constant 9 : i32
        %parallel_loop3A_529 = arith.addi %parallel_loop3A_527, %parallel_loop3A_528 : i32
        %parallel_loop3A_530 = arith.index_cast %and3A_62 : i32 to index
        %parallel_loop3A_531 = arith.index_cast %parallel_loop3A_529 : i32 to index
        %parallel_loop3A_532 = arith.constant 16 : index
        %parallel_loop3A_533 = tpu.vector_load %arg8[%parallel_loop3A_530, %parallel_loop3A_531, %parallel_loop3A_532] {strides = array<i32>} : memref<2x128x128xf32, #tpu.memory_space<vmem>>, vector<16xf32>,
        %parallel_loop3A_534 = arith.constant 16 : i32
        %parallel_loop3A_535 = arith.muli %parallel_loop3A_101, %parallel_loop3A_534 : i32
        %parallel_loop3A_536 = arith.constant 10 : i32
        %parallel_loop3A_537 = arith.addi %parallel_loop3A_535, %parallel_loop3A_536 : i32
        %parallel_loop3A_538 = arith.index_cast %and3A_62 : i32 to index
        %parallel_loop3A_539 = arith.index_cast %parallel_loop3A_537 : i32 to index
        %parallel_loop3A_540 = arith.constant 16 : index
        %parallel_loop3A_541 = tpu.vector_load %arg8[%parallel_loop3A_538, %parallel_loop3A_539, %parallel_loop3A_540] {strides = array<i32>} : memref<2x128x128xf32, #tpu.memory_space<vmem>>, vector<16xf32>,
        %parallel_loop3A_542 = arith.constant 16 : i32
        %parallel_loop3A_543 = arith.muli %parallel_loop3A_101, %parallel_loop3A_542 : i32
        %parallel_loop3A_544 = arith.constant 11 : i32
        %parallel_loop3A_545 = arith.addi %parallel_loop3A_543, %parallel_loop3A_544 : i32
        %parallel_loop3A_546 = arith.index_cast %and3A_62 : i32 to index
        %parallel_loop3A_547 = arith.index_cast %parallel_loop3A_545 : i32 to index
        %parallel_loop3A_548 = arith.constant 16 : index
        %parallel_loop3A_549 = tpu.vector_load %arg8[%parallel_loop3A_546, %parallel_loop3A_547, %parallel_loop3A_548] {strides = array<i32>} : memref<2x128x128xf32, #tpu.memory_space<vmem>>, vector<16xf32>,
        %parallel_loop3A_550 = arith.constant 16 : i32
        %parallel_loop3A_551 = arith.muli %parallel_loop3A_101, %parallel_loop3A_550 : i32
        %parallel_loop3A_552 = arith.constant 12 : i32
        %parallel_loop3A_553 = arith.addi %parallel_loop3A_551, %parallel_loop3A_552 : i32
        %parallel_loop3A_554 = arith.index_cast %and3A_62 : i32 to index
        %parallel_loop3A_555 = arith.index_cast %parallel_loop3A_553 : i32 to index
        %parallel_loop3A_556 = arith.constant 16 : index
        %parallel_loop3A_557 = tpu.vector_load %arg8[%parallel_loop3A_554, %parallel_loop3A_555, %parallel_loop3A_556] {strides = array<i32>} : memref<2x128x128xf32, #tpu.memory_space<vmem>>, vector<16xf32>,
        %parallel_loop3A_558 = arith.constant 16 : i32
        %parallel_loop3A_559 = arith.muli %parallel_loop3A_101, %parallel_loop3A_558 : i32
        %parallel_loop3A_560 = arith.constant 13 : i32
        %parallel_loop3A_561 = arith.addi %parallel_loop3A_559, %parallel_loop3A_560 : i32
        %parallel_loop3A_562 = arith.index_cast %and3A_62 : i32 to index
        %parallel_loop3A_563 = arith.index_cast %parallel_loop3A_561 : i32 to index
        %parallel_loop3A_564 = arith.constant 16 : index
        %parallel_loop3A_565 = tpu.vector_load %arg8[%parallel_loop3A_562, %parallel_loop3A_563, %parallel_loop3A_564] {strides = array<i32>} : memref<2x128x128xf32, #tpu.memory_space<vmem>>, vector<16xf32>,
        %parallel_loop3A_566 = arith.constant 16 : i32
        %parallel_loop3A_567 = arith.muli %parallel_loop3A_101, %parallel_loop3A_566 : i32
        %parallel_loop3A_568 = arith.constant 14 : i32
        %parallel_loop3A_569 = arith.addi %parallel_loop3A_567, %parallel_loop3A_568 : i32
        %parallel_loop3A_570 = arith.index_cast %and3A_62 : i32 to index
        %parallel_loop3A_571 = arith.index_cast %parallel_loop3A_569 : i32 to index
        %parallel_loop3A_572 = arith.constant 16 : index
        %parallel_loop3A_573 = tpu.vector_load %arg8[%parallel_loop3A_570, %parallel_loop3A_571, %parallel_loop3A_572] {strides = array<i32>} : memref<2x128x128xf32, #tpu.memory_space<vmem>>, vector<16xf32>,
        %parallel_loop3A_574 = arith.constant 16 : i32
        %parallel_loop3A_575 = arith.muli %parallel_loop3A_101, %parallel_loop3A_574 : i32
        %parallel_loop3A_576 = arith.constant 15 : i32
        %parallel_loop3A_577 = arith.addi %parallel_loop3A_575, %parallel_loop3A_576 : i32
        %parallel_loop3A_578 = arith.index_cast %and3A_62 : i32 to index
        %parallel_loop3A_579 = arith.index_cast %parallel_loop3A_577 : i32 to index
        %parallel_loop3A_580 = arith.constant 16 : index
        %parallel_loop3A_581 = tpu.vector_load %arg8[%parallel_loop3A_578, %parallel_loop3A_579, %parallel_loop3A_580] {strides = array<i32>} : memref<2x128x128xf32, #tpu.memory_space<vmem>>, vector<16xf32>,
        %parallel_loop3A_582 = arith.constant 16 : i32
        %parallel_loop3A_583 = arith.muli %parallel_loop3A_101, %parallel_loop3A_582 : i32
        %parallel_loop3A_584 = arith.constant 0 : i32
        %parallel_loop3A_585 = arith.addi %parallel_loop3A_583, %parallel_loop3A_584 : i32
        %parallel_loop3A_586 = arith.index_cast %and3A_62 : i32 to index
        %parallel_loop3A_587 = arith.index_cast %parallel_loop3A_585 : i32 to index
        %parallel_loop3A_588 = arith.constant 16 : index
        %parallel_loop3A_589 = tpu.vector_load %arg9[%parallel_loop3A_586, %parallel_loop3A_587, %parallel_loop3A_588] {strides = array<i32>} : memref<2x128x128xf32, #tpu.memory_space<vmem>>, vector<16xf32>,
        %parallel_loop3A_590 = arith.constant 16 : i32
        %parallel_loop3A_591 = arith.muli %parallel_loop3A_101, %parallel_loop3A_590 : i32
        %parallel_loop3A_592 = arith.constant 1 : i32
        %parallel_loop3A_593 = arith.addi %parallel_loop3A_591, %parallel_loop3A_592 : i32
        %parallel_loop3A_594 = arith.index_cast %and3A_62 : i32 to index
        %parallel_loop3A_595 = arith.index_cast %parallel_loop3A_593 : i32 to index
        %parallel_loop3A_596 = arith.constant 16 : index
        %parallel_loop3A_597 = tpu.vector_load %arg9[%parallel_loop3A_594, %parallel_loop3A_595, %parallel_loop3A_596] {strides = array<i32>} : memref<2x128x128xf32, #tpu.memory_space<vmem>>, vector<16xf32>,
        %parallel_loop3A_598 = arith.constant 16 : i32
        %parallel_loop3A_599 = arith.muli %parallel_loop3A_101, %parallel_loop3A_598 : i32
        %parallel_loop3A_600 = arith.constant 2 : i32
        %parallel_loop3A_601 = arith.addi %parallel_loop3A_599, %parallel_loop3A_600 : i32
        %parallel_loop3A_602 = arith.index_cast %and3A_62 : i32 to index
        %parallel_loop3A_603 = arith.index_cast %parallel_loop3A_601 : i32 to index
        %parallel_loop3A_604 = arith.constant 16 : index
        %parallel_loop3A_605 = tpu.vector_load %arg9[%parallel_loop3A_602, %parallel_loop3A_603, %parallel_loop3A_604] {strides = array<i32>} : memref<2x128x128xf32, #tpu.memory_space<vmem>>, vector<16xf32>,
        %parallel_loop3A_606 = arith.constant 16 : i32
        %parallel_loop3A_607 = arith.muli %parallel_loop3A_101, %parallel_loop3A_606 : i32
        %parallel_loop3A_608 = arith.constant 3 : i32
        %parallel_loop3A_609 = arith.addi %parallel_loop3A_607, %parallel_loop3A_608 : i32
        %parallel_loop3A_610 = arith.index_cast %and3A_62 : i32 to index
        %parallel_loop3A_611 = arith.index_cast %parallel_loop3A_609 : i32 to index
        %parallel_loop3A_612 = arith.constant 16 : index
        %parallel_loop3A_613 = tpu.vector_load %arg9[%parallel_loop3A_610, %parallel_loop3A_611, %parallel_loop3A_612] {strides = array<i32>} : memref<2x128x128xf32, #tpu.memory_space<vmem>>, vector<16xf32>,
        %parallel_loop3A_614 = arith.constant 16 : i32
        %parallel_loop3A_615 = arith.muli %parallel_loop3A_101, %parallel_loop3A_614 : i32
        %parallel_loop3A_616 = arith.constant 4 : i32
        %parallel_loop3A_617 = arith.addi %parallel_loop3A_615, %parallel_loop3A_616 : i32
        %parallel_loop3A_618 = arith.index_cast %and3A_62 : i32 to index
        %parallel_loop3A_619 = arith.index_cast %parallel_loop3A_617 : i32 to index
        %parallel_loop3A_620 = arith.constant 16 : index
        %parallel_loop3A_621 = tpu.vector_load %arg9[%parallel_loop3A_618, %parallel_loop3A_619, %parallel_loop3A_620] {strides = array<i32>} : memref<2x128x128xf32, #tpu.memory_space<vmem>>, vector<16xf32>,
        %parallel_loop3A_622 = arith.constant 16 : i32
        %parallel_loop3A_623 = arith.muli %parallel_loop3A_101, %parallel_loop3A_622 : i32
        %parallel_loop3A_624 = arith.constant 5 : i32
        %parallel_loop3A_625 = arith.addi %parallel_loop3A_623, %parallel_loop3A_624 : i32
        %parallel_loop3A_626 = arith.index_cast %and3A_62 : i32 to index
        %parallel_loop3A_627 = arith.index_cast %parallel_loop3A_625 : i32 to index
        %parallel_loop3A_628 = arith.constant 16 : index
        %parallel_loop3A_629 = tpu.vector_load %arg9[%parallel_loop3A_626, %parallel_loop3A_627, %parallel_loop3A_628] {strides = array<i32>} : memref<2x128x128xf32, #tpu.memory_space<vmem>>, vector<16xf32>,
        %parallel_loop3A_630 = arith.constant 16 : i32
        %parallel_loop3A_631 = arith.muli %parallel_loop3A_101, %parallel_loop3A_630 : i32
        %parallel_loop3A_632 = arith.constant 6 : i32
        %parallel_loop3A_633 = arith.addi %parallel_loop3A_631, %parallel_loop3A_632 : i32
        %parallel_loop3A_634 = arith.index_cast %and3A_62 : i32 to index
        %parallel_loop3A_635 = arith.index_cast %parallel_loop3A_633 : i32 to index
        %parallel_loop3A_636 = arith.constant 16 : index
        %parallel_loop3A_637 = tpu.vector_load %arg9[%parallel_loop3A_634, %parallel_loop3A_635, %parallel_loop3A_636] {strides = array<i32>} : memref<2x128x128xf32, #tpu.memory_space<vmem>>, vector<16xf32>,
        %parallel_loop3A_638 = arith.constant 16 : i32
        %parallel_loop3A_639 = arith.muli %parallel_loop3A_101, %parallel_loop3A_638 : i32
        %parallel_loop3A_640 = arith.constant 7 : i32
        %parallel_loop3A_641 = arith.addi %parallel_loop3A_639, %parallel_loop3A_640 : i32
        %parallel_loop3A_642 = arith.index_cast %and3A_62 : i32 to index
        %parallel_loop3A_643 = arith.index_cast %parallel_loop3A_641 : i32 to index
        %parallel_loop3A_644 = arith.constant 16 : index
        %parallel_loop3A_645 = tpu.vector_load %arg9[%parallel_loop3A_642, %parallel_loop3A_643, %parallel_loop3A_644] {strides = array<i32>} : memref<2x128x128xf32, #tpu.memory_space<vmem>>, vector<16xf32>,
        %parallel_loop3A_646 = arith.constant 16 : i32
        %parallel_loop3A_647 = arith.muli %parallel_loop3A_101, %parallel_loop3A_646 : i32
        %parallel_loop3A_648 = arith.constant 8 : i32
        %parallel_loop3A_649 = arith.addi %parallel_loop3A_647, %parallel_loop3A_648 : i32
        %parallel_loop3A_650 = arith.index_cast %and3A_62 : i32 to index
        %parallel_loop3A_651 = arith.index_cast %parallel_loop3A_649 : i32 to index
        %parallel_loop3A_652 = arith.constant 16 : index
        %parallel_loop3A_653 = tpu.vector_load %arg9[%parallel_loop3A_650, %parallel_loop3A_651, %parallel_loop3A_652] {strides = array<i32>} : memref<2x128x128xf32, #tpu.memory_space<vmem>>, vector<16xf32>,
        %parallel_loop3A_654 = arith.constant 16 : i32
        %parallel_loop3A_655 = arith.muli %parallel_loop3A_101, %parallel_loop3A_654 : i32
        %parallel_loop3A_656 = arith.constant 9 : i32
        %parallel_loop3A_657 = arith.addi %parallel_loop3A_655, %parallel_loop3A_656 : i32
        %parallel_loop3A_658 = arith.index_cast %and3A_62 : i32 to index
        %parallel_loop3A_659 = arith.index_cast %parallel_loop3A_657 : i32 to index
        %parallel_loop3A_660 = arith.constant 16 : index
        %parallel_loop3A_661 = tpu.vector_load %arg9[%parallel_loop3A_658, %parallel_loop3A_659, %parallel_loop3A_660] {strides = array<i32>} : memref<2x128x128xf32, #tpu.memory_space<vmem>>, vector<16xf32>,
        %parallel_loop3A_662 = arith.constant 16 : i32
        %parallel_loop3A_663 = arith.muli %parallel_loop3A_101, %parallel_loop3A_662 : i32
        %parallel_loop3A_664 = arith.constant 10 : i32
        %parallel_loop3A_665 = arith.addi %parallel_loop3A_663, %parallel_loop3A_664 : i32
        %parallel_loop3A_666 = arith.index_cast %and3A_62 : i32 to index
        %parallel_loop3A_667 = arith.index_cast %parallel_loop3A_665 : i32 to index
        %parallel_loop3A_668 = arith.constant 16 : index
        %parallel_loop3A_669 = tpu.vector_load %arg9[%parallel_loop3A_666, %parallel_loop3A_667, %parallel_loop3A_668] {strides = array<i32>} : memref<2x128x128xf32, #tpu.memory_space<vmem>>, vector<16xf32>,
        %parallel_loop3A_670 = arith.constant 16 : i32
        %parallel_loop3A_671 = arith.muli %parallel_loop3A_101, %parallel_loop3A_670 : i32
        %parallel_loop3A_672 = arith.constant 11 : i32
        %parallel_loop3A_673 = arith.addi %parallel_loop3A_671, %parallel_loop3A_672 : i32
        %parallel_loop3A_674 = arith.index_cast %and3A_62 : i32 to index
        %parallel_loop3A_675 = arith.index_cast %parallel_loop3A_673 : i32 to index
        %parallel_loop3A_676 = arith.constant 16 : index
        %parallel_loop3A_677 = tpu.vector_load %arg9[%parallel_loop3A_674, %parallel_loop3A_675, %parallel_loop3A_676] {strides = array<i32>} : memref<2x128x128xf32, #tpu.memory_space<vmem>>, vector<16xf32>,
        %parallel_loop3A_678 = arith.constant 16 : i32
        %parallel_loop3A_679 = arith.muli %parallel_loop3A_101, %parallel_loop3A_678 : i32
        %parallel_loop3A_680 = arith.constant 12 : i32
        %parallel_loop3A_681 = arith.addi %parallel_loop3A_679, %parallel_loop3A_680 : i32
        %parallel_loop3A_682 = arith.index_cast %and3A_62 : i32 to index
        %parallel_loop3A_683 = arith.index_cast %parallel_loop3A_681 : i32 to index
        %parallel_loop3A_684 = arith.constant 16 : index
        %parallel_loop3A_685 = tpu.vector_load %arg9[%parallel_loop3A_682, %parallel_loop3A_683, %parallel_loop3A_684] {strides = array<i32>} : memref<2x128x128xf32, #tpu.memory_space<vmem>>, vector<16xf32>,
        %parallel_loop3A_686 = arith.constant 16 : i32
        %parallel_loop3A_687 = arith.muli %parallel_loop3A_101, %parallel_loop3A_686 : i32
        %parallel_loop3A_688 = arith.constant 13 : i32
        %parallel_loop3A_689 = arith.addi %parallel_loop3A_687, %parallel_loop3A_688 : i32
        %parallel_loop3A_690 = arith.index_cast %and3A_62 : i32 to index
        %parallel_loop3A_691 = arith.index_cast %parallel_loop3A_689 : i32 to index
        %parallel_loop3A_692 = arith.constant 16 : index
        %parallel_loop3A_693 = tpu.vector_load %arg9[%parallel_loop3A_690, %parallel_loop3A_691, %parallel_loop3A_692] {strides = array<i32>} : memref<2x128x128xf32, #tpu.memory_space<vmem>>, vector<16xf32>,
        %parallel_loop3A_694 = arith.constant 16 : i32
        %parallel_loop3A_695 = arith.muli %parallel_loop3A_101, %parallel_loop3A_694 : i32
        %parallel_loop3A_696 = arith.constant 14 : i32
        %parallel_loop3A_697 = arith.addi %parallel_loop3A_695, %parallel_loop3A_696 : i32
        %parallel_loop3A_698 = arith.index_cast %and3A_62 : i32 to index
        %parallel_loop3A_699 = arith.index_cast %parallel_loop3A_697 : i32 to index
        %parallel_loop3A_700 = arith.constant 16 : index
        %parallel_loop3A_701 = tpu.vector_load %arg9[%parallel_loop3A_698, %parallel_loop3A_699, %parallel_loop3A_700] {strides = array<i32>} : memref<2x128x128xf32, #tpu.memory_space<vmem>>, vector<16xf32>,
        %parallel_loop3A_702 = arith.constant 16 : i32
        %parallel_loop3A_703 = arith.muli %parallel_loop3A_101, %parallel_loop3A_702 : i32
        %parallel_loop3A_704 = arith.constant 15 : i32
        %parallel_loop3A_705 = arith.addi %parallel_loop3A_703, %parallel_loop3A_704 : i32
        %parallel_loop3A_706 = arith.index_cast %and3A_62 : i32 to index
        %parallel_loop3A_707 = arith.index_cast %parallel_loop3A_705 : i32 to index
        %parallel_loop3A_708 = arith.constant 16 : index
        %parallel_loop3A_709 = tpu.vector_load %arg9[%parallel_loop3A_706, %parallel_loop3A_707, %parallel_loop3A_708] {strides = array<i32>} : memref<2x128x128xf32, #tpu.memory_space<vmem>>, vector<16xf32>,
        %parallel_loop3A_710 = arith.subf %parallel_loop3A_461, %parallel_loop3A_589 : vector<16xf32>
        %parallel_loop3A_711 = arith.addf %parallel_loop3A_710, %get3A_3 : vector<16xf32>
        %parallel_loop3A_712 = arith.mulf %parallel_loop3A_711, %parallel_loop3A_711 : vector<16xf32>
        %parallel_loop3A_713 = arith.addf %parallel_loop3A_393, %parallel_loop3A_712 : vector<16xf32>
        %parallel_loop3A_714 = arith.subf %parallel_loop3A_469, %parallel_loop3A_597 : vector<16xf32>
        %parallel_loop3A_715 = arith.addf %parallel_loop3A_714, %get3A_3 : vector<16xf32>
        %parallel_loop3A_716 = arith.mulf %parallel_loop3A_715, %parallel_loop3A_715 : vector<16xf32>
        %parallel_loop3A_717 = arith.addf %parallel_loop3A_397, %parallel_loop3A_716 : vector<16xf32>
        %parallel_loop3A_718 = arith.subf %parallel_loop3A_477, %parallel_loop3A_605 : vector<16xf32>
        %parallel_loop3A_719 = arith.addf %parallel_loop3A_718, %get3A_3 : vector<16xf32>
        %parallel_loop3A_720 = arith.mulf %parallel_loop3A_719, %parallel_loop3A_719 : vector<16xf32>
        %parallel_loop3A_721 = arith.addf %parallel_loop3A_401, %parallel_loop3A_720 : vector<16xf32>
        %parallel_loop3A_722 = arith.subf %parallel_loop3A_485, %parallel_loop3A_613 : vector<16xf32>
        %parallel_loop3A_723 = arith.addf %parallel_loop3A_722, %get3A_3 : vector<16xf32>
        %parallel_loop3A_724 = arith.mulf %parallel_loop3A_723, %parallel_loop3A_723 : vector<16xf32>
        %parallel_loop3A_725 = arith.addf %parallel_loop3A_405, %parallel_loop3A_724 : vector<16xf32>
        %parallel_loop3A_726 = arith.subf %parallel_loop3A_493, %parallel_loop3A_621 : vector<16xf32>
        %parallel_loop3A_727 = arith.addf %parallel_loop3A_726, %get3A_3 : vector<16xf32>
        %parallel_loop3A_728 = arith.mulf %parallel_loop3A_727, %parallel_loop3A_727 : vector<16xf32>
        %parallel_loop3A_729 = arith.addf %parallel_loop3A_409, %parallel_loop3A_728 : vector<16xf32>
        %parallel_loop3A_730 = arith.subf %parallel_loop3A_501, %parallel_loop3A_629 : vector<16xf32>
        %parallel_loop3A_731 = arith.addf %parallel_loop3A_730, %get3A_3 : vector<16xf32>
        %parallel_loop3A_732 = arith.mulf %parallel_loop3A_731, %parallel_loop3A_731 : vector<16xf32>
        %parallel_loop3A_733 = arith.addf %parallel_loop3A_413, %parallel_loop3A_732 : vector<16xf32>
        %parallel_loop3A_734 = arith.subf %parallel_loop3A_509, %parallel_loop3A_637 : vector<16xf32>
        %parallel_loop3A_735 = arith.addf %parallel_loop3A_734, %get3A_3 : vector<16xf32>
        %parallel_loop3A_736 = arith.mulf %parallel_loop3A_735, %parallel_loop3A_735 : vector<16xf32>
        %parallel_loop3A_737 = arith.addf %parallel_loop3A_417, %parallel_loop3A_736 : vector<16xf32>
        %parallel_loop3A_738 = arith.subf %parallel_loop3A_517, %parallel_loop3A_645 : vector<16xf32>
        %parallel_loop3A_739 = arith.addf %parallel_loop3A_738, %get3A_3 : vector<16xf32>
        %parallel_loop3A_740 = arith.mulf %parallel_loop3A_739, %parallel_loop3A_739 : vector<16xf32>
        %parallel_loop3A_741 = arith.addf %parallel_loop3A_421, %parallel_loop3A_740 : vector<16xf32>
        %parallel_loop3A_742 = arith.subf %parallel_loop3A_525, %parallel_loop3A_653 : vector<16xf32>
        %parallel_loop3A_743 = arith.addf %parallel_loop3A_742, %get3A_3 : vector<16xf32>
        %parallel_loop3A_744 = arith.mulf %parallel_loop3A_743, %parallel_loop3A_743 : vector<16xf32>
        %parallel_loop3A_745 = arith.addf %parallel_loop3A_425, %parallel_loop3A_744 : vector<16xf32>
        %parallel_loop3A_746 = arith.subf %parallel_loop3A_533, %parallel_loop3A_661 : vector<16xf32>
        %parallel_loop3A_747 = arith.addf %parallel_loop3A_746, %get3A_3 : vector<16xf32>
        %parallel_loop3A_748 = arith.mulf %parallel_loop3A_747, %parallel_loop3A_747 : vector<16xf32>
        %parallel_loop3A_749 = arith.addf %parallel_loop3A_429, %parallel_loop3A_748 : vector<16xf32>
        %parallel_loop3A_750 = arith.subf %parallel_loop3A_541, %parallel_loop3A_669 : vector<16xf32>
        %parallel_loop3A_751 = arith.addf %parallel_loop3A_750, %get3A_3 : vector<16xf32>
        %parallel_loop3A_752 = arith.mulf %parallel_loop3A_751, %parallel_loop3A_751 : vector<16xf32>
        %parallel_loop3A_753 = arith.addf %parallel_loop3A_433, %parallel_loop3A_752 : vector<16xf32>
        %parallel_loop3A_754 = arith.subf %parallel_loop3A_549, %parallel_loop3A_677 : vector<16xf32>
        %parallel_loop3A_755 = arith.addf %parallel_loop3A_754, %get3A_3 : vector<16xf32>
        %parallel_loop3A_756 = arith.mulf %parallel_loop3A_755, %parallel_loop3A_755 : vector<16xf32>
        %parallel_loop3A_757 = arith.addf %parallel_loop3A_437, %parallel_loop3A_756 : vector<16xf32>
        %parallel_loop3A_758 = arith.subf %parallel_loop3A_557, %parallel_loop3A_685 : vector<16xf32>
        %parallel_loop3A_759 = arith.addf %parallel_loop3A_758, %get3A_3 : vector<16xf32>
        %parallel_loop3A_760 = arith.mulf %parallel_loop3A_759, %parallel_loop3A_759 : vector<16xf32>
        %parallel_loop3A_761 = arith.addf %parallel_loop3A_441, %parallel_loop3A_760 : vector<16xf32>
        %parallel_loop3A_762 = arith.subf %parallel_loop3A_565, %parallel_loop3A_693 : vector<16xf32>
        %parallel_loop3A_763 = arith.addf %parallel_loop3A_762, %get3A_3 : vector<16xf32>
        %parallel_loop3A_764 = arith.mulf %parallel_loop3A_763, %parallel_loop3A_763 : vector<16xf32>
        %parallel_loop3A_765 = arith.addf %parallel_loop3A_445, %parallel_loop3A_764 : vector<16xf32>
        %parallel_loop3A_766 = arith.subf %parallel_loop3A_573, %parallel_loop3A_701 : vector<16xf32>
        %parallel_loop3A_767 = arith.addf %parallel_loop3A_766, %get3A_3 : vector<16xf32>
        %parallel_loop3A_768 = arith.mulf %parallel_loop3A_767, %parallel_loop3A_767 : vector<16xf32>
        %parallel_loop3A_769 = arith.addf %parallel_loop3A_449, %parallel_loop3A_768 : vector<16xf32>
        %parallel_loop3A_770 = arith.subf %parallel_loop3A_581, %parallel_loop3A_709 : vector<16xf32>
        %parallel_loop3A_771 = arith.addf %parallel_loop3A_770, %get3A_3 : vector<16xf32>
        %parallel_loop3A_772 = arith.mulf %parallel_loop3A_771, %parallel_loop3A_771 : vector<16xf32>
        %parallel_loop3A_773 = arith.addf %parallel_loop3A_453, %parallel_loop3A_772 : vector<16xf32>
        %parallel_loop3A_774 = arith.constant 16 : i32
        %parallel_loop3A_775 = arith.muli %parallel_loop3A_101, %parallel_loop3A_774 : i32
        %parallel_loop3A_776 = arith.constant 0 : i32
        %parallel_loop3A_777 = arith.addi %parallel_loop3A_775, %parallel_loop3A_776 : i32
        %parallel_loop3A_778 = arith.index_cast %and3A_62 : i32 to index
        %parallel_loop3A_779 = arith.index_cast %parallel_loop3A_777 : i32 to index
        %parallel_loop3A_780 = arith.constant 32 : index
        %parallel_loop3A_781 = tpu.vector_load %arg8[%parallel_loop3A_778, %parallel_loop3A_779, %parallel_loop3A_780] {strides = array<i32>} : memref<2x128x128xf32, #tpu.memory_space<vmem>>, vector<16xf32>,
        %parallel_loop3A_782 = arith.constant 16 : i32
        %parallel_loop3A_783 = arith.muli %parallel_loop3A_101, %parallel_loop3A_782 : i32
        %parallel_loop3A_784 = arith.constant 1 : i32
        %parallel_loop3A_785 = arith.addi %parallel_loop3A_783, %parallel_loop3A_784 : i32
        %parallel_loop3A_786 = arith.index_cast %and3A_62 : i32 to index
        %parallel_loop3A_787 = arith.index_cast %parallel_loop3A_785 : i32 to index
        %parallel_loop3A_788 = arith.constant 32 : index
        %parallel_loop3A_789 = tpu.vector_load %arg8[%parallel_loop3A_786, %parallel_loop3A_787, %parallel_loop3A_788] {strides = array<i32>} : memref<2x128x128xf32, #tpu.memory_space<vmem>>, vector<16xf32>,
        %parallel_loop3A_790 = arith.constant 16 : i32
        %parallel_loop3A_791 = arith.muli %parallel_loop3A_101, %parallel_loop3A_790 : i32
        %parallel_loop3A_792 = arith.constant 2 : i32
        %parallel_loop3A_793 = arith.addi %parallel_loop3A_791, %parallel_loop3A_792 : i32
        %parallel_loop3A_794 = arith.index_cast %and3A_62 : i32 to index
        %parallel_loop3A_795 = arith.index_cast %parallel_loop3A_793 : i32 to index
        %parallel_loop3A_796 = arith.constant 32 : index
        %parallel_loop3A_797 = tpu.vector_load %arg8[%parallel_loop3A_794, %parallel_loop3A_795, %parallel_loop3A_796] {strides = array<i32>} : memref<2x128x128xf32, #tpu.memory_space<vmem>>, vector<16xf32>,
        %parallel_loop3A_798 = arith.constant 16 : i32
        %parallel_loop3A_799 = arith.muli %parallel_loop3A_101, %parallel_loop3A_798 : i32
        %parallel_loop3A_800 = arith.constant 3 : i32
        %parallel_loop3A_801 = arith.addi %parallel_loop3A_799, %parallel_loop3A_800 : i32
        %parallel_loop3A_802 = arith.index_cast %and3A_62 : i32 to index
        %parallel_loop3A_803 = arith.index_cast %parallel_loop3A_801 : i32 to index
        %parallel_loop3A_804 = arith.constant 32 : index
        %parallel_loop3A_805 = tpu.vector_load %arg8[%parallel_loop3A_802, %parallel_loop3A_803, %parallel_loop3A_804] {strides = array<i32>} : memref<2x128x128xf32, #tpu.memory_space<vmem>>, vector<16xf32>,
        %parallel_loop3A_806 = arith.constant 16 : i32
        %parallel_loop3A_807 = arith.muli %parallel_loop3A_101, %parallel_loop3A_806 : i32
        %parallel_loop3A_808 = arith.constant 4 : i32
        %parallel_loop3A_809 = arith.addi %parallel_loop3A_807, %parallel_loop3A_808 : i32
        %parallel_loop3A_810 = arith.index_cast %and3A_62 : i32 to index
        %parallel_loop3A_811 = arith.index_cast %parallel_loop3A_809 : i32 to index
        %parallel_loop3A_812 = arith.constant 32 : index
        %parallel_loop3A_813 = tpu.vector_load %arg8[%parallel_loop3A_810, %parallel_loop3A_811, %parallel_loop3A_812] {strides = array<i32>} : memref<2x128x128xf32, #tpu.memory_space<vmem>>, vector<16xf32>,
        %parallel_loop3A_814 = arith.constant 16 : i32
        %parallel_loop3A_815 = arith.muli %parallel_loop3A_101, %parallel_loop3A_814 : i32
        %parallel_loop3A_816 = arith.constant 5 : i32
        %parallel_loop3A_817 = arith.addi %parallel_loop3A_815, %parallel_loop3A_816 : i32
        %parallel_loop3A_818 = arith.index_cast %and3A_62 : i32 to index
        %parallel_loop3A_819 = arith.index_cast %parallel_loop3A_817 : i32 to index
        %parallel_loop3A_820 = arith.constant 32 : index
        %parallel_loop3A_821 = tpu.vector_load %arg8[%parallel_loop3A_818, %parallel_loop3A_819, %parallel_loop3A_820] {strides = array<i32>} : memref<2x128x128xf32, #tpu.memory_space<vmem>>, vector<16xf32>,
        %parallel_loop3A_822 = arith.constant 16 : i32
        %parallel_loop3A_823 = arith.muli %parallel_loop3A_101, %parallel_loop3A_822 : i32
        %parallel_loop3A_824 = arith.constant 6 : i32
        %parallel_loop3A_825 = arith.addi %parallel_loop3A_823, %parallel_loop3A_824 : i32
        %parallel_loop3A_826 = arith.index_cast %and3A_62 : i32 to index
        %parallel_loop3A_827 = arith.index_cast %parallel_loop3A_825 : i32 to index
        %parallel_loop3A_828 = arith.constant 32 : index
        %parallel_loop3A_829 = tpu.vector_load %arg8[%parallel_loop3A_826, %parallel_loop3A_827, %parallel_loop3A_828] {strides = array<i32>} : memref<2x128x128xf32, #tpu.memory_space<vmem>>, vector<16xf32>,
        %parallel_loop3A_830 = arith.constant 16 : i32
        %parallel_loop3A_831 = arith.muli %parallel_loop3A_101, %parallel_loop3A_830 : i32
        %parallel_loop3A_832 = arith.constant 7 : i32
        %parallel_loop3A_833 = arith.addi %parallel_loop3A_831, %parallel_loop3A_832 : i32
        %parallel_loop3A_834 = arith.index_cast %and3A_62 : i32 to index
        %parallel_loop3A_835 = arith.index_cast %parallel_loop3A_833 : i32 to index
        %parallel_loop3A_836 = arith.constant 32 : index
        %parallel_loop3A_837 = tpu.vector_load %arg8[%parallel_loop3A_834, %parallel_loop3A_835, %parallel_loop3A_836] {strides = array<i32>} : memref<2x128x128xf32, #tpu.memory_space<vmem>>, vector<16xf32>,
        %parallel_loop3A_838 = arith.constant 16 : i32
        %parallel_loop3A_839 = arith.muli %parallel_loop3A_101, %parallel_loop3A_838 : i32
        %parallel_loop3A_840 = arith.constant 8 : i32
        %parallel_loop3A_841 = arith.addi %parallel_loop3A_839, %parallel_loop3A_840 : i32
        %parallel_loop3A_842 = arith.index_cast %and3A_62 : i32 to index
        %parallel_loop3A_843 = arith.index_cast %parallel_loop3A_841 : i32 to index
        %parallel_loop3A_844 = arith.constant 32 : index
        %parallel_loop3A_845 = tpu.vector_load %arg8[%parallel_loop3A_842, %parallel_loop3A_843, %parallel_loop3A_844] {strides = array<i32>} : memref<2x128x128xf32, #tpu.memory_space<vmem>>, vector<16xf32>,
        %parallel_loop3A_846 = arith.constant 16 : i32
        %parallel_loop3A_847 = arith.muli %parallel_loop3A_101, %parallel_loop3A_846 : i32
        %parallel_loop3A_848 = arith.constant 9 : i32
        %parallel_loop3A_849 = arith.addi %parallel_loop3A_847, %parallel_loop3A_848 : i32
        %parallel_loop3A_850 = arith.index_cast %and3A_62 : i32 to index
        %parallel_loop3A_851 = arith.index_cast %parallel_loop3A_849 : i32 to index
        %parallel_loop3A_852 = arith.constant 32 : index
        %parallel_loop3A_853 = tpu.vector_load %arg8[%parallel_loop3A_850, %parallel_loop3A_851, %parallel_loop3A_852] {strides = array<i32>} : memref<2x128x128xf32, #tpu.memory_space<vmem>>, vector<16xf32>,
        %parallel_loop3A_854 = arith.constant 16 : i32
        %parallel_loop3A_855 = arith.muli %parallel_loop3A_101, %parallel_loop3A_854 : i32
        %parallel_loop3A_856 = arith.constant 10 : i32
        %parallel_loop3A_857 = arith.addi %parallel_loop3A_855, %parallel_loop3A_856 : i32
        %parallel_loop3A_858 = arith.index_cast %and3A_62 : i32 to index
        %parallel_loop3A_859 = arith.index_cast %parallel_loop3A_857 : i32 to index
        %parallel_loop3A_860 = arith.constant 32 : index
        %parallel_loop3A_861 = tpu.vector_load %arg8[%parallel_loop3A_858, %parallel_loop3A_859, %parallel_loop3A_860] {strides = array<i32>} : memref<2x128x128xf32, #tpu.memory_space<vmem>>, vector<16xf32>,
        %parallel_loop3A_862 = arith.constant 16 : i32
        %parallel_loop3A_863 = arith.muli %parallel_loop3A_101, %parallel_loop3A_862 : i32
        %parallel_loop3A_864 = arith.constant 11 : i32
        %parallel_loop3A_865 = arith.addi %parallel_loop3A_863, %parallel_loop3A_864 : i32
        %parallel_loop3A_866 = arith.index_cast %and3A_62 : i32 to index
        %parallel_loop3A_867 = arith.index_cast %parallel_loop3A_865 : i32 to index
        %parallel_loop3A_868 = arith.constant 32 : index
        %parallel_loop3A_869 = tpu.vector_load %arg8[%parallel_loop3A_866, %parallel_loop3A_867, %parallel_loop3A_868] {strides = array<i32>} : memref<2x128x128xf32, #tpu.memory_space<vmem>>, vector<16xf32>,
        %parallel_loop3A_870 = arith.constant 16 : i32
        %parallel_loop3A_871 = arith.muli %parallel_loop3A_101, %parallel_loop3A_870 : i32
        %parallel_loop3A_872 = arith.constant 12 : i32
        %parallel_loop3A_873 = arith.addi %parallel_loop3A_871, %parallel_loop3A_872 : i32
        %parallel_loop3A_874 = arith.index_cast %and3A_62 : i32 to index
        %parallel_loop3A_875 = arith.index_cast %parallel_loop3A_873 : i32 to index
        %parallel_loop3A_876 = arith.constant 32 : index
        %parallel_loop3A_877 = tpu.vector_load %arg8[%parallel_loop3A_874, %parallel_loop3A_875, %parallel_loop3A_876] {strides = array<i32>} : memref<2x128x128xf32, #tpu.memory_space<vmem>>, vector<16xf32>,
        %parallel_loop3A_878 = arith.constant 16 : i32
        %parallel_loop3A_879 = arith.muli %parallel_loop3A_101, %parallel_loop3A_878 : i32
        %parallel_loop3A_880 = arith.constant 13 : i32
        %parallel_loop3A_881 = arith.addi %parallel_loop3A_879, %parallel_loop3A_880 : i32
        %parallel_loop3A_882 = arith.index_cast %and3A_62 : i32 to index
        %parallel_loop3A_883 = arith.index_cast %parallel_loop3A_881 : i32 to index
        %parallel_loop3A_884 = arith.constant 32 : index
        %parallel_loop3A_885 = tpu.vector_load %arg8[%parallel_loop3A_882, %parallel_loop3A_883, %parallel_loop3A_884] {strides = array<i32>} : memref<2x128x128xf32, #tpu.memory_space<vmem>>, vector<16xf32>,
        %parallel_loop3A_886 = arith.constant 16 : i32
        %parallel_loop3A_887 = arith.muli %parallel_loop3A_101, %parallel_loop3A_886 : i32
        %parallel_loop3A_888 = arith.constant 14 : i32
        %parallel_loop3A_889 = arith.addi %parallel_loop3A_887, %parallel_loop3A_888 : i32
        %parallel_loop3A_890 = arith.index_cast %and3A_62 : i32 to index
        %parallel_loop3A_891 = arith.index_cast %parallel_loop3A_889 : i32 to index
        %parallel_loop3A_892 = arith.constant 32 : index
        %parallel_loop3A_893 = tpu.vector_load %arg8[%parallel_loop3A_890, %parallel_loop3A_891, %parallel_loop3A_892] {strides = array<i32>} : memref<2x128x128xf32, #tpu.memory_space<vmem>>, vector<16xf32>,
        %parallel_loop3A_894 = arith.constant 16 : i32
        %parallel_loop3A_895 = arith.muli %parallel_loop3A_101, %parallel_loop3A_894 : i32
        %parallel_loop3A_896 = arith.constant 15 : i32
        %parallel_loop3A_897 = arith.addi %parallel_loop3A_895, %parallel_loop3A_896 : i32
        %parallel_loop3A_898 = arith.index_cast %and3A_62 : i32 to index
        %parallel_loop3A_899 = arith.index_cast %parallel_loop3A_897 : i32 to index
        %parallel_loop3A_900 = arith.constant 32 : index
        %parallel_loop3A_901 = tpu.vector_load %arg8[%parallel_loop3A_898, %parallel_loop3A_899, %parallel_loop3A_900] {strides = array<i32>} : memref<2x128x128xf32, #tpu.memory_space<vmem>>, vector<16xf32>,
        %parallel_loop3A_902 = arith.constant 16 : i32
        %parallel_loop3A_903 = arith.muli %parallel_loop3A_101, %parallel_loop3A_902 : i32
        %parallel_loop3A_904 = arith.constant 0 : i32
        %parallel_loop3A_905 = arith.addi %parallel_loop3A_903, %parallel_loop3A_904 : i32
        %parallel_loop3A_906 = arith.index_cast %and3A_62 : i32 to index
        %parallel_loop3A_907 = arith.index_cast %parallel_loop3A_905 : i32 to index
        %parallel_loop3A_908 = arith.constant 32 : index
        %parallel_loop3A_909 = tpu.vector_load %arg9[%parallel_loop3A_906, %parallel_loop3A_907, %parallel_loop3A_908] {strides = array<i32>} : memref<2x128x128xf32, #tpu.memory_space<vmem>>, vector<16xf32>,
        %parallel_loop3A_910 = arith.constant 16 : i32
        %parallel_loop3A_911 = arith.muli %parallel_loop3A_101, %parallel_loop3A_910 : i32
        %parallel_loop3A_912 = arith.constant 1 : i32
        %parallel_loop3A_913 = arith.addi %parallel_loop3A_911, %parallel_loop3A_912 : i32
        %parallel_loop3A_914 = arith.index_cast %and3A_62 : i32 to index
        %parallel_loop3A_915 = arith.index_cast %parallel_loop3A_913 : i32 to index
        %parallel_loop3A_916 = arith.constant 32 : index
        %parallel_loop3A_917 = tpu.vector_load %arg9[%parallel_loop3A_914, %parallel_loop3A_915, %parallel_loop3A_916] {strides = array<i32>} : memref<2x128x128xf32, #tpu.memory_space<vmem>>, vector<16xf32>,
        %parallel_loop3A_918 = arith.constant 16 : i32
        %parallel_loop3A_919 = arith.muli %parallel_loop3A_101, %parallel_loop3A_918 : i32
        %parallel_loop3A_920 = arith.constant 2 : i32
        %parallel_loop3A_921 = arith.addi %parallel_loop3A_919, %parallel_loop3A_920 : i32
        %parallel_loop3A_922 = arith.index_cast %and3A_62 : i32 to index
        %parallel_loop3A_923 = arith.index_cast %parallel_loop3A_921 : i32 to index
        %parallel_loop3A_924 = arith.constant 32 : index
        %parallel_loop3A_925 = tpu.vector_load %arg9[%parallel_loop3A_922, %parallel_loop3A_923, %parallel_loop3A_924] {strides = array<i32>} : memref<2x128x128xf32, #tpu.memory_space<vmem>>, vector<16xf32>,
        %parallel_loop3A_926 = arith.constant 16 : i32
        %parallel_loop3A_927 = arith.muli %parallel_loop3A_101, %parallel_loop3A_926 : i32
        %parallel_loop3A_928 = arith.constant 3 : i32
        %parallel_loop3A_929 = arith.addi %parallel_loop3A_927, %parallel_loop3A_928 : i32
        %parallel_loop3A_930 = arith.index_cast %and3A_62 : i32 to index
        %parallel_loop3A_931 = arith.index_cast %parallel_loop3A_929 : i32 to index
        %parallel_loop3A_932 = arith.constant 32 : index
        %parallel_loop3A_933 = tpu.vector_load %arg9[%parallel_loop3A_930, %parallel_loop3A_931, %parallel_loop3A_932] {strides = array<i32>} : memref<2x128x128xf32, #tpu.memory_space<vmem>>, vector<16xf32>,
        %parallel_loop3A_934 = arith.constant 16 : i32
        %parallel_loop3A_935 = arith.muli %parallel_loop3A_101, %parallel_loop3A_934 : i32
        %parallel_loop3A_936 = arith.constant 4 : i32
        %parallel_loop3A_937 = arith.addi %parallel_loop3A_935, %parallel_loop3A_936 : i32
        %parallel_loop3A_938 = arith.index_cast %and3A_62 : i32 to index
        %parallel_loop3A_939 = arith.index_cast %parallel_loop3A_937 : i32 to index
        %parallel_loop3A_940 = arith.constant 32 : index
        %parallel_loop3A_941 = tpu.vector_load %arg9[%parallel_loop3A_938, %parallel_loop3A_939, %parallel_loop3A_940] {strides = array<i32>} : memref<2x128x128xf32, #tpu.memory_space<vmem>>, vector<16xf32>,
        %parallel_loop3A_942 = arith.constant 16 : i32
        %parallel_loop3A_943 = arith.muli %parallel_loop3A_101, %parallel_loop3A_942 : i32
        %parallel_loop3A_944 = arith.constant 5 : i32
        %parallel_loop3A_945 = arith.addi %parallel_loop3A_943, %parallel_loop3A_944 : i32
        %parallel_loop3A_946 = arith.index_cast %and3A_62 : i32 to index
        %parallel_loop3A_947 = arith.index_cast %parallel_loop3A_945 : i32 to index
        %parallel_loop3A_948 = arith.constant 32 : index
        %parallel_loop3A_949 = tpu.vector_load %arg9[%parallel_loop3A_946, %parallel_loop3A_947, %parallel_loop3A_948] {strides = array<i32>} : memref<2x128x128xf32, #tpu.memory_space<vmem>>, vector<16xf32>,
        %parallel_loop3A_950 = arith.constant 16 : i32
        %parallel_loop3A_951 = arith.muli %parallel_loop3A_101, %parallel_loop3A_950 : i32
        %parallel_loop3A_952 = arith.constant 6 : i32
        %parallel_loop3A_953 = arith.addi %parallel_loop3A_951, %parallel_loop3A_952 : i32
        %parallel_loop3A_954 = arith.index_cast %and3A_62 : i32 to index
        %parallel_loop3A_955 = arith.index_cast %parallel_loop3A_953 : i32 to index
        %parallel_loop3A_956 = arith.constant 32 : index
        %parallel_loop3A_957 = tpu.vector_load %arg9[%parallel_loop3A_954, %parallel_loop3A_955, %parallel_loop3A_956] {strides = array<i32>} : memref<2x128x128xf32, #tpu.memory_space<vmem>>, vector<16xf32>,
        %parallel_loop3A_958 = arith.constant 16 : i32
        %parallel_loop3A_959 = arith.muli %parallel_loop3A_101, %parallel_loop3A_958 : i32
        %parallel_loop3A_960 = arith.constant 7 : i32
        %parallel_loop3A_961 = arith.addi %parallel_loop3A_959, %parallel_loop3A_960 : i32
        %parallel_loop3A_962 = arith.index_cast %and3A_62 : i32 to index
        %parallel_loop3A_963 = arith.index_cast %parallel_loop3A_961 : i32 to index
        %parallel_loop3A_964 = arith.constant 32 : index
        %parallel_loop3A_965 = tpu.vector_load %arg9[%parallel_loop3A_962, %parallel_loop3A_963, %parallel_loop3A_964] {strides = array<i32>} : memref<2x128x128xf32, #tpu.memory_space<vmem>>, vector<16xf32>,
        %parallel_loop3A_966 = arith.constant 16 : i32
        %parallel_loop3A_967 = arith.muli %parallel_loop3A_101, %parallel_loop3A_966 : i32
        %parallel_loop3A_968 = arith.constant 8 : i32
        %parallel_loop3A_969 = arith.addi %parallel_loop3A_967, %parallel_loop3A_968 : i32
        %parallel_loop3A_970 = arith.index_cast %and3A_62 : i32 to index
        %parallel_loop3A_971 = arith.index_cast %parallel_loop3A_969 : i32 to index
        %parallel_loop3A_972 = arith.constant 32 : index
        %parallel_loop3A_973 = tpu.vector_load %arg9[%parallel_loop3A_970, %parallel_loop3A_971, %parallel_loop3A_972] {strides = array<i32>} : memref<2x128x128xf32, #tpu.memory_space<vmem>>, vector<16xf32>,
        %parallel_loop3A_974 = arith.constant 16 : i32
        %parallel_loop3A_975 = arith.muli %parallel_loop3A_101, %parallel_loop3A_974 : i32
        %parallel_loop3A_976 = arith.constant 9 : i32
        %parallel_loop3A_977 = arith.addi %parallel_loop3A_975, %parallel_loop3A_976 : i32
        %parallel_loop3A_978 = arith.index_cast %and3A_62 : i32 to index
        %parallel_loop3A_979 = arith.index_cast %parallel_loop3A_977 : i32 to index
        %parallel_loop3A_980 = arith.constant 32 : index
        %parallel_loop3A_981 = tpu.vector_load %arg9[%parallel_loop3A_978, %parallel_loop3A_979, %parallel_loop3A_980] {strides = array<i32>} : memref<2x128x128xf32, #tpu.memory_space<vmem>>, vector<16xf32>,
        %parallel_loop3A_982 = arith.constant 16 : i32
        %parallel_loop3A_983 = arith.muli %parallel_loop3A_101, %parallel_loop3A_982 : i32
        %parallel_loop3A_984 = arith.constant 10 : i32
        %parallel_loop3A_985 = arith.addi %parallel_loop3A_983, %parallel_loop3A_984 : i32
        %parallel_loop3A_986 = arith.index_cast %and3A_62 : i32 to index
        %parallel_loop3A_987 = arith.index_cast %parallel_loop3A_985 : i32 to index
        %parallel_loop3A_988 = arith.constant 32 : index
        %parallel_loop3A_989 = tpu.vector_load %arg9[%parallel_loop3A_986, %parallel_loop3A_987, %parallel_loop3A_988] {strides = array<i32>} : memref<2x128x128xf32, #tpu.memory_space<vmem>>, vector<16xf32>,
        %parallel_loop3A_990 = arith.constant 16 : i32
        %parallel_loop3A_991 = arith.muli %parallel_loop3A_101, %parallel_loop3A_990 : i32
        %parallel_loop3A_992 = arith.constant 11 : i32
        %parallel_loop3A_993 = arith.addi %parallel_loop3A_991, %parallel_loop3A_992 : i32
        %parallel_loop3A_994 = arith.index_cast %and3A_62 : i32 to index
        %parallel_loop3A_995 = arith.index_cast %parallel_loop3A_993 : i32 to index
        %parallel_loop3A_996 = arith.constant 32 : index
        %parallel_loop3A_997 = tpu.vector_load %arg9[%parallel_loop3A_994, %parallel_loop3A_995, %parallel_loop3A_996] {strides = array<i32>} : memref<2x128x128xf32, #tpu.memory_space<vmem>>, vector<16xf32>,
        %parallel_loop3A_998 = arith.constant 16 : i32
        %parallel_loop3A_999 = arith.muli %parallel_loop3A_101, %parallel_loop3A_998 : i32
        %parallel_loop3A_1000 = arith.constant 12 : i32
        %parallel_loop3A_1001 = arith.addi %parallel_loop3A_999, %parallel_loop3A_1000 : i32
        %parallel_loop3A_1002 = arith.index_cast %and3A_62 : i32 to index
        %parallel_loop3A_1003 = arith.index_cast %parallel_loop3A_1001 : i32 to index
        %parallel_loop3A_1004 = arith.constant 32 : index
        %parallel_loop3A_1005 = tpu.vector_load %arg9[%parallel_loop3A_1002, %parallel_loop3A_1003, %parallel_loop3A_1004] {strides = array<i32>} : memref<2x128x128xf32, #tpu.memory_space<vmem>>, vector<16xf32>,
        %parallel_loop3A_1006 = arith.constant 16 : i32
        %parallel_loop3A_1007 = arith.muli %parallel_loop3A_101, %parallel_loop3A_1006 : i32
        %parallel_loop3A_1008 = arith.constant 13 : i32
        %parallel_loop3A_1009 = arith.addi %parallel_loop3A_1007, %parallel_loop3A_1008 : i32
        %parallel_loop3A_1010 = arith.index_cast %and3A_62 : i32 to index
        %parallel_loop3A_1011 = arith.index_cast %parallel_loop3A_1009 : i32 to index
        %parallel_loop3A_1012 = arith.constant 32 : index
        %parallel_loop3A_1013 = tpu.vector_load %arg9[%parallel_loop3A_1010, %parallel_loop3A_1011, %parallel_loop3A_1012] {strides = array<i32>} : memref<2x128x128xf32, #tpu.memory_space<vmem>>, vector<16xf32>,
        %parallel_loop3A_1014 = arith.constant 16 : i32
        %parallel_loop3A_1015 = arith.muli %parallel_loop3A_101, %parallel_loop3A_1014 : i32
        %parallel_loop3A_1016 = arith.constant 14 : i32
        %parallel_loop3A_1017 = arith.addi %parallel_loop3A_1015, %parallel_loop3A_1016 : i32
        %parallel_loop3A_1018 = arith.index_cast %and3A_62 : i32 to index
        %parallel_loop3A_1019 = arith.index_cast %parallel_loop3A_1017 : i32 to index
        %parallel_loop3A_1020 = arith.constant 32 : index
        %parallel_loop3A_1021 = tpu.vector_load %arg9[%parallel_loop3A_1018, %parallel_loop3A_1019, %parallel_loop3A_1020] {strides = array<i32>} : memref<2x128x128xf32, #tpu.memory_space<vmem>>, vector<16xf32>,
        %parallel_loop3A_1022 = arith.constant 16 : i32
        %parallel_loop3A_1023 = arith.muli %parallel_loop3A_101, %parallel_loop3A_1022 : i32
        %parallel_loop3A_1024 = arith.constant 15 : i32
        %parallel_loop3A_1025 = arith.addi %parallel_loop3A_1023, %parallel_loop3A_1024 : i32
        %parallel_loop3A_1026 = arith.index_cast %and3A_62 : i32 to index
        %parallel_loop3A_1027 = arith.index_cast %parallel_loop3A_1025 : i32 to index
        %parallel_loop3A_1028 = arith.constant 32 : index
        %parallel_loop3A_1029 = tpu.vector_load %arg9[%parallel_loop3A_1026, %parallel_loop3A_1027, %parallel_loop3A_1028] {strides = array<i32>} : memref<2x128x128xf32, #tpu.memory_space<vmem>>, vector<16xf32>,
        %parallel_loop3A_1030 = arith.subf %parallel_loop3A_781, %parallel_loop3A_909 : vector<16xf32>
        %parallel_loop3A_1031 = arith.addf %parallel_loop3A_1030, %get3A_5 : vector<16xf32>
        %parallel_loop3A_1032 = arith.mulf %parallel_loop3A_1031, %parallel_loop3A_1031 : vector<16xf32>
        %parallel_loop3A_1033 = arith.addf %parallel_loop3A_713, %parallel_loop3A_1032 : vector<16xf32>
        %parallel_loop3A_1034 = arith.subf %parallel_loop3A_789, %parallel_loop3A_917 : vector<16xf32>
        %parallel_loop3A_1035 = arith.addf %parallel_loop3A_1034, %get3A_5 : vector<16xf32>
        %parallel_loop3A_1036 = arith.mulf %parallel_loop3A_1035, %parallel_loop3A_1035 : vector<16xf32>
        %parallel_loop3A_1037 = arith.addf %parallel_loop3A_717, %parallel_loop3A_1036 : vector<16xf32>
        %parallel_loop3A_1038 = arith.subf %parallel_loop3A_797, %parallel_loop3A_925 : vector<16xf32>
        %parallel_loop3A_1039 = arith.addf %parallel_loop3A_1038, %get3A_5 : vector<16xf32>
        %parallel_loop3A_1040 = arith.mulf %parallel_loop3A_1039, %parallel_loop3A_1039 : vector<16xf32>
        %parallel_loop3A_1041 = arith.addf %parallel_loop3A_721, %parallel_loop3A_1040 : vector<16xf32>
        %parallel_loop3A_1042 = arith.subf %parallel_loop3A_805, %parallel_loop3A_933 : vector<16xf32>
        %parallel_loop3A_1043 = arith.addf %parallel_loop3A_1042, %get3A_5 : vector<16xf32>
        %parallel_loop3A_1044 = arith.mulf %parallel_loop3A_1043, %parallel_loop3A_1043 : vector<16xf32>
        %parallel_loop3A_1045 = arith.addf %parallel_loop3A_725, %parallel_loop3A_1044 : vector<16xf32>
        %parallel_loop3A_1046 = arith.subf %parallel_loop3A_813, %parallel_loop3A_941 : vector<16xf32>
        %parallel_loop3A_1047 = arith.addf %parallel_loop3A_1046, %get3A_5 : vector<16xf32>
        %parallel_loop3A_1048 = arith.mulf %parallel_loop3A_1047, %parallel_loop3A_1047 : vector<16xf32>
        %parallel_loop3A_1049 = arith.addf %parallel_loop3A_729, %parallel_loop3A_1048 : vector<16xf32>
        %parallel_loop3A_1050 = arith.subf %parallel_loop3A_821, %parallel_loop3A_949 : vector<16xf32>
        %parallel_loop3A_1051 = arith.addf %parallel_loop3A_1050, %get3A_5 : vector<16xf32>
        %parallel_loop3A_1052 = arith.mulf %parallel_loop3A_1051, %parallel_loop3A_1051 : vector<16xf32>
        %parallel_loop3A_1053 = arith.addf %parallel_loop3A_733, %parallel_loop3A_1052 : vector<16xf32>
        %parallel_loop3A_1054 = arith.subf %parallel_loop3A_829, %parallel_loop3A_957 : vector<16xf32>
        %parallel_loop3A_1055 = arith.addf %parallel_loop3A_1054, %get3A_5 : vector<16xf32>
        %parallel_loop3A_1056 = arith.mulf %parallel_loop3A_1055, %parallel_loop3A_1055 : vector<16xf32>
        %parallel_loop3A_1057 = arith.addf %parallel_loop3A_737, %parallel_loop3A_1056 : vector<16xf32>
        %parallel_loop3A_1058 = arith.subf %parallel_loop3A_837, %parallel_loop3A_965 : vector<16xf32>
        %parallel_loop3A_1059 = arith.addf %parallel_loop3A_1058, %get3A_5 : vector<16xf32>
        %parallel_loop3A_1060 = arith.mulf %parallel_loop3A_1059, %parallel_loop3A_1059 : vector<16xf32>
        %parallel_loop3A_1061 = arith.addf %parallel_loop3A_741, %parallel_loop3A_1060 : vector<16xf32>
        %parallel_loop3A_1062 = arith.subf %parallel_loop3A_845, %parallel_loop3A_973 : vector<16xf32>
        %parallel_loop3A_1063 = arith.addf %parallel_loop3A_1062, %get3A_5 : vector<16xf32>
        %parallel_loop3A_1064 = arith.mulf %parallel_loop3A_1063, %parallel_loop3A_1063 : vector<16xf32>
        %parallel_loop3A_1065 = arith.addf %parallel_loop3A_745, %parallel_loop3A_1064 : vector<16xf32>
        %parallel_loop3A_1066 = arith.subf %parallel_loop3A_853, %parallel_loop3A_981 : vector<16xf32>
        %parallel_loop3A_1067 = arith.addf %parallel_loop3A_1066, %get3A_5 : vector<16xf32>
        %parallel_loop3A_1068 = arith.mulf %parallel_loop3A_1067, %parallel_loop3A_1067 : vector<16xf32>
        %parallel_loop3A_1069 = arith.addf %parallel_loop3A_749, %parallel_loop3A_1068 : vector<16xf32>
        %parallel_loop3A_1070 = arith.subf %parallel_loop3A_861, %parallel_loop3A_989 : vector<16xf32>
        %parallel_loop3A_1071 = arith.addf %parallel_loop3A_1070, %get3A_5 : vector<16xf32>
        %parallel_loop3A_1072 = arith.mulf %parallel_loop3A_1071, %parallel_loop3A_1071 : vector<16xf32>
        %parallel_loop3A_1073 = arith.addf %parallel_loop3A_753, %parallel_loop3A_1072 : vector<16xf32>
        %parallel_loop3A_1074 = arith.subf %parallel_loop3A_869, %parallel_loop3A_997 : vector<16xf32>
        %parallel_loop3A_1075 = arith.addf %parallel_loop3A_1074, %get3A_5 : vector<16xf32>
        %parallel_loop3A_1076 = arith.mulf %parallel_loop3A_1075, %parallel_loop3A_1075 : vector<16xf32>
        %parallel_loop3A_1077 = arith.addf %parallel_loop3A_757, %parallel_loop3A_1076 : vector<16xf32>
        %parallel_loop3A_1078 = arith.subf %parallel_loop3A_877, %parallel_loop3A_1005 : vector<16xf32>
        %parallel_loop3A_1079 = arith.addf %parallel_loop3A_1078, %get3A_5 : vector<16xf32>
        %parallel_loop3A_1080 = arith.mulf %parallel_loop3A_1079, %parallel_loop3A_1079 : vector<16xf32>
        %parallel_loop3A_1081 = arith.addf %parallel_loop3A_761, %parallel_loop3A_1080 : vector<16xf32>
        %parallel_loop3A_1082 = arith.subf %parallel_loop3A_885, %parallel_loop3A_1013 : vector<16xf32>
        %parallel_loop3A_1083 = arith.addf %parallel_loop3A_1082, %get3A_5 : vector<16xf32>
        %parallel_loop3A_1084 = arith.mulf %parallel_loop3A_1083, %parallel_loop3A_1083 : vector<16xf32>
        %parallel_loop3A_1085 = arith.addf %parallel_loop3A_765, %parallel_loop3A_1084 : vector<16xf32>
        %parallel_loop3A_1086 = arith.subf %parallel_loop3A_893, %parallel_loop3A_1021 : vector<16xf32>
        %parallel_loop3A_1087 = arith.addf %parallel_loop3A_1086, %get3A_5 : vector<16xf32>
        %parallel_loop3A_1088 = arith.mulf %parallel_loop3A_1087, %parallel_loop3A_1087 : vector<16xf32>
        %parallel_loop3A_1089 = arith.addf %parallel_loop3A_769, %parallel_loop3A_1088 : vector<16xf32>
        %parallel_loop3A_1090 = arith.subf %parallel_loop3A_901, %parallel_loop3A_1029 : vector<16xf32>
        %parallel_loop3A_1091 = arith.addf %parallel_loop3A_1090, %get3A_5 : vector<16xf32>
        %parallel_loop3A_1092 = arith.mulf %parallel_loop3A_1091, %parallel_loop3A_1091 : vector<16xf32>
        %parallel_loop3A_1093 = arith.addf %parallel_loop3A_773, %parallel_loop3A_1092 : vector<16xf32>
        %parallel_loop3A_1094 = arith.constant 16 : i32
        %parallel_loop3A_1095 = arith.muli %parallel_loop3A_101, %parallel_loop3A_1094 : i32
        %parallel_loop3A_1096 = arith.constant 0 : i32
        %parallel_loop3A_1097 = arith.addi %parallel_loop3A_1095, %parallel_loop3A_1096 : i32
        %parallel_loop3A_1098 = arith.index_cast %and3A_62 : i32 to index
        %parallel_loop3A_1099 = arith.index_cast %parallel_loop3A_1097 : i32 to index
        %parallel_loop3A_1100 = arith.constant 48 : index
        %parallel_loop3A_1101 = tpu.vector_load %arg8[%parallel_loop3A_1098, %parallel_loop3A_1099, %parallel_loop3A_1100] {strides = array<i32>} : memref<2x128x128xf32, #tpu.memory_space<vmem>>, vector<16xf32>,
        %parallel_loop3A_1102 = arith.constant 16 : i32
        %parallel_loop3A_1103 = arith.muli %parallel_loop3A_101, %parallel_loop3A_1102 : i32
        %parallel_loop3A_1104 = arith.constant 1 : i32
        %parallel_loop3A_1105 = arith.addi %parallel_loop3A_1103, %parallel_loop3A_1104 : i32
        %parallel_loop3A_1106 = arith.index_cast %and3A_62 : i32 to index
        %parallel_loop3A_1107 = arith.index_cast %parallel_loop3A_1105 : i32 to index
        %parallel_loop3A_1108 = arith.constant 48 : index
        %parallel_loop3A_1109 = tpu.vector_load %arg8[%parallel_loop3A_1106, %parallel_loop3A_1107, %parallel_loop3A_1108] {strides = array<i32>} : memref<2x128x128xf32, #tpu.memory_space<vmem>>, vector<16xf32>,
        %parallel_loop3A_1110 = arith.constant 16 : i32
        %parallel_loop3A_1111 = arith.muli %parallel_loop3A_101, %parallel_loop3A_1110 : i32
        %parallel_loop3A_1112 = arith.constant 2 : i32
        %parallel_loop3A_1113 = arith.addi %parallel_loop3A_1111, %parallel_loop3A_1112 : i32
        %parallel_loop3A_1114 = arith.index_cast %and3A_62 : i32 to index
        %parallel_loop3A_1115 = arith.index_cast %parallel_loop3A_1113 : i32 to index
        %parallel_loop3A_1116 = arith.constant 48 : index
        %parallel_loop3A_1117 = tpu.vector_load %arg8[%parallel_loop3A_1114, %parallel_loop3A_1115, %parallel_loop3A_1116] {strides = array<i32>} : memref<2x128x128xf32, #tpu.memory_space<vmem>>, vector<16xf32>,
        %parallel_loop3A_1118 = arith.constant 16 : i32
        %parallel_loop3A_1119 = arith.muli %parallel_loop3A_101, %parallel_loop3A_1118 : i32
        %parallel_loop3A_1120 = arith.constant 3 : i32
        %parallel_loop3A_1121 = arith.addi %parallel_loop3A_1119, %parallel_loop3A_1120 : i32
        %parallel_loop3A_1122 = arith.index_cast %and3A_62 : i32 to index
        %parallel_loop3A_1123 = arith.index_cast %parallel_loop3A_1121 : i32 to index
        %parallel_loop3A_1124 = arith.constant 48 : index
        %parallel_loop3A_1125 = tpu.vector_load %arg8[%parallel_loop3A_1122, %parallel_loop3A_1123, %parallel_loop3A_1124] {strides = array<i32>} : memref<2x128x128xf32, #tpu.memory_space<vmem>>, vector<16xf32>,
        %parallel_loop3A_1126 = arith.constant 16 : i32
        %parallel_loop3A_1127 = arith.muli %parallel_loop3A_101, %parallel_loop3A_1126 : i32
        %parallel_loop3A_1128 = arith.constant 4 : i32
        %parallel_loop3A_1129 = arith.addi %parallel_loop3A_1127, %parallel_loop3A_1128 : i32
        %parallel_loop3A_1130 = arith.index_cast %and3A_62 : i32 to index
        %parallel_loop3A_1131 = arith.index_cast %parallel_loop3A_1129 : i32 to index
        %parallel_loop3A_1132 = arith.constant 48 : index
        %parallel_loop3A_1133 = tpu.vector_load %arg8[%parallel_loop3A_1130, %parallel_loop3A_1131, %parallel_loop3A_1132] {strides = array<i32>} : memref<2x128x128xf32, #tpu.memory_space<vmem>>, vector<16xf32>,
        %parallel_loop3A_1134 = arith.constant 16 : i32
        %parallel_loop3A_1135 = arith.muli %parallel_loop3A_101, %parallel_loop3A_1134 : i32
        %parallel_loop3A_1136 = arith.constant 5 : i32
        %parallel_loop3A_1137 = arith.addi %parallel_loop3A_1135, %parallel_loop3A_1136 : i32
        %parallel_loop3A_1138 = arith.index_cast %and3A_62 : i32 to index
        %parallel_loop3A_1139 = arith.index_cast %parallel_loop3A_1137 : i32 to index
        %parallel_loop3A_1140 = arith.constant 48 : index
        %parallel_loop3A_1141 = tpu.vector_load %arg8[%parallel_loop3A_1138, %parallel_loop3A_1139, %parallel_loop3A_1140] {strides = array<i32>} : memref<2x128x128xf32, #tpu.memory_space<vmem>>, vector<16xf32>,
        %parallel_loop3A_1142 = arith.constant 16 : i32
        %parallel_loop3A_1143 = arith.muli %parallel_loop3A_101, %parallel_loop3A_1142 : i32
        %parallel_loop3A_1144 = arith.constant 6 : i32
        %parallel_loop3A_1145 = arith.addi %parallel_loop3A_1143, %parallel_loop3A_1144 : i32
        %parallel_loop3A_1146 = arith.index_cast %and3A_62 : i32 to index
        %parallel_loop3A_1147 = arith.index_cast %parallel_loop3A_1145 : i32 to index
        %parallel_loop3A_1148 = arith.constant 48 : index
        %parallel_loop3A_1149 = tpu.vector_load %arg8[%parallel_loop3A_1146, %parallel_loop3A_1147, %parallel_loop3A_1148] {strides = array<i32>} : memref<2x128x128xf32, #tpu.memory_space<vmem>>, vector<16xf32>,
        %parallel_loop3A_1150 = arith.constant 16 : i32
        %parallel_loop3A_1151 = arith.muli %parallel_loop3A_101, %parallel_loop3A_1150 : i32
        %parallel_loop3A_1152 = arith.constant 7 : i32
        %parallel_loop3A_1153 = arith.addi %parallel_loop3A_1151, %parallel_loop3A_1152 : i32
        %parallel_loop3A_1154 = arith.index_cast %and3A_62 : i32 to index
        %parallel_loop3A_1155 = arith.index_cast %parallel_loop3A_1153 : i32 to index
        %parallel_loop3A_1156 = arith.constant 48 : index
        %parallel_loop3A_1157 = tpu.vector_load %arg8[%parallel_loop3A_1154, %parallel_loop3A_1155, %parallel_loop3A_1156] {strides = array<i32>} : memref<2x128x128xf32, #tpu.memory_space<vmem>>, vector<16xf32>,
        %parallel_loop3A_1158 = arith.constant 16 : i32
        %parallel_loop3A_1159 = arith.muli %parallel_loop3A_101, %parallel_loop3A_1158 : i32
        %parallel_loop3A_1160 = arith.constant 8 : i32
        %parallel_loop3A_1161 = arith.addi %parallel_loop3A_1159, %parallel_loop3A_1160 : i32
        %parallel_loop3A_1162 = arith.index_cast %and3A_62 : i32 to index
        %parallel_loop3A_1163 = arith.index_cast %parallel_loop3A_1161 : i32 to index
        %parallel_loop3A_1164 = arith.constant 48 : index
        %parallel_loop3A_1165 = tpu.vector_load %arg8[%parallel_loop3A_1162, %parallel_loop3A_1163, %parallel_loop3A_1164] {strides = array<i32>} : memref<2x128x128xf32, #tpu.memory_space<vmem>>, vector<16xf32>,
        %parallel_loop3A_1166 = arith.constant 16 : i32
        %parallel_loop3A_1167 = arith.muli %parallel_loop3A_101, %parallel_loop3A_1166 : i32
        %parallel_loop3A_1168 = arith.constant 9 : i32
        %parallel_loop3A_1169 = arith.addi %parallel_loop3A_1167, %parallel_loop3A_1168 : i32
        %parallel_loop3A_1170 = arith.index_cast %and3A_62 : i32 to index
        %parallel_loop3A_1171 = arith.index_cast %parallel_loop3A_1169 : i32 to index
        %parallel_loop3A_1172 = arith.constant 48 : index
        %parallel_loop3A_1173 = tpu.vector_load %arg8[%parallel_loop3A_1170, %parallel_loop3A_1171, %parallel_loop3A_1172] {strides = array<i32>} : memref<2x128x128xf32, #tpu.memory_space<vmem>>, vector<16xf32>,
        %parallel_loop3A_1174 = arith.constant 16 : i32
        %parallel_loop3A_1175 = arith.muli %parallel_loop3A_101, %parallel_loop3A_1174 : i32
        %parallel_loop3A_1176 = arith.constant 10 : i32
        %parallel_loop3A_1177 = arith.addi %parallel_loop3A_1175, %parallel_loop3A_1176 : i32
        %parallel_loop3A_1178 = arith.index_cast %and3A_62 : i32 to index
        %parallel_loop3A_1179 = arith.index_cast %parallel_loop3A_1177 : i32 to index
        %parallel_loop3A_1180 = arith.constant 48 : index
        %parallel_loop3A_1181 = tpu.vector_load %arg8[%parallel_loop3A_1178, %parallel_loop3A_1179, %parallel_loop3A_1180] {strides = array<i32>} : memref<2x128x128xf32, #tpu.memory_space<vmem>>, vector<16xf32>,
        %parallel_loop3A_1182 = arith.constant 16 : i32
        %parallel_loop3A_1183 = arith.muli %parallel_loop3A_101, %parallel_loop3A_1182 : i32
        %parallel_loop3A_1184 = arith.constant 11 : i32
        %parallel_loop3A_1185 = arith.addi %parallel_loop3A_1183, %parallel_loop3A_1184 : i32
        %parallel_loop3A_1186 = arith.index_cast %and3A_62 : i32 to index
        %parallel_loop3A_1187 = arith.index_cast %parallel_loop3A_1185 : i32 to index
        %parallel_loop3A_1188 = arith.constant 48 : index
        %parallel_loop3A_1189 = tpu.vector_load %arg8[%parallel_loop3A_1186, %parallel_loop3A_1187, %parallel_loop3A_1188] {strides = array<i32>} : memref<2x128x128xf32, #tpu.memory_space<vmem>>, vector<16xf32>,
        %parallel_loop3A_1190 = arith.constant 16 : i32
        %parallel_loop3A_1191 = arith.muli %parallel_loop3A_101, %parallel_loop3A_1190 : i32
        %parallel_loop3A_1192 = arith.constant 12 : i32
        %parallel_loop3A_1193 = arith.addi %parallel_loop3A_1191, %parallel_loop3A_1192 : i32
        %parallel_loop3A_1194 = arith.index_cast %and3A_62 : i32 to index
        %parallel_loop3A_1195 = arith.index_cast %parallel_loop3A_1193 : i32 to index
        %parallel_loop3A_1196 = arith.constant 48 : index
        %parallel_loop3A_1197 = tpu.vector_load %arg8[%parallel_loop3A_1194, %parallel_loop3A_1195, %parallel_loop3A_1196] {strides = array<i32>} : memref<2x128x128xf32, #tpu.memory_space<vmem>>, vector<16xf32>,
        %parallel_loop3A_1198 = arith.constant 16 : i32
        %parallel_loop3A_1199 = arith.muli %parallel_loop3A_101, %parallel_loop3A_1198 : i32
        %parallel_loop3A_1200 = arith.constant 13 : i32
        %parallel_loop3A_1201 = arith.addi %parallel_loop3A_1199, %parallel_loop3A_1200 : i32
        %parallel_loop3A_1202 = arith.index_cast %and3A_62 : i32 to index
        %parallel_loop3A_1203 = arith.index_cast %parallel_loop3A_1201 : i32 to index
        %parallel_loop3A_1204 = arith.constant 48 : index
        %parallel_loop3A_1205 = tpu.vector_load %arg8[%parallel_loop3A_1202, %parallel_loop3A_1203, %parallel_loop3A_1204] {strides = array<i32>} : memref<2x128x128xf32, #tpu.memory_space<vmem>>, vector<16xf32>,
        %parallel_loop3A_1206 = arith.constant 16 : i32
        %parallel_loop3A_1207 = arith.muli %parallel_loop3A_101, %parallel_loop3A_1206 : i32
        %parallel_loop3A_1208 = arith.constant 14 : i32
        %parallel_loop3A_1209 = arith.addi %parallel_loop3A_1207, %parallel_loop3A_1208 : i32
        %parallel_loop3A_1210 = arith.index_cast %and3A_62 : i32 to index
        %parallel_loop3A_1211 = arith.index_cast %parallel_loop3A_1209 : i32 to index
        %parallel_loop3A_1212 = arith.constant 48 : index
        %parallel_loop3A_1213 = tpu.vector_load %arg8[%parallel_loop3A_1210, %parallel_loop3A_1211, %parallel_loop3A_1212] {strides = array<i32>} : memref<2x128x128xf32, #tpu.memory_space<vmem>>, vector<16xf32>,
        %parallel_loop3A_1214 = arith.constant 16 : i32
        %parallel_loop3A_1215 = arith.muli %parallel_loop3A_101, %parallel_loop3A_1214 : i32
        %parallel_loop3A_1216 = arith.constant 15 : i32
        %parallel_loop3A_1217 = arith.addi %parallel_loop3A_1215, %parallel_loop3A_1216 : i32
        %parallel_loop3A_1218 = arith.index_cast %and3A_62 : i32 to index
        %parallel_loop3A_1219 = arith.index_cast %parallel_loop3A_1217 : i32 to index
        %parallel_loop3A_1220 = arith.constant 48 : index
        %parallel_loop3A_1221 = tpu.vector_load %arg8[%parallel_loop3A_1218, %parallel_loop3A_1219, %parallel_loop3A_1220] {strides = array<i32>} : memref<2x128x128xf32, #tpu.memory_space<vmem>>, vector<16xf32>,
        %parallel_loop3A_1222 = arith.constant 16 : i32
        %parallel_loop3A_1223 = arith.muli %parallel_loop3A_101, %parallel_loop3A_1222 : i32
        %parallel_loop3A_1224 = arith.constant 0 : i32
        %parallel_loop3A_1225 = arith.addi %parallel_loop3A_1223, %parallel_loop3A_1224 : i32
        %parallel_loop3A_1226 = arith.index_cast %and3A_62 : i32 to index
        %parallel_loop3A_1227 = arith.index_cast %parallel_loop3A_1225 : i32 to index
        %parallel_loop3A_1228 = arith.constant 48 : index
        %parallel_loop3A_1229 = tpu.vector_load %arg9[%parallel_loop3A_1226, %parallel_loop3A_1227, %parallel_loop3A_1228] {strides = array<i32>} : memref<2x128x128xf32, #tpu.memory_space<vmem>>, vector<16xf32>,
        %parallel_loop3A_1230 = arith.constant 16 : i32
        %parallel_loop3A_1231 = arith.muli %parallel_loop3A_101, %parallel_loop3A_1230 : i32
        %parallel_loop3A_1232 = arith.constant 1 : i32
        %parallel_loop3A_1233 = arith.addi %parallel_loop3A_1231, %parallel_loop3A_1232 : i32
        %parallel_loop3A_1234 = arith.index_cast %and3A_62 : i32 to index
        %parallel_loop3A_1235 = arith.index_cast %parallel_loop3A_1233 : i32 to index
        %parallel_loop3A_1236 = arith.constant 48 : index
        %parallel_loop3A_1237 = tpu.vector_load %arg9[%parallel_loop3A_1234, %parallel_loop3A_1235, %parallel_loop3A_1236] {strides = array<i32>} : memref<2x128x128xf32, #tpu.memory_space<vmem>>, vector<16xf32>,
        %parallel_loop3A_1238 = arith.constant 16 : i32
        %parallel_loop3A_1239 = arith.muli %parallel_loop3A_101, %parallel_loop3A_1238 : i32
        %parallel_loop3A_1240 = arith.constant 2 : i32
        %parallel_loop3A_1241 = arith.addi %parallel_loop3A_1239, %parallel_loop3A_1240 : i32
        %parallel_loop3A_1242 = arith.index_cast %and3A_62 : i32 to index
        %parallel_loop3A_1243 = arith.index_cast %parallel_loop3A_1241 : i32 to index
        %parallel_loop3A_1244 = arith.constant 48 : index
        %parallel_loop3A_1245 = tpu.vector_load %arg9[%parallel_loop3A_1242, %parallel_loop3A_1243, %parallel_loop3A_1244] {strides = array<i32>} : memref<2x128x128xf32, #tpu.memory_space<vmem>>, vector<16xf32>,
        %parallel_loop3A_1246 = arith.constant 16 : i32
        %parallel_loop3A_1247 = arith.muli %parallel_loop3A_101, %parallel_loop3A_1246 : i32
        %parallel_loop3A_1248 = arith.constant 3 : i32
        %parallel_loop3A_1249 = arith.addi %parallel_loop3A_1247, %parallel_loop3A_1248 : i32
        %parallel_loop3A_1250 = arith.index_cast %and3A_62 : i32 to index
        %parallel_loop3A_1251 = arith.index_cast %parallel_loop3A_1249 : i32 to index
        %parallel_loop3A_1252 = arith.constant 48 : index
        %parallel_loop3A_1253 = tpu.vector_load %arg9[%parallel_loop3A_1250, %parallel_loop3A_1251, %parallel_loop3A_1252] {strides = array<i32>} : memref<2x128x128xf32, #tpu.memory_space<vmem>>, vector<16xf32>,
        %parallel_loop3A_1254 = arith.constant 16 : i32
        %parallel_loop3A_1255 = arith.muli %parallel_loop3A_101, %parallel_loop3A_1254 : i32
        %parallel_loop3A_1256 = arith.constant 4 : i32
        %parallel_loop3A_1257 = arith.addi %parallel_loop3A_1255, %parallel_loop3A_1256 : i32
        %parallel_loop3A_1258 = arith.index_cast %and3A_62 : i32 to index
        %parallel_loop3A_1259 = arith.index_cast %parallel_loop3A_1257 : i32 to index
        %parallel_loop3A_1260 = arith.constant 48 : index
        %parallel_loop3A_1261 = tpu.vector_load %arg9[%parallel_loop3A_1258, %parallel_loop3A_1259, %parallel_loop3A_1260] {strides = array<i32>} : memref<2x128x128xf32, #tpu.memory_space<vmem>>, vector<16xf32>,
        %parallel_loop3A_1262 = arith.constant 16 : i32
        %parallel_loop3A_1263 = arith.muli %parallel_loop3A_101, %parallel_loop3A_1262 : i32
        %parallel_loop3A_1264 = arith.constant 5 : i32
        %parallel_loop3A_1265 = arith.addi %parallel_loop3A_1263, %parallel_loop3A_1264 : i32
        %parallel_loop3A_1266 = arith.index_cast %and3A_62 : i32 to index
        %parallel_loop3A_1267 = arith.index_cast %parallel_loop3A_1265 : i32 to index
        %parallel_loop3A_1268 = arith.constant 48 : index
        %parallel_loop3A_1269 = tpu.vector_load %arg9[%parallel_loop3A_1266, %parallel_loop3A_1267, %parallel_loop3A_1268] {strides = array<i32>} : memref<2x128x128xf32, #tpu.memory_space<vmem>>, vector<16xf32>,
        %parallel_loop3A_1270 = arith.constant 16 : i32
        %parallel_loop3A_1271 = arith.muli %parallel_loop3A_101, %parallel_loop3A_1270 : i32
        %parallel_loop3A_1272 = arith.constant 6 : i32
        %parallel_loop3A_1273 = arith.addi %parallel_loop3A_1271, %parallel_loop3A_1272 : i32
        %parallel_loop3A_1274 = arith.index_cast %and3A_62 : i32 to index
        %parallel_loop3A_1275 = arith.index_cast %parallel_loop3A_1273 : i32 to index
        %parallel_loop3A_1276 = arith.constant 48 : index
        %parallel_loop3A_1277 = tpu.vector_load %arg9[%parallel_loop3A_1274, %parallel_loop3A_1275, %parallel_loop3A_1276] {strides = array<i32>} : memref<2x128x128xf32, #tpu.memory_space<vmem>>, vector<16xf32>,
        %parallel_loop3A_1278 = arith.constant 16 : i32
        %parallel_loop3A_1279 = arith.muli %parallel_loop3A_101, %parallel_loop3A_1278 : i32
        %parallel_loop3A_1280 = arith.constant 7 : i32
        %parallel_loop3A_1281 = arith.addi %parallel_loop3A_1279, %parallel_loop3A_1280 : i32
        %parallel_loop3A_1282 = arith.index_cast %and3A_62 : i32 to index
        %parallel_loop3A_1283 = arith.index_cast %parallel_loop3A_1281 : i32 to index
        %parallel_loop3A_1284 = arith.constant 48 : index
        %parallel_loop3A_1285 = tpu.vector_load %arg9[%parallel_loop3A_1282, %parallel_loop3A_1283, %parallel_loop3A_1284] {strides = array<i32>} : memref<2x128x128xf32, #tpu.memory_space<vmem>>, vector<16xf32>,
        %parallel_loop3A_1286 = arith.constant 16 : i32
        %parallel_loop3A_1287 = arith.muli %parallel_loop3A_101, %parallel_loop3A_1286 : i32
        %parallel_loop3A_1288 = arith.constant 8 : i32
        %parallel_loop3A_1289 = arith.addi %parallel_loop3A_1287, %parallel_loop3A_1288 : i32
        %parallel_loop3A_1290 = arith.index_cast %and3A_62 : i32 to index
        %parallel_loop3A_1291 = arith.index_cast %parallel_loop3A_1289 : i32 to index
        %parallel_loop3A_1292 = arith.constant 48 : index
        %parallel_loop3A_1293 = tpu.vector_load %arg9[%parallel_loop3A_1290, %parallel_loop3A_1291, %parallel_loop3A_1292] {strides = array<i32>} : memref<2x128x128xf32, #tpu.memory_space<vmem>>, vector<16xf32>,
        %parallel_loop3A_1294 = arith.constant 16 : i32
        %parallel_loop3A_1295 = arith.muli %parallel_loop3A_101, %parallel_loop3A_1294 : i32
        %parallel_loop3A_1296 = arith.constant 9 : i32
        %parallel_loop3A_1297 = arith.addi %parallel_loop3A_1295, %parallel_loop3A_1296 : i32
        %parallel_loop3A_1298 = arith.index_cast %and3A_62 : i32 to index
        %parallel_loop3A_1299 = arith.index_cast %parallel_loop3A_1297 : i32 to index
        %parallel_loop3A_1300 = arith.constant 48 : index
        %parallel_loop3A_1301 = tpu.vector_load %arg9[%parallel_loop3A_1298, %parallel_loop3A_1299, %parallel_loop3A_1300] {strides = array<i32>} : memref<2x128x128xf32, #tpu.memory_space<vmem>>, vector<16xf32>,
        %parallel_loop3A_1302 = arith.constant 16 : i32
        %parallel_loop3A_1303 = arith.muli %parallel_loop3A_101, %parallel_loop3A_1302 : i32
        %parallel_loop3A_1304 = arith.constant 10 : i32
        %parallel_loop3A_1305 = arith.addi %parallel_loop3A_1303, %parallel_loop3A_1304 : i32
        %parallel_loop3A_1306 = arith.index_cast %and3A_62 : i32 to index
        %parallel_loop3A_1307 = arith.index_cast %parallel_loop3A_1305 : i32 to index
        %parallel_loop3A_1308 = arith.constant 48 : index
        %parallel_loop3A_1309 = tpu.vector_load %arg9[%parallel_loop3A_1306, %parallel_loop3A_1307, %parallel_loop3A_1308] {strides = array<i32>} : memref<2x128x128xf32, #tpu.memory_space<vmem>>, vector<16xf32>,
        %parallel_loop3A_1310 = arith.constant 16 : i32
        %parallel_loop3A_1311 = arith.muli %parallel_loop3A_101, %parallel_loop3A_1310 : i32
        %parallel_loop3A_1312 = arith.constant 11 : i32
        %parallel_loop3A_1313 = arith.addi %parallel_loop3A_1311, %parallel_loop3A_1312 : i32
        %parallel_loop3A_1314 = arith.index_cast %and3A_62 : i32 to index
        %parallel_loop3A_1315 = arith.index_cast %parallel_loop3A_1313 : i32 to index
        %parallel_loop3A_1316 = arith.constant 48 : index
        %parallel_loop3A_1317 = tpu.vector_load %arg9[%parallel_loop3A_1314, %parallel_loop3A_1315, %parallel_loop3A_1316] {strides = array<i32>} : memref<2x128x128xf32, #tpu.memory_space<vmem>>, vector<16xf32>,
        %parallel_loop3A_1318 = arith.constant 16 : i32
        %parallel_loop3A_1319 = arith.muli %parallel_loop3A_101, %parallel_loop3A_1318 : i32
        %parallel_loop3A_1320 = arith.constant 12 : i32
        %parallel_loop3A_1321 = arith.addi %parallel_loop3A_1319, %parallel_loop3A_1320 : i32
        %parallel_loop3A_1322 = arith.index_cast %and3A_62 : i32 to index
        %parallel_loop3A_1323 = arith.index_cast %parallel_loop3A_1321 : i32 to index
        %parallel_loop3A_1324 = arith.constant 48 : index
        %parallel_loop3A_1325 = tpu.vector_load %arg9[%parallel_loop3A_1322, %parallel_loop3A_1323, %parallel_loop3A_1324] {strides = array<i32>} : memref<2x128x128xf32, #tpu.memory_space<vmem>>, vector<16xf32>,
        %parallel_loop3A_1326 = arith.constant 16 : i32
        %parallel_loop3A_1327 = arith.muli %parallel_loop3A_101, %parallel_loop3A_1326 : i32
        %parallel_loop3A_1328 = arith.constant 13 : i32
        %parallel_loop3A_1329 = arith.addi %parallel_loop3A_1327, %parallel_loop3A_1328 : i32
        %parallel_loop3A_1330 = arith.index_cast %and3A_62 : i32 to index
        %parallel_loop3A_1331 = arith.index_cast %parallel_loop3A_1329 : i32 to index
        %parallel_loop3A_1332 = arith.constant 48 : index
        %parallel_loop3A_1333 = tpu.vector_load %arg9[%parallel_loop3A_1330, %parallel_loop3A_1331, %parallel_loop3A_1332] {strides = array<i32>} : memref<2x128x128xf32, #tpu.memory_space<vmem>>, vector<16xf32>,
        %parallel_loop3A_1334 = arith.constant 16 : i32
        %parallel_loop3A_1335 = arith.muli %parallel_loop3A_101, %parallel_loop3A_1334 : i32
        %parallel_loop3A_1336 = arith.constant 14 : i32
        %parallel_loop3A_1337 = arith.addi %parallel_loop3A_1335, %parallel_loop3A_1336 : i32
        %parallel_loop3A_1338 = arith.index_cast %and3A_62 : i32 to index
        %parallel_loop3A_1339 = arith.index_cast %parallel_loop3A_1337 : i32 to index
        %parallel_loop3A_1340 = arith.constant 48 : index
        %parallel_loop3A_1341 = tpu.vector_load %arg9[%parallel_loop3A_1338, %parallel_loop3A_1339, %parallel_loop3A_1340] {strides = array<i32>} : memref<2x128x128xf32, #tpu.memory_space<vmem>>, vector<16xf32>,
        %parallel_loop3A_1342 = arith.constant 16 : i32
        %parallel_loop3A_1343 = arith.muli %parallel_loop3A_101, %parallel_loop3A_1342 : i32
        %parallel_loop3A_1344 = arith.constant 15 : i32
        %parallel_loop3A_1345 = arith.addi %parallel_loop3A_1343, %parallel_loop3A_1344 : i32
        %parallel_loop3A_1346 = arith.index_cast %and3A_62 : i32 to index
        %parallel_loop3A_1347 = arith.index_cast %parallel_loop3A_1345 : i32 to index
        %parallel_loop3A_1348 = arith.constant 48 : index
        %parallel_loop3A_1349 = tpu.vector_load %arg9[%parallel_loop3A_1346, %parallel_loop3A_1347, %parallel_loop3A_1348] {strides = array<i32>} : memref<2x128x128xf32, #tpu.memory_space<vmem>>, vector<16xf32>,
        %parallel_loop3A_1350 = arith.subf %parallel_loop3A_1101, %parallel_loop3A_1229 : vector<16xf32>
        %parallel_loop3A_1351 = arith.addf %parallel_loop3A_1350, %get3A_7 : vector<16xf32>
        %parallel_loop3A_1352 = arith.mulf %parallel_loop3A_1351, %parallel_loop3A_1351 : vector<16xf32>
        %parallel_loop3A_1353 = arith.addf %parallel_loop3A_1033, %parallel_loop3A_1352 : vector<16xf32>
        %parallel_loop3A_1354 = arith.subf %parallel_loop3A_1109, %parallel_loop3A_1237 : vector<16xf32>
        %parallel_loop3A_1355 = arith.addf %parallel_loop3A_1354, %get3A_7 : vector<16xf32>
        %parallel_loop3A_1356 = arith.mulf %parallel_loop3A_1355, %parallel_loop3A_1355 : vector<16xf32>
        %parallel_loop3A_1357 = arith.addf %parallel_loop3A_1037, %parallel_loop3A_1356 : vector<16xf32>
        %parallel_loop3A_1358 = arith.subf %parallel_loop3A_1117, %parallel_loop3A_1245 : vector<16xf32>
        %parallel_loop3A_1359 = arith.addf %parallel_loop3A_1358, %get3A_7 : vector<16xf32>
        %parallel_loop3A_1360 = arith.mulf %parallel_loop3A_1359, %parallel_loop3A_1359 : vector<16xf32>
        %parallel_loop3A_1361 = arith.addf %parallel_loop3A_1041, %parallel_loop3A_1360 : vector<16xf32>
        %parallel_loop3A_1362 = arith.subf %parallel_loop3A_1125, %parallel_loop3A_1253 : vector<16xf32>
        %parallel_loop3A_1363 = arith.addf %parallel_loop3A_1362, %get3A_7 : vector<16xf32>
        %parallel_loop3A_1364 = arith.mulf %parallel_loop3A_1363, %parallel_loop3A_1363 : vector<16xf32>
        %parallel_loop3A_1365 = arith.addf %parallel_loop3A_1045, %parallel_loop3A_1364 : vector<16xf32>
        %parallel_loop3A_1366 = arith.subf %parallel_loop3A_1133, %parallel_loop3A_1261 : vector<16xf32>
        %parallel_loop3A_1367 = arith.addf %parallel_loop3A_1366, %get3A_7 : vector<16xf32>
        %parallel_loop3A_1368 = arith.mulf %parallel_loop3A_1367, %parallel_loop3A_1367 : vector<16xf32>
        %parallel_loop3A_1369 = arith.addf %parallel_loop3A_1049, %parallel_loop3A_1368 : vector<16xf32>
        %parallel_loop3A_1370 = arith.subf %parallel_loop3A_1141, %parallel_loop3A_1269 : vector<16xf32>
        %parallel_loop3A_1371 = arith.addf %parallel_loop3A_1370, %get3A_7 : vector<16xf32>
        %parallel_loop3A_1372 = arith.mulf %parallel_loop3A_1371, %parallel_loop3A_1371 : vector<16xf32>
        %parallel_loop3A_1373 = arith.addf %parallel_loop3A_1053, %parallel_loop3A_1372 : vector<16xf32>
        %parallel_loop3A_1374 = arith.subf %parallel_loop3A_1149, %parallel_loop3A_1277 : vector<16xf32>
        %parallel_loop3A_1375 = arith.addf %parallel_loop3A_1374, %get3A_7 : vector<16xf32>
        %parallel_loop3A_1376 = arith.mulf %parallel_loop3A_1375, %parallel_loop3A_1375 : vector<16xf32>
        %parallel_loop3A_1377 = arith.addf %parallel_loop3A_1057, %parallel_loop3A_1376 : vector<16xf32>
        %parallel_loop3A_1378 = arith.subf %parallel_loop3A_1157, %parallel_loop3A_1285 : vector<16xf32>
        %parallel_loop3A_1379 = arith.addf %parallel_loop3A_1378, %get3A_7 : vector<16xf32>
        %parallel_loop3A_1380 = arith.mulf %parallel_loop3A_1379, %parallel_loop3A_1379 : vector<16xf32>
        %parallel_loop3A_1381 = arith.addf %parallel_loop3A_1061, %parallel_loop3A_1380 : vector<16xf32>
        %parallel_loop3A_1382 = arith.subf %parallel_loop3A_1165, %parallel_loop3A_1293 : vector<16xf32>
        %parallel_loop3A_1383 = arith.addf %parallel_loop3A_1382, %get3A_7 : vector<16xf32>
        %parallel_loop3A_1384 = arith.mulf %parallel_loop3A_1383, %parallel_loop3A_1383 : vector<16xf32>
        %parallel_loop3A_1385 = arith.addf %parallel_loop3A_1065, %parallel_loop3A_1384 : vector<16xf32>
        %parallel_loop3A_1386 = arith.subf %parallel_loop3A_1173, %parallel_loop3A_1301 : vector<16xf32>
        %parallel_loop3A_1387 = arith.addf %parallel_loop3A_1386, %get3A_7 : vector<16xf32>
        %parallel_loop3A_1388 = arith.mulf %parallel_loop3A_1387, %parallel_loop3A_1387 : vector<16xf32>
        %parallel_loop3A_1389 = arith.addf %parallel_loop3A_1069, %parallel_loop3A_1388 : vector<16xf32>
        %parallel_loop3A_1390 = arith.subf %parallel_loop3A_1181, %parallel_loop3A_1309 : vector<16xf32>
        %parallel_loop3A_1391 = arith.addf %parallel_loop3A_1390, %get3A_7 : vector<16xf32>
        %parallel_loop3A_1392 = arith.mulf %parallel_loop3A_1391, %parallel_loop3A_1391 : vector<16xf32>
        %parallel_loop3A_1393 = arith.addf %parallel_loop3A_1073, %parallel_loop3A_1392 : vector<16xf32>
        %parallel_loop3A_1394 = arith.subf %parallel_loop3A_1189, %parallel_loop3A_1317 : vector<16xf32>
        %parallel_loop3A_1395 = arith.addf %parallel_loop3A_1394, %get3A_7 : vector<16xf32>
        %parallel_loop3A_1396 = arith.mulf %parallel_loop3A_1395, %parallel_loop3A_1395 : vector<16xf32>
        %parallel_loop3A_1397 = arith.addf %parallel_loop3A_1077, %parallel_loop3A_1396 : vector<16xf32>
        %parallel_loop3A_1398 = arith.subf %parallel_loop3A_1197, %parallel_loop3A_1325 : vector<16xf32>
        %parallel_loop3A_1399 = arith.addf %parallel_loop3A_1398, %get3A_7 : vector<16xf32>
        %parallel_loop3A_1400 = arith.mulf %parallel_loop3A_1399, %parallel_loop3A_1399 : vector<16xf32>
        %parallel_loop3A_1401 = arith.addf %parallel_loop3A_1081, %parallel_loop3A_1400 : vector<16xf32>
        %parallel_loop3A_1402 = arith.subf %parallel_loop3A_1205, %parallel_loop3A_1333 : vector<16xf32>
        %parallel_loop3A_1403 = arith.addf %parallel_loop3A_1402, %get3A_7 : vector<16xf32>
        %parallel_loop3A_1404 = arith.mulf %parallel_loop3A_1403, %parallel_loop3A_1403 : vector<16xf32>
        %parallel_loop3A_1405 = arith.addf %parallel_loop3A_1085, %parallel_loop3A_1404 : vector<16xf32>
        %parallel_loop3A_1406 = arith.subf %parallel_loop3A_1213, %parallel_loop3A_1341 : vector<16xf32>
        %parallel_loop3A_1407 = arith.addf %parallel_loop3A_1406, %get3A_7 : vector<16xf32>
        %parallel_loop3A_1408 = arith.mulf %parallel_loop3A_1407, %parallel_loop3A_1407 : vector<16xf32>
        %parallel_loop3A_1409 = arith.addf %parallel_loop3A_1089, %parallel_loop3A_1408 : vector<16xf32>
        %parallel_loop3A_1410 = arith.subf %parallel_loop3A_1221, %parallel_loop3A_1349 : vector<16xf32>
        %parallel_loop3A_1411 = arith.addf %parallel_loop3A_1410, %get3A_7 : vector<16xf32>
        %parallel_loop3A_1412 = arith.mulf %parallel_loop3A_1411, %parallel_loop3A_1411 : vector<16xf32>
        %parallel_loop3A_1413 = arith.addf %parallel_loop3A_1093, %parallel_loop3A_1412 : vector<16xf32>
        %parallel_loop3A_1414 = arith.constant 16 : i32
        %parallel_loop3A_1415 = arith.muli %parallel_loop3A_101, %parallel_loop3A_1414 : i32
        %parallel_loop3A_1416 = arith.constant 0 : i32
        %parallel_loop3A_1417 = arith.addi %parallel_loop3A_1415, %parallel_loop3A_1416 : i32
        %parallel_loop3A_1418 = arith.index_cast %and3A_62 : i32 to index
        %parallel_loop3A_1419 = arith.index_cast %parallel_loop3A_1417 : i32 to index
        %parallel_loop3A_1420 = arith.constant 64 : index
        %parallel_loop3A_1421 = tpu.vector_load %arg8[%parallel_loop3A_1418, %parallel_loop3A_1419, %parallel_loop3A_1420] {strides = array<i32>} : memref<2x128x128xf32, #tpu.memory_space<vmem>>, vector<16xf32>,
        %parallel_loop3A_1422 = arith.constant 16 : i32
        %parallel_loop3A_1423 = arith.muli %parallel_loop3A_101, %parallel_loop3A_1422 : i32
        %parallel_loop3A_1424 = arith.constant 1 : i32
        %parallel_loop3A_1425 = arith.addi %parallel_loop3A_1423, %parallel_loop3A_1424 : i32
        %parallel_loop3A_1426 = arith.index_cast %and3A_62 : i32 to index
        %parallel_loop3A_1427 = arith.index_cast %parallel_loop3A_1425 : i32 to index
        %parallel_loop3A_1428 = arith.constant 64 : index
        %parallel_loop3A_1429 = tpu.vector_load %arg8[%parallel_loop3A_1426, %parallel_loop3A_1427, %parallel_loop3A_1428] {strides = array<i32>} : memref<2x128x128xf32, #tpu.memory_space<vmem>>, vector<16xf32>,
        %parallel_loop3A_1430 = arith.constant 16 : i32
        %parallel_loop3A_1431 = arith.muli %parallel_loop3A_101, %parallel_loop3A_1430 : i32
        %parallel_loop3A_1432 = arith.constant 2 : i32
        %parallel_loop3A_1433 = arith.addi %parallel_loop3A_1431, %parallel_loop3A_1432 : i32
        %parallel_loop3A_1434 = arith.index_cast %and3A_62 : i32 to index
        %parallel_loop3A_1435 = arith.index_cast %parallel_loop3A_1433 : i32 to index
        %parallel_loop3A_1436 = arith.constant 64 : index
        %parallel_loop3A_1437 = tpu.vector_load %arg8[%parallel_loop3A_1434, %parallel_loop3A_1435, %parallel_loop3A_1436] {strides = array<i32>} : memref<2x128x128xf32, #tpu.memory_space<vmem>>, vector<16xf32>,
        %parallel_loop3A_1438 = arith.constant 16 : i32
        %parallel_loop3A_1439 = arith.muli %parallel_loop3A_101, %parallel_loop3A_1438 : i32
        %parallel_loop3A_1440 = arith.constant 3 : i32
        %parallel_loop3A_1441 = arith.addi %parallel_loop3A_1439, %parallel_loop3A_1440 : i32
        %parallel_loop3A_1442 = arith.index_cast %and3A_62 : i32 to index
        %parallel_loop3A_1443 = arith.index_cast %parallel_loop3A_1441 : i32 to index
        %parallel_loop3A_1444 = arith.constant 64 : index
        %parallel_loop3A_1445 = tpu.vector_load %arg8[%parallel_loop3A_1442, %parallel_loop3A_1443, %parallel_loop3A_1444] {strides = array<i32>} : memref<2x128x128xf32, #tpu.memory_space<vmem>>, vector<16xf32>,
        %parallel_loop3A_1446 = arith.constant 16 : i32
        %parallel_loop3A_1447 = arith.muli %parallel_loop3A_101, %parallel_loop3A_1446 : i32
        %parallel_loop3A_1448 = arith.constant 4 : i32
        %parallel_loop3A_1449 = arith.addi %parallel_loop3A_1447, %parallel_loop3A_1448 : i32
        %parallel_loop3A_1450 = arith.index_cast %and3A_62 : i32 to index
        %parallel_loop3A_1451 = arith.index_cast %parallel_loop3A_1449 : i32 to index
        %parallel_loop3A_1452 = arith.constant 64 : index
        %parallel_loop3A_1453 = tpu.vector_load %arg8[%parallel_loop3A_1450, %parallel_loop3A_1451, %parallel_loop3A_1452] {strides = array<i32>} : memref<2x128x128xf32, #tpu.memory_space<vmem>>, vector<16xf32>,
        %parallel_loop3A_1454 = arith.constant 16 : i32
        %parallel_loop3A_1455 = arith.muli %parallel_loop3A_101, %parallel_loop3A_1454 : i32
        %parallel_loop3A_1456 = arith.constant 5 : i32
        %parallel_loop3A_1457 = arith.addi %parallel_loop3A_1455, %parallel_loop3A_1456 : i32
        %parallel_loop3A_1458 = arith.index_cast %and3A_62 : i32 to index
        %parallel_loop3A_1459 = arith.index_cast %parallel_loop3A_1457 : i32 to index
        %parallel_loop3A_1460 = arith.constant 64 : index
        %parallel_loop3A_1461 = tpu.vector_load %arg8[%parallel_loop3A_1458, %parallel_loop3A_1459, %parallel_loop3A_1460] {strides = array<i32>} : memref<2x128x128xf32, #tpu.memory_space<vmem>>, vector<16xf32>,
        %parallel_loop3A_1462 = arith.constant 16 : i32
        %parallel_loop3A_1463 = arith.muli %parallel_loop3A_101, %parallel_loop3A_1462 : i32
        %parallel_loop3A_1464 = arith.constant 6 : i32
        %parallel_loop3A_1465 = arith.addi %parallel_loop3A_1463, %parallel_loop3A_1464 : i32
        %parallel_loop3A_1466 = arith.index_cast %and3A_62 : i32 to index
        %parallel_loop3A_1467 = arith.index_cast %parallel_loop3A_1465 : i32 to index
        %parallel_loop3A_1468 = arith.constant 64 : index
        %parallel_loop3A_1469 = tpu.vector_load %arg8[%parallel_loop3A_1466, %parallel_loop3A_1467, %parallel_loop3A_1468] {strides = array<i32>} : memref<2x128x128xf32, #tpu.memory_space<vmem>>, vector<16xf32>,
        %parallel_loop3A_1470 = arith.constant 16 : i32
        %parallel_loop3A_1471 = arith.muli %parallel_loop3A_101, %parallel_loop3A_1470 : i32
        %parallel_loop3A_1472 = arith.constant 7 : i32
        %parallel_loop3A_1473 = arith.addi %parallel_loop3A_1471, %parallel_loop3A_1472 : i32
        %parallel_loop3A_1474 = arith.index_cast %and3A_62 : i32 to index
        %parallel_loop3A_1475 = arith.index_cast %parallel_loop3A_1473 : i32 to index
        %parallel_loop3A_1476 = arith.constant 64 : index
        %parallel_loop3A_1477 = tpu.vector_load %arg8[%parallel_loop3A_1474, %parallel_loop3A_1475, %parallel_loop3A_1476] {strides = array<i32>} : memref<2x128x128xf32, #tpu.memory_space<vmem>>, vector<16xf32>,
        %parallel_loop3A_1478 = arith.constant 16 : i32
        %parallel_loop3A_1479 = arith.muli %parallel_loop3A_101, %parallel_loop3A_1478 : i32
        %parallel_loop3A_1480 = arith.constant 8 : i32
        %parallel_loop3A_1481 = arith.addi %parallel_loop3A_1479, %parallel_loop3A_1480 : i32
        %parallel_loop3A_1482 = arith.index_cast %and3A_62 : i32 to index
        %parallel_loop3A_1483 = arith.index_cast %parallel_loop3A_1481 : i32 to index
        %parallel_loop3A_1484 = arith.constant 64 : index
        %parallel_loop3A_1485 = tpu.vector_load %arg8[%parallel_loop3A_1482, %parallel_loop3A_1483, %parallel_loop3A_1484] {strides = array<i32>} : memref<2x128x128xf32, #tpu.memory_space<vmem>>, vector<16xf32>,
        %parallel_loop3A_1486 = arith.constant 16 : i32
        %parallel_loop3A_1487 = arith.muli %parallel_loop3A_101, %parallel_loop3A_1486 : i32
        %parallel_loop3A_1488 = arith.constant 9 : i32
        %parallel_loop3A_1489 = arith.addi %parallel_loop3A_1487, %parallel_loop3A_1488 : i32
        %parallel_loop3A_1490 = arith.index_cast %and3A_62 : i32 to index
        %parallel_loop3A_1491 = arith.index_cast %parallel_loop3A_1489 : i32 to index
        %parallel_loop3A_1492 = arith.constant 64 : index
        %parallel_loop3A_1493 = tpu.vector_load %arg8[%parallel_loop3A_1490, %parallel_loop3A_1491, %parallel_loop3A_1492] {strides = array<i32>} : memref<2x128x128xf32, #tpu.memory_space<vmem>>, vector<16xf32>,
        %parallel_loop3A_1494 = arith.constant 16 : i32
        %parallel_loop3A_1495 = arith.muli %parallel_loop3A_101, %parallel_loop3A_1494 : i32
        %parallel_loop3A_1496 = arith.constant 10 : i32
        %parallel_loop3A_1497 = arith.addi %parallel_loop3A_1495, %parallel_loop3A_1496 : i32
        %parallel_loop3A_1498 = arith.index_cast %and3A_62 : i32 to index
        %parallel_loop3A_1499 = arith.index_cast %parallel_loop3A_1497 : i32 to index
        %parallel_loop3A_1500 = arith.constant 64 : index
        %parallel_loop3A_1501 = tpu.vector_load %arg8[%parallel_loop3A_1498, %parallel_loop3A_1499, %parallel_loop3A_1500] {strides = array<i32>} : memref<2x128x128xf32, #tpu.memory_space<vmem>>, vector<16xf32>,
        %parallel_loop3A_1502 = arith.constant 16 : i32
        %parallel_loop3A_1503 = arith.muli %parallel_loop3A_101, %parallel_loop3A_1502 : i32
        %parallel_loop3A_1504 = arith.constant 11 : i32
        %parallel_loop3A_1505 = arith.addi %parallel_loop3A_1503, %parallel_loop3A_1504 : i32
        %parallel_loop3A_1506 = arith.index_cast %and3A_62 : i32 to index
        %parallel_loop3A_1507 = arith.index_cast %parallel_loop3A_1505 : i32 to index
        %parallel_loop3A_1508 = arith.constant 64 : index
        %parallel_loop3A_1509 = tpu.vector_load %arg8[%parallel_loop3A_1506, %parallel_loop3A_1507, %parallel_loop3A_1508] {strides = array<i32>} : memref<2x128x128xf32, #tpu.memory_space<vmem>>, vector<16xf32>,
        %parallel_loop3A_1510 = arith.constant 16 : i32
        %parallel_loop3A_1511 = arith.muli %parallel_loop3A_101, %parallel_loop3A_1510 : i32
        %parallel_loop3A_1512 = arith.constant 12 : i32
        %parallel_loop3A_1513 = arith.addi %parallel_loop3A_1511, %parallel_loop3A_1512 : i32
        %parallel_loop3A_1514 = arith.index_cast %and3A_62 : i32 to index
        %parallel_loop3A_1515 = arith.index_cast %parallel_loop3A_1513 : i32 to index
        %parallel_loop3A_1516 = arith.constant 64 : index
        %parallel_loop3A_1517 = tpu.vector_load %arg8[%parallel_loop3A_1514, %parallel_loop3A_1515, %parallel_loop3A_1516] {strides = array<i32>} : memref<2x128x128xf32, #tpu.memory_space<vmem>>, vector<16xf32>,
        %parallel_loop3A_1518 = arith.constant 16 : i32
        %parallel_loop3A_1519 = arith.muli %parallel_loop3A_101, %parallel_loop3A_1518 : i32
        %parallel_loop3A_1520 = arith.constant 13 : i32
        %parallel_loop3A_1521 = arith.addi %parallel_loop3A_1519, %parallel_loop3A_1520 : i32
        %parallel_loop3A_1522 = arith.index_cast %and3A_62 : i32 to index
        %parallel_loop3A_1523 = arith.index_cast %parallel_loop3A_1521 : i32 to index
        %parallel_loop3A_1524 = arith.constant 64 : index
        %parallel_loop3A_1525 = tpu.vector_load %arg8[%parallel_loop3A_1522, %parallel_loop3A_1523, %parallel_loop3A_1524] {strides = array<i32>} : memref<2x128x128xf32, #tpu.memory_space<vmem>>, vector<16xf32>,
        %parallel_loop3A_1526 = arith.constant 16 : i32
        %parallel_loop3A_1527 = arith.muli %parallel_loop3A_101, %parallel_loop3A_1526 : i32
        %parallel_loop3A_1528 = arith.constant 14 : i32
        %parallel_loop3A_1529 = arith.addi %parallel_loop3A_1527, %parallel_loop3A_1528 : i32
        %parallel_loop3A_1530 = arith.index_cast %and3A_62 : i32 to index
        %parallel_loop3A_1531 = arith.index_cast %parallel_loop3A_1529 : i32 to index
        %parallel_loop3A_1532 = arith.constant 64 : index
        %parallel_loop3A_1533 = tpu.vector_load %arg8[%parallel_loop3A_1530, %parallel_loop3A_1531, %parallel_loop3A_1532] {strides = array<i32>} : memref<2x128x128xf32, #tpu.memory_space<vmem>>, vector<16xf32>,
        %parallel_loop3A_1534 = arith.constant 16 : i32
        %parallel_loop3A_1535 = arith.muli %parallel_loop3A_101, %parallel_loop3A_1534 : i32
        %parallel_loop3A_1536 = arith.constant 15 : i32
        %parallel_loop3A_1537 = arith.addi %parallel_loop3A_1535, %parallel_loop3A_1536 : i32
        %parallel_loop3A_1538 = arith.index_cast %and3A_62 : i32 to index
        %parallel_loop3A_1539 = arith.index_cast %parallel_loop3A_1537 : i32 to index
        %parallel_loop3A_1540 = arith.constant 64 : index
        %parallel_loop3A_1541 = tpu.vector_load %arg8[%parallel_loop3A_1538, %parallel_loop3A_1539, %parallel_loop3A_1540] {strides = array<i32>} : memref<2x128x128xf32, #tpu.memory_space<vmem>>, vector<16xf32>,
        %parallel_loop3A_1542 = arith.constant 16 : i32
        %parallel_loop3A_1543 = arith.muli %parallel_loop3A_101, %parallel_loop3A_1542 : i32
        %parallel_loop3A_1544 = arith.constant 0 : i32
        %parallel_loop3A_1545 = arith.addi %parallel_loop3A_1543, %parallel_loop3A_1544 : i32
        %parallel_loop3A_1546 = arith.index_cast %and3A_62 : i32 to index
        %parallel_loop3A_1547 = arith.index_cast %parallel_loop3A_1545 : i32 to index
        %parallel_loop3A_1548 = arith.constant 64 : index
        %parallel_loop3A_1549 = tpu.vector_load %arg9[%parallel_loop3A_1546, %parallel_loop3A_1547, %parallel_loop3A_1548] {strides = array<i32>} : memref<2x128x128xf32, #tpu.memory_space<vmem>>, vector<16xf32>,
        %parallel_loop3A_1550 = arith.constant 16 : i32
        %parallel_loop3A_1551 = arith.muli %parallel_loop3A_101, %parallel_loop3A_1550 : i32
        %parallel_loop3A_1552 = arith.constant 1 : i32
        %parallel_loop3A_1553 = arith.addi %parallel_loop3A_1551, %parallel_loop3A_1552 : i32
        %parallel_loop3A_1554 = arith.index_cast %and3A_62 : i32 to index
        %parallel_loop3A_1555 = arith.index_cast %parallel_loop3A_1553 : i32 to index
        %parallel_loop3A_1556 = arith.constant 64 : index
        %parallel_loop3A_1557 = tpu.vector_load %arg9[%parallel_loop3A_1554, %parallel_loop3A_1555, %parallel_loop3A_1556] {strides = array<i32>} : memref<2x128x128xf32, #tpu.memory_space<vmem>>, vector<16xf32>,
        %parallel_loop3A_1558 = arith.constant 16 : i32
        %parallel_loop3A_1559 = arith.muli %parallel_loop3A_101, %parallel_loop3A_1558 : i32
        %parallel_loop3A_1560 = arith.constant 2 : i32
        %parallel_loop3A_1561 = arith.addi %parallel_loop3A_1559, %parallel_loop3A_1560 : i32
        %parallel_loop3A_1562 = arith.index_cast %and3A_62 : i32 to index
        %parallel_loop3A_1563 = arith.index_cast %parallel_loop3A_1561 : i32 to index
        %parallel_loop3A_1564 = arith.constant 64 : index
        %parallel_loop3A_1565 = tpu.vector_load %arg9[%parallel_loop3A_1562, %parallel_loop3A_1563, %parallel_loop3A_1564] {strides = array<i32>} : memref<2x128x128xf32, #tpu.memory_space<vmem>>, vector<16xf32>,
        %parallel_loop3A_1566 = arith.constant 16 : i32
        %parallel_loop3A_1567 = arith.muli %parallel_loop3A_101, %parallel_loop3A_1566 : i32
        %parallel_loop3A_1568 = arith.constant 3 : i32
        %parallel_loop3A_1569 = arith.addi %parallel_loop3A_1567, %parallel_loop3A_1568 : i32
        %parallel_loop3A_1570 = arith.index_cast %and3A_62 : i32 to index
        %parallel_loop3A_1571 = arith.index_cast %parallel_loop3A_1569 : i32 to index
        %parallel_loop3A_1572 = arith.constant 64 : index
        %parallel_loop3A_1573 = tpu.vector_load %arg9[%parallel_loop3A_1570, %parallel_loop3A_1571, %parallel_loop3A_1572] {strides = array<i32>} : memref<2x128x128xf32, #tpu.memory_space<vmem>>, vector<16xf32>,
        %parallel_loop3A_1574 = arith.constant 16 : i32
        %parallel_loop3A_1575 = arith.muli %parallel_loop3A_101, %parallel_loop3A_1574 : i32
        %parallel_loop3A_1576 = arith.constant 4 : i32
        %parallel_loop3A_1577 = arith.addi %parallel_loop3A_1575, %parallel_loop3A_1576 : i32
        %parallel_loop3A_1578 = arith.index_cast %and3A_62 : i32 to index
        %parallel_loop3A_1579 = arith.index_cast %parallel_loop3A_1577 : i32 to index
        %parallel_loop3A_1580 = arith.constant 64 : index
        %parallel_loop3A_1581 = tpu.vector_load %arg9[%parallel_loop3A_1578, %parallel_loop3A_1579, %parallel_loop3A_1580] {strides = array<i32>} : memref<2x128x128xf32, #tpu.memory_space<vmem>>, vector<16xf32>,
        %parallel_loop3A_1582 = arith.constant 16 : i32
        %parallel_loop3A_1583 = arith.muli %parallel_loop3A_101, %parallel_loop3A_1582 : i32
        %parallel_loop3A_1584 = arith.constant 5 : i32
        %parallel_loop3A_1585 = arith.addi %parallel_loop3A_1583, %parallel_loop3A_1584 : i32
        %parallel_loop3A_1586 = arith.index_cast %and3A_62 : i32 to index
        %parallel_loop3A_1587 = arith.index_cast %parallel_loop3A_1585 : i32 to index
        %parallel_loop3A_1588 = arith.constant 64 : index
        %parallel_loop3A_1589 = tpu.vector_load %arg9[%parallel_loop3A_1586, %parallel_loop3A_1587, %parallel_loop3A_1588] {strides = array<i32>} : memref<2x128x128xf32, #tpu.memory_space<vmem>>, vector<16xf32>,
        %parallel_loop3A_1590 = arith.constant 16 : i32
        %parallel_loop3A_1591 = arith.muli %parallel_loop3A_101, %parallel_loop3A_1590 : i32
        %parallel_loop3A_1592 = arith.constant 6 : i32
        %parallel_loop3A_1593 = arith.addi %parallel_loop3A_1591, %parallel_loop3A_1592 : i32
        %parallel_loop3A_1594 = arith.index_cast %and3A_62 : i32 to index
        %parallel_loop3A_1595 = arith.index_cast %parallel_loop3A_1593 : i32 to index
        %parallel_loop3A_1596 = arith.constant 64 : index
        %parallel_loop3A_1597 = tpu.vector_load %arg9[%parallel_loop3A_1594, %parallel_loop3A_1595, %parallel_loop3A_1596] {strides = array<i32>} : memref<2x128x128xf32, #tpu.memory_space<vmem>>, vector<16xf32>,
        %parallel_loop3A_1598 = arith.constant 16 : i32
        %parallel_loop3A_1599 = arith.muli %parallel_loop3A_101, %parallel_loop3A_1598 : i32
        %parallel_loop3A_1600 = arith.constant 7 : i32
        %parallel_loop3A_1601 = arith.addi %parallel_loop3A_1599, %parallel_loop3A_1600 : i32
        %parallel_loop3A_1602 = arith.index_cast %and3A_62 : i32 to index
        %parallel_loop3A_1603 = arith.index_cast %parallel_loop3A_1601 : i32 to index
        %parallel_loop3A_1604 = arith.constant 64 : index
        %parallel_loop3A_1605 = tpu.vector_load %arg9[%parallel_loop3A_1602, %parallel_loop3A_1603, %parallel_loop3A_1604] {strides = array<i32>} : memref<2x128x128xf32, #tpu.memory_space<vmem>>, vector<16xf32>,
        %parallel_loop3A_1606 = arith.constant 16 : i32
        %parallel_loop3A_1607 = arith.muli %parallel_loop3A_101, %parallel_loop3A_1606 : i32
        %parallel_loop3A_1608 = arith.constant 8 : i32
        %parallel_loop3A_1609 = arith.addi %parallel_loop3A_1607, %parallel_loop3A_1608 : i32
        %parallel_loop3A_1610 = arith.index_cast %and3A_62 : i32 to index
        %parallel_loop3A_1611 = arith.index_cast %parallel_loop3A_1609 : i32 to index
        %parallel_loop3A_1612 = arith.constant 64 : index
        %parallel_loop3A_1613 = tpu.vector_load %arg9[%parallel_loop3A_1610, %parallel_loop3A_1611, %parallel_loop3A_1612] {strides = array<i32>} : memref<2x128x128xf32, #tpu.memory_space<vmem>>, vector<16xf32>,
        %parallel_loop3A_1614 = arith.constant 16 : i32
        %parallel_loop3A_1615 = arith.muli %parallel_loop3A_101, %parallel_loop3A_1614 : i32
        %parallel_loop3A_1616 = arith.constant 9 : i32
        %parallel_loop3A_1617 = arith.addi %parallel_loop3A_1615, %parallel_loop3A_1616 : i32
        %parallel_loop3A_1618 = arith.index_cast %and3A_62 : i32 to index
        %parallel_loop3A_1619 = arith.index_cast %parallel_loop3A_1617 : i32 to index
        %parallel_loop3A_1620 = arith.constant 64 : index
        %parallel_loop3A_1621 = tpu.vector_load %arg9[%parallel_loop3A_1618, %parallel_loop3A_1619, %parallel_loop3A_1620] {strides = array<i32>} : memref<2x128x128xf32, #tpu.memory_space<vmem>>, vector<16xf32>,
        %parallel_loop3A_1622 = arith.constant 16 : i32
        %parallel_loop3A_1623 = arith.muli %parallel_loop3A_101, %parallel_loop3A_1622 : i32
        %parallel_loop3A_1624 = arith.constant 10 : i32
        %parallel_loop3A_1625 = arith.addi %parallel_loop3A_1623, %parallel_loop3A_1624 : i32
        %parallel_loop3A_1626 = arith.index_cast %and3A_62 : i32 to index
        %parallel_loop3A_1627 = arith.index_cast %parallel_loop3A_1625 : i32 to index
        %parallel_loop3A_1628 = arith.constant 64 : index
        %parallel_loop3A_1629 = tpu.vector_load %arg9[%parallel_loop3A_1626, %parallel_loop3A_1627, %parallel_loop3A_1628] {strides = array<i32>} : memref<2x128x128xf32, #tpu.memory_space<vmem>>, vector<16xf32>,
        %parallel_loop3A_1630 = arith.constant 16 : i32
        %parallel_loop3A_1631 = arith.muli %parallel_loop3A_101, %parallel_loop3A_1630 : i32
        %parallel_loop3A_1632 = arith.constant 11 : i32
        %parallel_loop3A_1633 = arith.addi %parallel_loop3A_1631, %parallel_loop3A_1632 : i32
        %parallel_loop3A_1634 = arith.index_cast %and3A_62 : i32 to index
        %parallel_loop3A_1635 = arith.index_cast %parallel_loop3A_1633 : i32 to index
        %parallel_loop3A_1636 = arith.constant 64 : index
        %parallel_loop3A_1637 = tpu.vector_load %arg9[%parallel_loop3A_1634, %parallel_loop3A_1635, %parallel_loop3A_1636] {strides = array<i32>} : memref<2x128x128xf32, #tpu.memory_space<vmem>>, vector<16xf32>,
        %parallel_loop3A_1638 = arith.constant 16 : i32
        %parallel_loop3A_1639 = arith.muli %parallel_loop3A_101, %parallel_loop3A_1638 : i32
        %parallel_loop3A_1640 = arith.constant 12 : i32
        %parallel_loop3A_1641 = arith.addi %parallel_loop3A_1639, %parallel_loop3A_1640 : i32
        %parallel_loop3A_1642 = arith.index_cast %and3A_62 : i32 to index
        %parallel_loop3A_1643 = arith.index_cast %parallel_loop3A_1641 : i32 to index
        %parallel_loop3A_1644 = arith.constant 64 : index
        %parallel_loop3A_1645 = tpu.vector_load %arg9[%parallel_loop3A_1642, %parallel_loop3A_1643, %parallel_loop3A_1644] {strides = array<i32>} : memref<2x128x128xf32, #tpu.memory_space<vmem>>, vector<16xf32>,
        %parallel_loop3A_1646 = arith.constant 16 : i32
        %parallel_loop3A_1647 = arith.muli %parallel_loop3A_101, %parallel_loop3A_1646 : i32
        %parallel_loop3A_1648 = arith.constant 13 : i32
        %parallel_loop3A_1649 = arith.addi %parallel_loop3A_1647, %parallel_loop3A_1648 : i32
        %parallel_loop3A_1650 = arith.index_cast %and3A_62 : i32 to index
        %parallel_loop3A_1651 = arith.index_cast %parallel_loop3A_1649 : i32 to index
        %parallel_loop3A_1652 = arith.constant 64 : index
        %parallel_loop3A_1653 = tpu.vector_load %arg9[%parallel_loop3A_1650, %parallel_loop3A_1651, %parallel_loop3A_1652] {strides = array<i32>} : memref<2x128x128xf32, #tpu.memory_space<vmem>>, vector<16xf32>,
        %parallel_loop3A_1654 = arith.constant 16 : i32
        %parallel_loop3A_1655 = arith.muli %parallel_loop3A_101, %parallel_loop3A_1654 : i32
        %parallel_loop3A_1656 = arith.constant 14 : i32
        %parallel_loop3A_1657 = arith.addi %parallel_loop3A_1655, %parallel_loop3A_1656 : i32
        %parallel_loop3A_1658 = arith.index_cast %and3A_62 : i32 to index
        %parallel_loop3A_1659 = arith.index_cast %parallel_loop3A_1657 : i32 to index
        %parallel_loop3A_1660 = arith.constant 64 : index
        %parallel_loop3A_1661 = tpu.vector_load %arg9[%parallel_loop3A_1658, %parallel_loop3A_1659, %parallel_loop3A_1660] {strides = array<i32>} : memref<2x128x128xf32, #tpu.memory_space<vmem>>, vector<16xf32>,
        %parallel_loop3A_1662 = arith.constant 16 : i32
        %parallel_loop3A_1663 = arith.muli %parallel_loop3A_101, %parallel_loop3A_1662 : i32
        %parallel_loop3A_1664 = arith.constant 15 : i32
        %parallel_loop3A_1665 = arith.addi %parallel_loop3A_1663, %parallel_loop3A_1664 : i32
        %parallel_loop3A_1666 = arith.index_cast %and3A_62 : i32 to index
        %parallel_loop3A_1667 = arith.index_cast %parallel_loop3A_1665 : i32 to index
        %parallel_loop3A_1668 = arith.constant 64 : index
        %parallel_loop3A_1669 = tpu.vector_load %arg9[%parallel_loop3A_1666, %parallel_loop3A_1667, %parallel_loop3A_1668] {strides = array<i32>} : memref<2x128x128xf32, #tpu.memory_space<vmem>>, vector<16xf32>,
        %parallel_loop3A_1670 = arith.subf %parallel_loop3A_1421, %parallel_loop3A_1549 : vector<16xf32>
        %parallel_loop3A_1671 = arith.addf %parallel_loop3A_1670, %get3A_9 : vector<16xf32>
        %parallel_loop3A_1672 = arith.mulf %parallel_loop3A_1671, %parallel_loop3A_1671 : vector<16xf32>
        %parallel_loop3A_1673 = arith.addf %parallel_loop3A_1353, %parallel_loop3A_1672 : vector<16xf32>
        %parallel_loop3A_1674 = arith.subf %parallel_loop3A_1429, %parallel_loop3A_1557 : vector<16xf32>
        %parallel_loop3A_1675 = arith.addf %parallel_loop3A_1674, %get3A_9 : vector<16xf32>
        %parallel_loop3A_1676 = arith.mulf %parallel_loop3A_1675, %parallel_loop3A_1675 : vector<16xf32>
        %parallel_loop3A_1677 = arith.addf %parallel_loop3A_1357, %parallel_loop3A_1676 : vector<16xf32>
        %parallel_loop3A_1678 = arith.subf %parallel_loop3A_1437, %parallel_loop3A_1565 : vector<16xf32>
        %parallel_loop3A_1679 = arith.addf %parallel_loop3A_1678, %get3A_9 : vector<16xf32>
        %parallel_loop3A_1680 = arith.mulf %parallel_loop3A_1679, %parallel_loop3A_1679 : vector<16xf32>
        %parallel_loop3A_1681 = arith.addf %parallel_loop3A_1361, %parallel_loop3A_1680 : vector<16xf32>
        %parallel_loop3A_1682 = arith.subf %parallel_loop3A_1445, %parallel_loop3A_1573 : vector<16xf32>
        %parallel_loop3A_1683 = arith.addf %parallel_loop3A_1682, %get3A_9 : vector<16xf32>
        %parallel_loop3A_1684 = arith.mulf %parallel_loop3A_1683, %parallel_loop3A_1683 : vector<16xf32>
        %parallel_loop3A_1685 = arith.addf %parallel_loop3A_1365, %parallel_loop3A_1684 : vector<16xf32>
        %parallel_loop3A_1686 = arith.subf %parallel_loop3A_1453, %parallel_loop3A_1581 : vector<16xf32>
        %parallel_loop3A_1687 = arith.addf %parallel_loop3A_1686, %get3A_9 : vector<16xf32>
        %parallel_loop3A_1688 = arith.mulf %parallel_loop3A_1687, %parallel_loop3A_1687 : vector<16xf32>
        %parallel_loop3A_1689 = arith.addf %parallel_loop3A_1369, %parallel_loop3A_1688 : vector<16xf32>
        %parallel_loop3A_1690 = arith.subf %parallel_loop3A_1461, %parallel_loop3A_1589 : vector<16xf32>
        %parallel_loop3A_1691 = arith.addf %parallel_loop3A_1690, %get3A_9 : vector<16xf32>
        %parallel_loop3A_1692 = arith.mulf %parallel_loop3A_1691, %parallel_loop3A_1691 : vector<16xf32>
        %parallel_loop3A_1693 = arith.addf %parallel_loop3A_1373, %parallel_loop3A_1692 : vector<16xf32>
        %parallel_loop3A_1694 = arith.subf %parallel_loop3A_1469, %parallel_loop3A_1597 : vector<16xf32>
        %parallel_loop3A_1695 = arith.addf %parallel_loop3A_1694, %get3A_9 : vector<16xf32>
        %parallel_loop3A_1696 = arith.mulf %parallel_loop3A_1695, %parallel_loop3A_1695 : vector<16xf32>
        %parallel_loop3A_1697 = arith.addf %parallel_loop3A_1377, %parallel_loop3A_1696 : vector<16xf32>
        %parallel_loop3A_1698 = arith.subf %parallel_loop3A_1477, %parallel_loop3A_1605 : vector<16xf32>
        %parallel_loop3A_1699 = arith.addf %parallel_loop3A_1698, %get3A_9 : vector<16xf32>
        %parallel_loop3A_1700 = arith.mulf %parallel_loop3A_1699, %parallel_loop3A_1699 : vector<16xf32>
        %parallel_loop3A_1701 = arith.addf %parallel_loop3A_1381, %parallel_loop3A_1700 : vector<16xf32>
        %parallel_loop3A_1702 = arith.subf %parallel_loop3A_1485, %parallel_loop3A_1613 : vector<16xf32>
        %parallel_loop3A_1703 = arith.addf %parallel_loop3A_1702, %get3A_9 : vector<16xf32>
        %parallel_loop3A_1704 = arith.mulf %parallel_loop3A_1703, %parallel_loop3A_1703 : vector<16xf32>
        %parallel_loop3A_1705 = arith.addf %parallel_loop3A_1385, %parallel_loop3A_1704 : vector<16xf32>
        %parallel_loop3A_1706 = arith.subf %parallel_loop3A_1493, %parallel_loop3A_1621 : vector<16xf32>
        %parallel_loop3A_1707 = arith.addf %parallel_loop3A_1706, %get3A_9 : vector<16xf32>
        %parallel_loop3A_1708 = arith.mulf %parallel_loop3A_1707, %parallel_loop3A_1707 : vector<16xf32>
        %parallel_loop3A_1709 = arith.addf %parallel_loop3A_1389, %parallel_loop3A_1708 : vector<16xf32>
        %parallel_loop3A_1710 = arith.subf %parallel_loop3A_1501, %parallel_loop3A_1629 : vector<16xf32>
        %parallel_loop3A_1711 = arith.addf %parallel_loop3A_1710, %get3A_9 : vector<16xf32>
        %parallel_loop3A_1712 = arith.mulf %parallel_loop3A_1711, %parallel_loop3A_1711 : vector<16xf32>
        %parallel_loop3A_1713 = arith.addf %parallel_loop3A_1393, %parallel_loop3A_1712 : vector<16xf32>
        %parallel_loop3A_1714 = arith.subf %parallel_loop3A_1509, %parallel_loop3A_1637 : vector<16xf32>
        %parallel_loop3A_1715 = arith.addf %parallel_loop3A_1714, %get3A_9 : vector<16xf32>
        %parallel_loop3A_1716 = arith.mulf %parallel_loop3A_1715, %parallel_loop3A_1715 : vector<16xf32>
        %parallel_loop3A_1717 = arith.addf %parallel_loop3A_1397, %parallel_loop3A_1716 : vector<16xf32>
        %parallel_loop3A_1718 = arith.subf %parallel_loop3A_1517, %parallel_loop3A_1645 : vector<16xf32>
        %parallel_loop3A_1719 = arith.addf %parallel_loop3A_1718, %get3A_9 : vector<16xf32>
        %parallel_loop3A_1720 = arith.mulf %parallel_loop3A_1719, %parallel_loop3A_1719 : vector<16xf32>
        %parallel_loop3A_1721 = arith.addf %parallel_loop3A_1401, %parallel_loop3A_1720 : vector<16xf32>
        %parallel_loop3A_1722 = arith.subf %parallel_loop3A_1525, %parallel_loop3A_1653 : vector<16xf32>
        %parallel_loop3A_1723 = arith.addf %parallel_loop3A_1722, %get3A_9 : vector<16xf32>
        %parallel_loop3A_1724 = arith.mulf %parallel_loop3A_1723, %parallel_loop3A_1723 : vector<16xf32>
        %parallel_loop3A_1725 = arith.addf %parallel_loop3A_1405, %parallel_loop3A_1724 : vector<16xf32>
        %parallel_loop3A_1726 = arith.subf %parallel_loop3A_1533, %parallel_loop3A_1661 : vector<16xf32>
        %parallel_loop3A_1727 = arith.addf %parallel_loop3A_1726, %get3A_9 : vector<16xf32>
        %parallel_loop3A_1728 = arith.mulf %parallel_loop3A_1727, %parallel_loop3A_1727 : vector<16xf32>
        %parallel_loop3A_1729 = arith.addf %parallel_loop3A_1409, %parallel_loop3A_1728 : vector<16xf32>
        %parallel_loop3A_1730 = arith.subf %parallel_loop3A_1541, %parallel_loop3A_1669 : vector<16xf32>
        %parallel_loop3A_1731 = arith.addf %parallel_loop3A_1730, %get3A_9 : vector<16xf32>
        %parallel_loop3A_1732 = arith.mulf %parallel_loop3A_1731, %parallel_loop3A_1731 : vector<16xf32>
        %parallel_loop3A_1733 = arith.addf %parallel_loop3A_1413, %parallel_loop3A_1732 : vector<16xf32>
        %parallel_loop3A_1734 = arith.constant 16 : i32
        %parallel_loop3A_1735 = arith.muli %parallel_loop3A_101, %parallel_loop3A_1734 : i32
        %parallel_loop3A_1736 = arith.constant 0 : i32
        %parallel_loop3A_1737 = arith.addi %parallel_loop3A_1735, %parallel_loop3A_1736 : i32
        %parallel_loop3A_1738 = arith.index_cast %and3A_62 : i32 to index
        %parallel_loop3A_1739 = arith.index_cast %parallel_loop3A_1737 : i32 to index
        %parallel_loop3A_1740 = arith.constant 80 : index
        %parallel_loop3A_1741 = tpu.vector_load %arg8[%parallel_loop3A_1738, %parallel_loop3A_1739, %parallel_loop3A_1740] {strides = array<i32>} : memref<2x128x128xf32, #tpu.memory_space<vmem>>, vector<16xf32>,
        %parallel_loop3A_1742 = arith.constant 16 : i32
        %parallel_loop3A_1743 = arith.muli %parallel_loop3A_101, %parallel_loop3A_1742 : i32
        %parallel_loop3A_1744 = arith.constant 1 : i32
        %parallel_loop3A_1745 = arith.addi %parallel_loop3A_1743, %parallel_loop3A_1744 : i32
        %parallel_loop3A_1746 = arith.index_cast %and3A_62 : i32 to index
        %parallel_loop3A_1747 = arith.index_cast %parallel_loop3A_1745 : i32 to index
        %parallel_loop3A_1748 = arith.constant 80 : index
        %parallel_loop3A_1749 = tpu.vector_load %arg8[%parallel_loop3A_1746, %parallel_loop3A_1747, %parallel_loop3A_1748] {strides = array<i32>} : memref<2x128x128xf32, #tpu.memory_space<vmem>>, vector<16xf32>,
        %parallel_loop3A_1750 = arith.constant 16 : i32
        %parallel_loop3A_1751 = arith.muli %parallel_loop3A_101, %parallel_loop3A_1750 : i32
        %parallel_loop3A_1752 = arith.constant 2 : i32
        %parallel_loop3A_1753 = arith.addi %parallel_loop3A_1751, %parallel_loop3A_1752 : i32
        %parallel_loop3A_1754 = arith.index_cast %and3A_62 : i32 to index
        %parallel_loop3A_1755 = arith.index_cast %parallel_loop3A_1753 : i32 to index
        %parallel_loop3A_1756 = arith.constant 80 : index
        %parallel_loop3A_1757 = tpu.vector_load %arg8[%parallel_loop3A_1754, %parallel_loop3A_1755, %parallel_loop3A_1756] {strides = array<i32>} : memref<2x128x128xf32, #tpu.memory_space<vmem>>, vector<16xf32>,
        %parallel_loop3A_1758 = arith.constant 16 : i32
        %parallel_loop3A_1759 = arith.muli %parallel_loop3A_101, %parallel_loop3A_1758 : i32
        %parallel_loop3A_1760 = arith.constant 3 : i32
        %parallel_loop3A_1761 = arith.addi %parallel_loop3A_1759, %parallel_loop3A_1760 : i32
        %parallel_loop3A_1762 = arith.index_cast %and3A_62 : i32 to index
        %parallel_loop3A_1763 = arith.index_cast %parallel_loop3A_1761 : i32 to index
        %parallel_loop3A_1764 = arith.constant 80 : index
        %parallel_loop3A_1765 = tpu.vector_load %arg8[%parallel_loop3A_1762, %parallel_loop3A_1763, %parallel_loop3A_1764] {strides = array<i32>} : memref<2x128x128xf32, #tpu.memory_space<vmem>>, vector<16xf32>,
        %parallel_loop3A_1766 = arith.constant 16 : i32
        %parallel_loop3A_1767 = arith.muli %parallel_loop3A_101, %parallel_loop3A_1766 : i32
        %parallel_loop3A_1768 = arith.constant 4 : i32
        %parallel_loop3A_1769 = arith.addi %parallel_loop3A_1767, %parallel_loop3A_1768 : i32
        %parallel_loop3A_1770 = arith.index_cast %and3A_62 : i32 to index
        %parallel_loop3A_1771 = arith.index_cast %parallel_loop3A_1769 : i32 to index
        %parallel_loop3A_1772 = arith.constant 80 : index
        %parallel_loop3A_1773 = tpu.vector_load %arg8[%parallel_loop3A_1770, %parallel_loop3A_1771, %parallel_loop3A_1772] {strides = array<i32>} : memref<2x128x128xf32, #tpu.memory_space<vmem>>, vector<16xf32>,
        %parallel_loop3A_1774 = arith.constant 16 : i32
        %parallel_loop3A_1775 = arith.muli %parallel_loop3A_101, %parallel_loop3A_1774 : i32
        %parallel_loop3A_1776 = arith.constant 5 : i32
        %parallel_loop3A_1777 = arith.addi %parallel_loop3A_1775, %parallel_loop3A_1776 : i32
        %parallel_loop3A_1778 = arith.index_cast %and3A_62 : i32 to index
        %parallel_loop3A_1779 = arith.index_cast %parallel_loop3A_1777 : i32 to index
        %parallel_loop3A_1780 = arith.constant 80 : index
        %parallel_loop3A_1781 = tpu.vector_load %arg8[%parallel_loop3A_1778, %parallel_loop3A_1779, %parallel_loop3A_1780] {strides = array<i32>} : memref<2x128x128xf32, #tpu.memory_space<vmem>>, vector<16xf32>,
        %parallel_loop3A_1782 = arith.constant 16 : i32
        %parallel_loop3A_1783 = arith.muli %parallel_loop3A_101, %parallel_loop3A_1782 : i32
        %parallel_loop3A_1784 = arith.constant 6 : i32
        %parallel_loop3A_1785 = arith.addi %parallel_loop3A_1783, %parallel_loop3A_1784 : i32
        %parallel_loop3A_1786 = arith.index_cast %and3A_62 : i32 to index
        %parallel_loop3A_1787 = arith.index_cast %parallel_loop3A_1785 : i32 to index
        %parallel_loop3A_1788 = arith.constant 80 : index
        %parallel_loop3A_1789 = tpu.vector_load %arg8[%parallel_loop3A_1786, %parallel_loop3A_1787, %parallel_loop3A_1788] {strides = array<i32>} : memref<2x128x128xf32, #tpu.memory_space<vmem>>, vector<16xf32>,
        %parallel_loop3A_1790 = arith.constant 16 : i32
        %parallel_loop3A_1791 = arith.muli %parallel_loop3A_101, %parallel_loop3A_1790 : i32
        %parallel_loop3A_1792 = arith.constant 7 : i32
        %parallel_loop3A_1793 = arith.addi %parallel_loop3A_1791, %parallel_loop3A_1792 : i32
        %parallel_loop3A_1794 = arith.index_cast %and3A_62 : i32 to index
        %parallel_loop3A_1795 = arith.index_cast %parallel_loop3A_1793 : i32 to index
        %parallel_loop3A_1796 = arith.constant 80 : index
        %parallel_loop3A_1797 = tpu.vector_load %arg8[%parallel_loop3A_1794, %parallel_loop3A_1795, %parallel_loop3A_1796] {strides = array<i32>} : memref<2x128x128xf32, #tpu.memory_space<vmem>>, vector<16xf32>,
        %parallel_loop3A_1798 = arith.constant 16 : i32
        %parallel_loop3A_1799 = arith.muli %parallel_loop3A_101, %parallel_loop3A_1798 : i32
        %parallel_loop3A_1800 = arith.constant 8 : i32
        %parallel_loop3A_1801 = arith.addi %parallel_loop3A_1799, %parallel_loop3A_1800 : i32
        %parallel_loop3A_1802 = arith.index_cast %and3A_62 : i32 to index
        %parallel_loop3A_1803 = arith.index_cast %parallel_loop3A_1801 : i32 to index
        %parallel_loop3A_1804 = arith.constant 80 : index
        %parallel_loop3A_1805 = tpu.vector_load %arg8[%parallel_loop3A_1802, %parallel_loop3A_1803, %parallel_loop3A_1804] {strides = array<i32>} : memref<2x128x128xf32, #tpu.memory_space<vmem>>, vector<16xf32>,
        %parallel_loop3A_1806 = arith.constant 16 : i32
        %parallel_loop3A_1807 = arith.muli %parallel_loop3A_101, %parallel_loop3A_1806 : i32
        %parallel_loop3A_1808 = arith.constant 9 : i32
        %parallel_loop3A_1809 = arith.addi %parallel_loop3A_1807, %parallel_loop3A_1808 : i32
        %parallel_loop3A_1810 = arith.index_cast %and3A_62 : i32 to index
        %parallel_loop3A_1811 = arith.index_cast %parallel_loop3A_1809 : i32 to index
        %parallel_loop3A_1812 = arith.constant 80 : index
        %parallel_loop3A_1813 = tpu.vector_load %arg8[%parallel_loop3A_1810, %parallel_loop3A_1811, %parallel_loop3A_1812] {strides = array<i32>} : memref<2x128x128xf32, #tpu.memory_space<vmem>>, vector<16xf32>,
        %parallel_loop3A_1814 = arith.constant 16 : i32
        %parallel_loop3A_1815 = arith.muli %parallel_loop3A_101, %parallel_loop3A_1814 : i32
        %parallel_loop3A_1816 = arith.constant 10 : i32
        %parallel_loop3A_1817 = arith.addi %parallel_loop3A_1815, %parallel_loop3A_1816 : i32
        %parallel_loop3A_1818 = arith.index_cast %and3A_62 : i32 to index
        %parallel_loop3A_1819 = arith.index_cast %parallel_loop3A_1817 : i32 to index
        %parallel_loop3A_1820 = arith.constant 80 : index
        %parallel_loop3A_1821 = tpu.vector_load %arg8[%parallel_loop3A_1818, %parallel_loop3A_1819, %parallel_loop3A_1820] {strides = array<i32>} : memref<2x128x128xf32, #tpu.memory_space<vmem>>, vector<16xf32>,
        %parallel_loop3A_1822 = arith.constant 16 : i32
        %parallel_loop3A_1823 = arith.muli %parallel_loop3A_101, %parallel_loop3A_1822 : i32
        %parallel_loop3A_1824 = arith.constant 11 : i32
        %parallel_loop3A_1825 = arith.addi %parallel_loop3A_1823, %parallel_loop3A_1824 : i32
        %parallel_loop3A_1826 = arith.index_cast %and3A_62 : i32 to index
        %parallel_loop3A_1827 = arith.index_cast %parallel_loop3A_1825 : i32 to index
        %parallel_loop3A_1828 = arith.constant 80 : index
        %parallel_loop3A_1829 = tpu.vector_load %arg8[%parallel_loop3A_1826, %parallel_loop3A_1827, %parallel_loop3A_1828] {strides = array<i32>} : memref<2x128x128xf32, #tpu.memory_space<vmem>>, vector<16xf32>,
        %parallel_loop3A_1830 = arith.constant 16 : i32
        %parallel_loop3A_1831 = arith.muli %parallel_loop3A_101, %parallel_loop3A_1830 : i32
        %parallel_loop3A_1832 = arith.constant 12 : i32
        %parallel_loop3A_1833 = arith.addi %parallel_loop3A_1831, %parallel_loop3A_1832 : i32
        %parallel_loop3A_1834 = arith.index_cast %and3A_62 : i32 to index
        %parallel_loop3A_1835 = arith.index_cast %parallel_loop3A_1833 : i32 to index
        %parallel_loop3A_1836 = arith.constant 80 : index
        %parallel_loop3A_1837 = tpu.vector_load %arg8[%parallel_loop3A_1834, %parallel_loop3A_1835, %parallel_loop3A_1836] {strides = array<i32>} : memref<2x128x128xf32, #tpu.memory_space<vmem>>, vector<16xf32>,
        %parallel_loop3A_1838 = arith.constant 16 : i32
        %parallel_loop3A_1839 = arith.muli %parallel_loop3A_101, %parallel_loop3A_1838 : i32
        %parallel_loop3A_1840 = arith.constant 13 : i32
        %parallel_loop3A_1841 = arith.addi %parallel_loop3A_1839, %parallel_loop3A_1840 : i32
        %parallel_loop3A_1842 = arith.index_cast %and3A_62 : i32 to index
        %parallel_loop3A_1843 = arith.index_cast %parallel_loop3A_1841 : i32 to index
        %parallel_loop3A_1844 = arith.constant 80 : index
        %parallel_loop3A_1845 = tpu.vector_load %arg8[%parallel_loop3A_1842, %parallel_loop3A_1843, %parallel_loop3A_1844] {strides = array<i32>} : memref<2x128x128xf32, #tpu.memory_space<vmem>>, vector<16xf32>,
        %parallel_loop3A_1846 = arith.constant 16 : i32
        %parallel_loop3A_1847 = arith.muli %parallel_loop3A_101, %parallel_loop3A_1846 : i32
        %parallel_loop3A_1848 = arith.constant 14 : i32
        %parallel_loop3A_1849 = arith.addi %parallel_loop3A_1847, %parallel_loop3A_1848 : i32
        %parallel_loop3A_1850 = arith.index_cast %and3A_62 : i32 to index
        %parallel_loop3A_1851 = arith.index_cast %parallel_loop3A_1849 : i32 to index
        %parallel_loop3A_1852 = arith.constant 80 : index
        %parallel_loop3A_1853 = tpu.vector_load %arg8[%parallel_loop3A_1850, %parallel_loop3A_1851, %parallel_loop3A_1852] {strides = array<i32>} : memref<2x128x128xf32, #tpu.memory_space<vmem>>, vector<16xf32>,
        %parallel_loop3A_1854 = arith.constant 16 : i32
        %parallel_loop3A_1855 = arith.muli %parallel_loop3A_101, %parallel_loop3A_1854 : i32
        %parallel_loop3A_1856 = arith.constant 15 : i32
        %parallel_loop3A_1857 = arith.addi %parallel_loop3A_1855, %parallel_loop3A_1856 : i32
        %parallel_loop3A_1858 = arith.index_cast %and3A_62 : i32 to index
        %parallel_loop3A_1859 = arith.index_cast %parallel_loop3A_1857 : i32 to index
        %parallel_loop3A_1860 = arith.constant 80 : index
        %parallel_loop3A_1861 = tpu.vector_load %arg8[%parallel_loop3A_1858, %parallel_loop3A_1859, %parallel_loop3A_1860] {strides = array<i32>} : memref<2x128x128xf32, #tpu.memory_space<vmem>>, vector<16xf32>,
        %parallel_loop3A_1862 = arith.constant 16 : i32
        %parallel_loop3A_1863 = arith.muli %parallel_loop3A_101, %parallel_loop3A_1862 : i32
        %parallel_loop3A_1864 = arith.constant 0 : i32
        %parallel_loop3A_1865 = arith.addi %parallel_loop3A_1863, %parallel_loop3A_1864 : i32
        %parallel_loop3A_1866 = arith.index_cast %and3A_62 : i32 to index
        %parallel_loop3A_1867 = arith.index_cast %parallel_loop3A_1865 : i32 to index
        %parallel_loop3A_1868 = arith.constant 80 : index
        %parallel_loop3A_1869 = tpu.vector_load %arg9[%parallel_loop3A_1866, %parallel_loop3A_1867, %parallel_loop3A_1868] {strides = array<i32>} : memref<2x128x128xf32, #tpu.memory_space<vmem>>, vector<16xf32>,
        %parallel_loop3A_1870 = arith.constant 16 : i32
        %parallel_loop3A_1871 = arith.muli %parallel_loop3A_101, %parallel_loop3A_1870 : i32
        %parallel_loop3A_1872 = arith.constant 1 : i32
        %parallel_loop3A_1873 = arith.addi %parallel_loop3A_1871, %parallel_loop3A_1872 : i32
        %parallel_loop3A_1874 = arith.index_cast %and3A_62 : i32 to index
        %parallel_loop3A_1875 = arith.index_cast %parallel_loop3A_1873 : i32 to index
        %parallel_loop3A_1876 = arith.constant 80 : index
        %parallel_loop3A_1877 = tpu.vector_load %arg9[%parallel_loop3A_1874, %parallel_loop3A_1875, %parallel_loop3A_1876] {strides = array<i32>} : memref<2x128x128xf32, #tpu.memory_space<vmem>>, vector<16xf32>,
        %parallel_loop3A_1878 = arith.constant 16 : i32
        %parallel_loop3A_1879 = arith.muli %parallel_loop3A_101, %parallel_loop3A_1878 : i32
        %parallel_loop3A_1880 = arith.constant 2 : i32
        %parallel_loop3A_1881 = arith.addi %parallel_loop3A_1879, %parallel_loop3A_1880 : i32
        %parallel_loop3A_1882 = arith.index_cast %and3A_62 : i32 to index
        %parallel_loop3A_1883 = arith.index_cast %parallel_loop3A_1881 : i32 to index
        %parallel_loop3A_1884 = arith.constant 80 : index
        %parallel_loop3A_1885 = tpu.vector_load %arg9[%parallel_loop3A_1882, %parallel_loop3A_1883, %parallel_loop3A_1884] {strides = array<i32>} : memref<2x128x128xf32, #tpu.memory_space<vmem>>, vector<16xf32>,
        %parallel_loop3A_1886 = arith.constant 16 : i32
        %parallel_loop3A_1887 = arith.muli %parallel_loop3A_101, %parallel_loop3A_1886 : i32
        %parallel_loop3A_1888 = arith.constant 3 : i32
        %parallel_loop3A_1889 = arith.addi %parallel_loop3A_1887, %parallel_loop3A_1888 : i32
        %parallel_loop3A_1890 = arith.index_cast %and3A_62 : i32 to index
        %parallel_loop3A_1891 = arith.index_cast %parallel_loop3A_1889 : i32 to index
        %parallel_loop3A_1892 = arith.constant 80 : index
        %parallel_loop3A_1893 = tpu.vector_load %arg9[%parallel_loop3A_1890, %parallel_loop3A_1891, %parallel_loop3A_1892] {strides = array<i32>} : memref<2x128x128xf32, #tpu.memory_space<vmem>>, vector<16xf32>,
        %parallel_loop3A_1894 = arith.constant 16 : i32
        %parallel_loop3A_1895 = arith.muli %parallel_loop3A_101, %parallel_loop3A_1894 : i32
        %parallel_loop3A_1896 = arith.constant 4 : i32
        %parallel_loop3A_1897 = arith.addi %parallel_loop3A_1895, %parallel_loop3A_1896 : i32
        %parallel_loop3A_1898 = arith.index_cast %and3A_62 : i32 to index
        %parallel_loop3A_1899 = arith.index_cast %parallel_loop3A_1897 : i32 to index
        %parallel_loop3A_1900 = arith.constant 80 : index
        %parallel_loop3A_1901 = tpu.vector_load %arg9[%parallel_loop3A_1898, %parallel_loop3A_1899, %parallel_loop3A_1900] {strides = array<i32>} : memref<2x128x128xf32, #tpu.memory_space<vmem>>, vector<16xf32>,
        %parallel_loop3A_1902 = arith.constant 16 : i32
        %parallel_loop3A_1903 = arith.muli %parallel_loop3A_101, %parallel_loop3A_1902 : i32
        %parallel_loop3A_1904 = arith.constant 5 : i32
        %parallel_loop3A_1905 = arith.addi %parallel_loop3A_1903, %parallel_loop3A_1904 : i32
        %parallel_loop3A_1906 = arith.index_cast %and3A_62 : i32 to index
        %parallel_loop3A_1907 = arith.index_cast %parallel_loop3A_1905 : i32 to index
        %parallel_loop3A_1908 = arith.constant 80 : index
        %parallel_loop3A_1909 = tpu.vector_load %arg9[%parallel_loop3A_1906, %parallel_loop3A_1907, %parallel_loop3A_1908] {strides = array<i32>} : memref<2x128x128xf32, #tpu.memory_space<vmem>>, vector<16xf32>,
        %parallel_loop3A_1910 = arith.constant 16 : i32
        %parallel_loop3A_1911 = arith.muli %parallel_loop3A_101, %parallel_loop3A_1910 : i32
        %parallel_loop3A_1912 = arith.constant 6 : i32
        %parallel_loop3A_1913 = arith.addi %parallel_loop3A_1911, %parallel_loop3A_1912 : i32
        %parallel_loop3A_1914 = arith.index_cast %and3A_62 : i32 to index
        %parallel_loop3A_1915 = arith.index_cast %parallel_loop3A_1913 : i32 to index
        %parallel_loop3A_1916 = arith.constant 80 : index
        %parallel_loop3A_1917 = tpu.vector_load %arg9[%parallel_loop3A_1914, %parallel_loop3A_1915, %parallel_loop3A_1916] {strides = array<i32>} : memref<2x128x128xf32, #tpu.memory_space<vmem>>, vector<16xf32>,
        %parallel_loop3A_1918 = arith.constant 16 : i32
        %parallel_loop3A_1919 = arith.muli %parallel_loop3A_101, %parallel_loop3A_1918 : i32
        %parallel_loop3A_1920 = arith.constant 7 : i32
        %parallel_loop3A_1921 = arith.addi %parallel_loop3A_1919, %parallel_loop3A_1920 : i32
        %parallel_loop3A_1922 = arith.index_cast %and3A_62 : i32 to index
        %parallel_loop3A_1923 = arith.index_cast %parallel_loop3A_1921 : i32 to index
        %parallel_loop3A_1924 = arith.constant 80 : index
        %parallel_loop3A_1925 = tpu.vector_load %arg9[%parallel_loop3A_1922, %parallel_loop3A_1923, %parallel_loop3A_1924] {strides = array<i32>} : memref<2x128x128xf32, #tpu.memory_space<vmem>>, vector<16xf32>,
        %parallel_loop3A_1926 = arith.constant 16 : i32
        %parallel_loop3A_1927 = arith.muli %parallel_loop3A_101, %parallel_loop3A_1926 : i32
        %parallel_loop3A_1928 = arith.constant 8 : i32
        %parallel_loop3A_1929 = arith.addi %parallel_loop3A_1927, %parallel_loop3A_1928 : i32
        %parallel_loop3A_1930 = arith.index_cast %and3A_62 : i32 to index
        %parallel_loop3A_1931 = arith.index_cast %parallel_loop3A_1929 : i32 to index
        %parallel_loop3A_1932 = arith.constant 80 : index
        %parallel_loop3A_1933 = tpu.vector_load %arg9[%parallel_loop3A_1930, %parallel_loop3A_1931, %parallel_loop3A_1932] {strides = array<i32>} : memref<2x128x128xf32, #tpu.memory_space<vmem>>, vector<16xf32>,
        %parallel_loop3A_1934 = arith.constant 16 : i32
        %parallel_loop3A_1935 = arith.muli %parallel_loop3A_101, %parallel_loop3A_1934 : i32
        %parallel_loop3A_1936 = arith.constant 9 : i32
        %parallel_loop3A_1937 = arith.addi %parallel_loop3A_1935, %parallel_loop3A_1936 : i32
        %parallel_loop3A_1938 = arith.index_cast %and3A_62 : i32 to index
        %parallel_loop3A_1939 = arith.index_cast %parallel_loop3A_1937 : i32 to index
        %parallel_loop3A_1940 = arith.constant 80 : index
        %parallel_loop3A_1941 = tpu.vector_load %arg9[%parallel_loop3A_1938, %parallel_loop3A_1939, %parallel_loop3A_1940] {strides = array<i32>} : memref<2x128x128xf32, #tpu.memory_space<vmem>>, vector<16xf32>,
        %parallel_loop3A_1942 = arith.constant 16 : i32
        %parallel_loop3A_1943 = arith.muli %parallel_loop3A_101, %parallel_loop3A_1942 : i32
        %parallel_loop3A_1944 = arith.constant 10 : i32
        %parallel_loop3A_1945 = arith.addi %parallel_loop3A_1943, %parallel_loop3A_1944 : i32
        %parallel_loop3A_1946 = arith.index_cast %and3A_62 : i32 to index
        %parallel_loop3A_1947 = arith.index_cast %parallel_loop3A_1945 : i32 to index
        %parallel_loop3A_1948 = arith.constant 80 : index
        %parallel_loop3A_1949 = tpu.vector_load %arg9[%parallel_loop3A_1946, %parallel_loop3A_1947, %parallel_loop3A_1948] {strides = array<i32>} : memref<2x128x128xf32, #tpu.memory_space<vmem>>, vector<16xf32>,
        %parallel_loop3A_1950 = arith.constant 16 : i32
        %parallel_loop3A_1951 = arith.muli %parallel_loop3A_101, %parallel_loop3A_1950 : i32
        %parallel_loop3A_1952 = arith.constant 11 : i32
        %parallel_loop3A_1953 = arith.addi %parallel_loop3A_1951, %parallel_loop3A_1952 : i32
        %parallel_loop3A_1954 = arith.index_cast %and3A_62 : i32 to index
        %parallel_loop3A_1955 = arith.index_cast %parallel_loop3A_1953 : i32 to index
        %parallel_loop3A_1956 = arith.constant 80 : index
        %parallel_loop3A_1957 = tpu.vector_load %arg9[%parallel_loop3A_1954, %parallel_loop3A_1955, %parallel_loop3A_1956] {strides = array<i32>} : memref<2x128x128xf32, #tpu.memory_space<vmem>>, vector<16xf32>,
        %parallel_loop3A_1958 = arith.constant 16 : i32
        %parallel_loop3A_1959 = arith.muli %parallel_loop3A_101, %parallel_loop3A_1958 : i32
        %parallel_loop3A_1960 = arith.constant 12 : i32
        %parallel_loop3A_1961 = arith.addi %parallel_loop3A_1959, %parallel_loop3A_1960 : i32
        %parallel_loop3A_1962 = arith.index_cast %and3A_62 : i32 to index
        %parallel_loop3A_1963 = arith.index_cast %parallel_loop3A_1961 : i32 to index
        %parallel_loop3A_1964 = arith.constant 80 : index
        %parallel_loop3A_1965 = tpu.vector_load %arg9[%parallel_loop3A_1962, %parallel_loop3A_1963, %parallel_loop3A_1964] {strides = array<i32>} : memref<2x128x128xf32, #tpu.memory_space<vmem>>, vector<16xf32>,
        %parallel_loop3A_1966 = arith.constant 16 : i32
        %parallel_loop3A_1967 = arith.muli %parallel_loop3A_101, %parallel_loop3A_1966 : i32
        %parallel_loop3A_1968 = arith.constant 13 : i32
        %parallel_loop3A_1969 = arith.addi %parallel_loop3A_1967, %parallel_loop3A_1968 : i32
        %parallel_loop3A_1970 = arith.index_cast %and3A_62 : i32 to index
        %parallel_loop3A_1971 = arith.index_cast %parallel_loop3A_1969 : i32 to index
        %parallel_loop3A_1972 = arith.constant 80 : index
        %parallel_loop3A_1973 = tpu.vector_load %arg9[%parallel_loop3A_1970, %parallel_loop3A_1971, %parallel_loop3A_1972] {strides = array<i32>} : memref<2x128x128xf32, #tpu.memory_space<vmem>>, vector<16xf32>,
        %parallel_loop3A_1974 = arith.constant 16 : i32
        %parallel_loop3A_1975 = arith.muli %parallel_loop3A_101, %parallel_loop3A_1974 : i32
        %parallel_loop3A_1976 = arith.constant 14 : i32
        %parallel_loop3A_1977 = arith.addi %parallel_loop3A_1975, %parallel_loop3A_1976 : i32
        %parallel_loop3A_1978 = arith.index_cast %and3A_62 : i32 to index
        %parallel_loop3A_1979 = arith.index_cast %parallel_loop3A_1977 : i32 to index
        %parallel_loop3A_1980 = arith.constant 80 : index
        %parallel_loop3A_1981 = tpu.vector_load %arg9[%parallel_loop3A_1978, %parallel_loop3A_1979, %parallel_loop3A_1980] {strides = array<i32>} : memref<2x128x128xf32, #tpu.memory_space<vmem>>, vector<16xf32>,
        %parallel_loop3A_1982 = arith.constant 16 : i32
        %parallel_loop3A_1983 = arith.muli %parallel_loop3A_101, %parallel_loop3A_1982 : i32
        %parallel_loop3A_1984 = arith.constant 15 : i32
        %parallel_loop3A_1985 = arith.addi %parallel_loop3A_1983, %parallel_loop3A_1984 : i32
        %parallel_loop3A_1986 = arith.index_cast %and3A_62 : i32 to index
        %parallel_loop3A_1987 = arith.index_cast %parallel_loop3A_1985 : i32 to index
        %parallel_loop3A_1988 = arith.constant 80 : index
        %parallel_loop3A_1989 = tpu.vector_load %arg9[%parallel_loop3A_1986, %parallel_loop3A_1987, %parallel_loop3A_1988] {strides = array<i32>} : memref<2x128x128xf32, #tpu.memory_space<vmem>>, vector<16xf32>,
        %parallel_loop3A_1990 = arith.subf %parallel_loop3A_1741, %parallel_loop3A_1869 : vector<16xf32>
        %parallel_loop3A_1991 = arith.addf %parallel_loop3A_1990, %get3A_11 : vector<16xf32>
        %parallel_loop3A_1992 = arith.mulf %parallel_loop3A_1991, %parallel_loop3A_1991 : vector<16xf32>
        %parallel_loop3A_1993 = arith.addf %parallel_loop3A_1673, %parallel_loop3A_1992 : vector<16xf32>
        %parallel_loop3A_1994 = arith.subf %parallel_loop3A_1749, %parallel_loop3A_1877 : vector<16xf32>
        %parallel_loop3A_1995 = arith.addf %parallel_loop3A_1994, %get3A_11 : vector<16xf32>
        %parallel_loop3A_1996 = arith.mulf %parallel_loop3A_1995, %parallel_loop3A_1995 : vector<16xf32>
        %parallel_loop3A_1997 = arith.addf %parallel_loop3A_1677, %parallel_loop3A_1996 : vector<16xf32>
        %parallel_loop3A_1998 = arith.subf %parallel_loop3A_1757, %parallel_loop3A_1885 : vector<16xf32>
        %parallel_loop3A_1999 = arith.addf %parallel_loop3A_1998, %get3A_11 : vector<16xf32>
        %parallel_loop3A_2000 = arith.mulf %parallel_loop3A_1999, %parallel_loop3A_1999 : vector<16xf32>
        %parallel_loop3A_2001 = arith.addf %parallel_loop3A_1681, %parallel_loop3A_2000 : vector<16xf32>
        %parallel_loop3A_2002 = arith.subf %parallel_loop3A_1765, %parallel_loop3A_1893 : vector<16xf32>
        %parallel_loop3A_2003 = arith.addf %parallel_loop3A_2002, %get3A_11 : vector<16xf32>
        %parallel_loop3A_2004 = arith.mulf %parallel_loop3A_2003, %parallel_loop3A_2003 : vector<16xf32>
        %parallel_loop3A_2005 = arith.addf %parallel_loop3A_1685, %parallel_loop3A_2004 : vector<16xf32>
        %parallel_loop3A_2006 = arith.subf %parallel_loop3A_1773, %parallel_loop3A_1901 : vector<16xf32>
        %parallel_loop3A_2007 = arith.addf %parallel_loop3A_2006, %get3A_11 : vector<16xf32>
        %parallel_loop3A_2008 = arith.mulf %parallel_loop3A_2007, %parallel_loop3A_2007 : vector<16xf32>
        %parallel_loop3A_2009 = arith.addf %parallel_loop3A_1689, %parallel_loop3A_2008 : vector<16xf32>
        %parallel_loop3A_2010 = arith.subf %parallel_loop3A_1781, %parallel_loop3A_1909 : vector<16xf32>
        %parallel_loop3A_2011 = arith.addf %parallel_loop3A_2010, %get3A_11 : vector<16xf32>
        %parallel_loop3A_2012 = arith.mulf %parallel_loop3A_2011, %parallel_loop3A_2011 : vector<16xf32>
        %parallel_loop3A_2013 = arith.addf %parallel_loop3A_1693, %parallel_loop3A_2012 : vector<16xf32>
        %parallel_loop3A_2014 = arith.subf %parallel_loop3A_1789, %parallel_loop3A_1917 : vector<16xf32>
        %parallel_loop3A_2015 = arith.addf %parallel_loop3A_2014, %get3A_11 : vector<16xf32>
        %parallel_loop3A_2016 = arith.mulf %parallel_loop3A_2015, %parallel_loop3A_2015 : vector<16xf32>
        %parallel_loop3A_2017 = arith.addf %parallel_loop3A_1697, %parallel_loop3A_2016 : vector<16xf32>
        %parallel_loop3A_2018 = arith.subf %parallel_loop3A_1797, %parallel_loop3A_1925 : vector<16xf32>
        %parallel_loop3A_2019 = arith.addf %parallel_loop3A_2018, %get3A_11 : vector<16xf32>
        %parallel_loop3A_2020 = arith.mulf %parallel_loop3A_2019, %parallel_loop3A_2019 : vector<16xf32>
        %parallel_loop3A_2021 = arith.addf %parallel_loop3A_1701, %parallel_loop3A_2020 : vector<16xf32>
        %parallel_loop3A_2022 = arith.subf %parallel_loop3A_1805, %parallel_loop3A_1933 : vector<16xf32>
        %parallel_loop3A_2023 = arith.addf %parallel_loop3A_2022, %get3A_11 : vector<16xf32>
        %parallel_loop3A_2024 = arith.mulf %parallel_loop3A_2023, %parallel_loop3A_2023 : vector<16xf32>
        %parallel_loop3A_2025 = arith.addf %parallel_loop3A_1705, %parallel_loop3A_2024 : vector<16xf32>
        %parallel_loop3A_2026 = arith.subf %parallel_loop3A_1813, %parallel_loop3A_1941 : vector<16xf32>
        %parallel_loop3A_2027 = arith.addf %parallel_loop3A_2026, %get3A_11 : vector<16xf32>
        %parallel_loop3A_2028 = arith.mulf %parallel_loop3A_2027, %parallel_loop3A_2027 : vector<16xf32>
        %parallel_loop3A_2029 = arith.addf %parallel_loop3A_1709, %parallel_loop3A_2028 : vector<16xf32>
        %parallel_loop3A_2030 = arith.subf %parallel_loop3A_1821, %parallel_loop3A_1949 : vector<16xf32>
        %parallel_loop3A_2031 = arith.addf %parallel_loop3A_2030, %get3A_11 : vector<16xf32>
        %parallel_loop3A_2032 = arith.mulf %parallel_loop3A_2031, %parallel_loop3A_2031 : vector<16xf32>
        %parallel_loop3A_2033 = arith.addf %parallel_loop3A_1713, %parallel_loop3A_2032 : vector<16xf32>
        %parallel_loop3A_2034 = arith.subf %parallel_loop3A_1829, %parallel_loop3A_1957 : vector<16xf32>
        %parallel_loop3A_2035 = arith.addf %parallel_loop3A_2034, %get3A_11 : vector<16xf32>
        %parallel_loop3A_2036 = arith.mulf %parallel_loop3A_2035, %parallel_loop3A_2035 : vector<16xf32>
        %parallel_loop3A_2037 = arith.addf %parallel_loop3A_1717, %parallel_loop3A_2036 : vector<16xf32>
        %parallel_loop3A_2038 = arith.subf %parallel_loop3A_1837, %parallel_loop3A_1965 : vector<16xf32>
        %parallel_loop3A_2039 = arith.addf %parallel_loop3A_2038, %get3A_11 : vector<16xf32>
        %parallel_loop3A_2040 = arith.mulf %parallel_loop3A_2039, %parallel_loop3A_2039 : vector<16xf32>
        %parallel_loop3A_2041 = arith.addf %parallel_loop3A_1721, %parallel_loop3A_2040 : vector<16xf32>
        %parallel_loop3A_2042 = arith.subf %parallel_loop3A_1845, %parallel_loop3A_1973 : vector<16xf32>
        %parallel_loop3A_2043 = arith.addf %parallel_loop3A_2042, %get3A_11 : vector<16xf32>
        %parallel_loop3A_2044 = arith.mulf %parallel_loop3A_2043, %parallel_loop3A_2043 : vector<16xf32>
        %parallel_loop3A_2045 = arith.addf %parallel_loop3A_1725, %parallel_loop3A_2044 : vector<16xf32>
        %parallel_loop3A_2046 = arith.subf %parallel_loop3A_1853, %parallel_loop3A_1981 : vector<16xf32>
        %parallel_loop3A_2047 = arith.addf %parallel_loop3A_2046, %get3A_11 : vector<16xf32>
        %parallel_loop3A_2048 = arith.mulf %parallel_loop3A_2047, %parallel_loop3A_2047 : vector<16xf32>
        %parallel_loop3A_2049 = arith.addf %parallel_loop3A_1729, %parallel_loop3A_2048 : vector<16xf32>
        %parallel_loop3A_2050 = arith.subf %parallel_loop3A_1861, %parallel_loop3A_1989 : vector<16xf32>
        %parallel_loop3A_2051 = arith.addf %parallel_loop3A_2050, %get3A_11 : vector<16xf32>
        %parallel_loop3A_2052 = arith.mulf %parallel_loop3A_2051, %parallel_loop3A_2051 : vector<16xf32>
        %parallel_loop3A_2053 = arith.addf %parallel_loop3A_1733, %parallel_loop3A_2052 : vector<16xf32>
        %parallel_loop3A_2054 = arith.constant 16 : i32
        %parallel_loop3A_2055 = arith.muli %parallel_loop3A_101, %parallel_loop3A_2054 : i32
        %parallel_loop3A_2056 = arith.constant 0 : i32
        %parallel_loop3A_2057 = arith.addi %parallel_loop3A_2055, %parallel_loop3A_2056 : i32
        %parallel_loop3A_2058 = arith.index_cast %and3A_62 : i32 to index
        %parallel_loop3A_2059 = arith.index_cast %parallel_loop3A_2057 : i32 to index
        %parallel_loop3A_2060 = arith.constant 96 : index
        %parallel_loop3A_2061 = tpu.vector_load %arg8[%parallel_loop3A_2058, %parallel_loop3A_2059, %parallel_loop3A_2060] {strides = array<i32>} : memref<2x128x128xf32, #tpu.memory_space<vmem>>, vector<16xf32>,
        %parallel_loop3A_2062 = arith.constant 16 : i32
        %parallel_loop3A_2063 = arith.muli %parallel_loop3A_101, %parallel_loop3A_2062 : i32
        %parallel_loop3A_2064 = arith.constant 1 : i32
        %parallel_loop3A_2065 = arith.addi %parallel_loop3A_2063, %parallel_loop3A_2064 : i32
        %parallel_loop3A_2066 = arith.index_cast %and3A_62 : i32 to index
        %parallel_loop3A_2067 = arith.index_cast %parallel_loop3A_2065 : i32 to index
        %parallel_loop3A_2068 = arith.constant 96 : index
        %parallel_loop3A_2069 = tpu.vector_load %arg8[%parallel_loop3A_2066, %parallel_loop3A_2067, %parallel_loop3A_2068] {strides = array<i32>} : memref<2x128x128xf32, #tpu.memory_space<vmem>>, vector<16xf32>,
        %parallel_loop3A_2070 = arith.constant 16 : i32
        %parallel_loop3A_2071 = arith.muli %parallel_loop3A_101, %parallel_loop3A_2070 : i32
        %parallel_loop3A_2072 = arith.constant 2 : i32
        %parallel_loop3A_2073 = arith.addi %parallel_loop3A_2071, %parallel_loop3A_2072 : i32
        %parallel_loop3A_2074 = arith.index_cast %and3A_62 : i32 to index
        %parallel_loop3A_2075 = arith.index_cast %parallel_loop3A_2073 : i32 to index
        %parallel_loop3A_2076 = arith.constant 96 : index
        %parallel_loop3A_2077 = tpu.vector_load %arg8[%parallel_loop3A_2074, %parallel_loop3A_2075, %parallel_loop3A_2076] {strides = array<i32>} : memref<2x128x128xf32, #tpu.memory_space<vmem>>, vector<16xf32>,
        %parallel_loop3A_2078 = arith.constant 16 : i32
        %parallel_loop3A_2079 = arith.muli %parallel_loop3A_101, %parallel_loop3A_2078 : i32
        %parallel_loop3A_2080 = arith.constant 3 : i32
        %parallel_loop3A_2081 = arith.addi %parallel_loop3A_2079, %parallel_loop3A_2080 : i32
        %parallel_loop3A_2082 = arith.index_cast %and3A_62 : i32 to index
        %parallel_loop3A_2083 = arith.index_cast %parallel_loop3A_2081 : i32 to index
        %parallel_loop3A_2084 = arith.constant 96 : index
        %parallel_loop3A_2085 = tpu.vector_load %arg8[%parallel_loop3A_2082, %parallel_loop3A_2083, %parallel_loop3A_2084] {strides = array<i32>} : memref<2x128x128xf32, #tpu.memory_space<vmem>>, vector<16xf32>,
        %parallel_loop3A_2086 = arith.constant 16 : i32
        %parallel_loop3A_2087 = arith.muli %parallel_loop3A_101, %parallel_loop3A_2086 : i32
        %parallel_loop3A_2088 = arith.constant 4 : i32
        %parallel_loop3A_2089 = arith.addi %parallel_loop3A_2087, %parallel_loop3A_2088 : i32
        %parallel_loop3A_2090 = arith.index_cast %and3A_62 : i32 to index
        %parallel_loop3A_2091 = arith.index_cast %parallel_loop3A_2089 : i32 to index
        %parallel_loop3A_2092 = arith.constant 96 : index
        %parallel_loop3A_2093 = tpu.vector_load %arg8[%parallel_loop3A_2090, %parallel_loop3A_2091, %parallel_loop3A_2092] {strides = array<i32>} : memref<2x128x128xf32, #tpu.memory_space<vmem>>, vector<16xf32>,
        %parallel_loop3A_2094 = arith.constant 16 : i32
        %parallel_loop3A_2095 = arith.muli %parallel_loop3A_101, %parallel_loop3A_2094 : i32
        %parallel_loop3A_2096 = arith.constant 5 : i32
        %parallel_loop3A_2097 = arith.addi %parallel_loop3A_2095, %parallel_loop3A_2096 : i32
        %parallel_loop3A_2098 = arith.index_cast %and3A_62 : i32 to index
        %parallel_loop3A_2099 = arith.index_cast %parallel_loop3A_2097 : i32 to index
        %parallel_loop3A_2100 = arith.constant 96 : index
        %parallel_loop3A_2101 = tpu.vector_load %arg8[%parallel_loop3A_2098, %parallel_loop3A_2099, %parallel_loop3A_2100] {strides = array<i32>} : memref<2x128x128xf32, #tpu.memory_space<vmem>>, vector<16xf32>,
        %parallel_loop3A_2102 = arith.constant 16 : i32
        %parallel_loop3A_2103 = arith.muli %parallel_loop3A_101, %parallel_loop3A_2102 : i32
        %parallel_loop3A_2104 = arith.constant 6 : i32
        %parallel_loop3A_2105 = arith.addi %parallel_loop3A_2103, %parallel_loop3A_2104 : i32
        %parallel_loop3A_2106 = arith.index_cast %and3A_62 : i32 to index
        %parallel_loop3A_2107 = arith.index_cast %parallel_loop3A_2105 : i32 to index
        %parallel_loop3A_2108 = arith.constant 96 : index
        %parallel_loop3A_2109 = tpu.vector_load %arg8[%parallel_loop3A_2106, %parallel_loop3A_2107, %parallel_loop3A_2108] {strides = array<i32>} : memref<2x128x128xf32, #tpu.memory_space<vmem>>, vector<16xf32>,
        %parallel_loop3A_2110 = arith.constant 16 : i32
        %parallel_loop3A_2111 = arith.muli %parallel_loop3A_101, %parallel_loop3A_2110 : i32
        %parallel_loop3A_2112 = arith.constant 7 : i32
        %parallel_loop3A_2113 = arith.addi %parallel_loop3A_2111, %parallel_loop3A_2112 : i32
        %parallel_loop3A_2114 = arith.index_cast %and3A_62 : i32 to index
        %parallel_loop3A_2115 = arith.index_cast %parallel_loop3A_2113 : i32 to index
        %parallel_loop3A_2116 = arith.constant 96 : index
        %parallel_loop3A_2117 = tpu.vector_load %arg8[%parallel_loop3A_2114, %parallel_loop3A_2115, %parallel_loop3A_2116] {strides = array<i32>} : memref<2x128x128xf32, #tpu.memory_space<vmem>>, vector<16xf32>,
        %parallel_loop3A_2118 = arith.constant 16 : i32
        %parallel_loop3A_2119 = arith.muli %parallel_loop3A_101, %parallel_loop3A_2118 : i32
        %parallel_loop3A_2120 = arith.constant 8 : i32
        %parallel_loop3A_2121 = arith.addi %parallel_loop3A_2119, %parallel_loop3A_2120 : i32
        %parallel_loop3A_2122 = arith.index_cast %and3A_62 : i32 to index
        %parallel_loop3A_2123 = arith.index_cast %parallel_loop3A_2121 : i32 to index
        %parallel_loop3A_2124 = arith.constant 96 : index
        %parallel_loop3A_2125 = tpu.vector_load %arg8[%parallel_loop3A_2122, %parallel_loop3A_2123, %parallel_loop3A_2124] {strides = array<i32>} : memref<2x128x128xf32, #tpu.memory_space<vmem>>, vector<16xf32>,
        %parallel_loop3A_2126 = arith.constant 16 : i32
        %parallel_loop3A_2127 = arith.muli %parallel_loop3A_101, %parallel_loop3A_2126 : i32
        %parallel_loop3A_2128 = arith.constant 9 : i32
        %parallel_loop3A_2129 = arith.addi %parallel_loop3A_2127, %parallel_loop3A_2128 : i32
        %parallel_loop3A_2130 = arith.index_cast %and3A_62 : i32 to index
        %parallel_loop3A_2131 = arith.index_cast %parallel_loop3A_2129 : i32 to index
        %parallel_loop3A_2132 = arith.constant 96 : index
        %parallel_loop3A_2133 = tpu.vector_load %arg8[%parallel_loop3A_2130, %parallel_loop3A_2131, %parallel_loop3A_2132] {strides = array<i32>} : memref<2x128x128xf32, #tpu.memory_space<vmem>>, vector<16xf32>,
        %parallel_loop3A_2134 = arith.constant 16 : i32
        %parallel_loop3A_2135 = arith.muli %parallel_loop3A_101, %parallel_loop3A_2134 : i32
        %parallel_loop3A_2136 = arith.constant 10 : i32
        %parallel_loop3A_2137 = arith.addi %parallel_loop3A_2135, %parallel_loop3A_2136 : i32
        %parallel_loop3A_2138 = arith.index_cast %and3A_62 : i32 to index
        %parallel_loop3A_2139 = arith.index_cast %parallel_loop3A_2137 : i32 to index
        %parallel_loop3A_2140 = arith.constant 96 : index
        %parallel_loop3A_2141 = tpu.vector_load %arg8[%parallel_loop3A_2138, %parallel_loop3A_2139, %parallel_loop3A_2140] {strides = array<i32>} : memref<2x128x128xf32, #tpu.memory_space<vmem>>, vector<16xf32>,
        %parallel_loop3A_2142 = arith.constant 16 : i32
        %parallel_loop3A_2143 = arith.muli %parallel_loop3A_101, %parallel_loop3A_2142 : i32
        %parallel_loop3A_2144 = arith.constant 11 : i32
        %parallel_loop3A_2145 = arith.addi %parallel_loop3A_2143, %parallel_loop3A_2144 : i32
        %parallel_loop3A_2146 = arith.index_cast %and3A_62 : i32 to index
        %parallel_loop3A_2147 = arith.index_cast %parallel_loop3A_2145 : i32 to index
        %parallel_loop3A_2148 = arith.constant 96 : index
        %parallel_loop3A_2149 = tpu.vector_load %arg8[%parallel_loop3A_2146, %parallel_loop3A_2147, %parallel_loop3A_2148] {strides = array<i32>} : memref<2x128x128xf32, #tpu.memory_space<vmem>>, vector<16xf32>,
        %parallel_loop3A_2150 = arith.constant 16 : i32
        %parallel_loop3A_2151 = arith.muli %parallel_loop3A_101, %parallel_loop3A_2150 : i32
        %parallel_loop3A_2152 = arith.constant 12 : i32
        %parallel_loop3A_2153 = arith.addi %parallel_loop3A_2151, %parallel_loop3A_2152 : i32
        %parallel_loop3A_2154 = arith.index_cast %and3A_62 : i32 to index
        %parallel_loop3A_2155 = arith.index_cast %parallel_loop3A_2153 : i32 to index
        %parallel_loop3A_2156 = arith.constant 96 : index
        %parallel_loop3A_2157 = tpu.vector_load %arg8[%parallel_loop3A_2154, %parallel_loop3A_2155, %parallel_loop3A_2156] {strides = array<i32>} : memref<2x128x128xf32, #tpu.memory_space<vmem>>, vector<16xf32>,
        %parallel_loop3A_2158 = arith.constant 16 : i32
        %parallel_loop3A_2159 = arith.muli %parallel_loop3A_101, %parallel_loop3A_2158 : i32
        %parallel_loop3A_2160 = arith.constant 13 : i32
        %parallel_loop3A_2161 = arith.addi %parallel_loop3A_2159, %parallel_loop3A_2160 : i32
        %parallel_loop3A_2162 = arith.index_cast %and3A_62 : i32 to index
        %parallel_loop3A_2163 = arith.index_cast %parallel_loop3A_2161 : i32 to index
        %parallel_loop3A_2164 = arith.constant 96 : index
        %parallel_loop3A_2165 = tpu.vector_load %arg8[%parallel_loop3A_2162, %parallel_loop3A_2163, %parallel_loop3A_2164] {strides = array<i32>} : memref<2x128x128xf32, #tpu.memory_space<vmem>>, vector<16xf32>,
        %parallel_loop3A_2166 = arith.constant 16 : i32
        %parallel_loop3A_2167 = arith.muli %parallel_loop3A_101, %parallel_loop3A_2166 : i32
        %parallel_loop3A_2168 = arith.constant 14 : i32
        %parallel_loop3A_2169 = arith.addi %parallel_loop3A_2167, %parallel_loop3A_2168 : i32
        %parallel_loop3A_2170 = arith.index_cast %and3A_62 : i32 to index
        %parallel_loop3A_2171 = arith.index_cast %parallel_loop3A_2169 : i32 to index
        %parallel_loop3A_2172 = arith.constant 96 : index
        %parallel_loop3A_2173 = tpu.vector_load %arg8[%parallel_loop3A_2170, %parallel_loop3A_2171, %parallel_loop3A_2172] {strides = array<i32>} : memref<2x128x128xf32, #tpu.memory_space<vmem>>, vector<16xf32>,
        %parallel_loop3A_2174 = arith.constant 16 : i32
        %parallel_loop3A_2175 = arith.muli %parallel_loop3A_101, %parallel_loop3A_2174 : i32
        %parallel_loop3A_2176 = arith.constant 15 : i32
        %parallel_loop3A_2177 = arith.addi %parallel_loop3A_2175, %parallel_loop3A_2176 : i32
        %parallel_loop3A_2178 = arith.index_cast %and3A_62 : i32 to index
        %parallel_loop3A_2179 = arith.index_cast %parallel_loop3A_2177 : i32 to index
        %parallel_loop3A_2180 = arith.constant 96 : index
        %parallel_loop3A_2181 = tpu.vector_load %arg8[%parallel_loop3A_2178, %parallel_loop3A_2179, %parallel_loop3A_2180] {strides = array<i32>} : memref<2x128x128xf32, #tpu.memory_space<vmem>>, vector<16xf32>,
        %parallel_loop3A_2182 = arith.constant 16 : i32
        %parallel_loop3A_2183 = arith.muli %parallel_loop3A_101, %parallel_loop3A_2182 : i32
        %parallel_loop3A_2184 = arith.constant 0 : i32
        %parallel_loop3A_2185 = arith.addi %parallel_loop3A_2183, %parallel_loop3A_2184 : i32
        %parallel_loop3A_2186 = arith.index_cast %and3A_62 : i32 to index
        %parallel_loop3A_2187 = arith.index_cast %parallel_loop3A_2185 : i32 to index
        %parallel_loop3A_2188 = arith.constant 96 : index
        %parallel_loop3A_2189 = tpu.vector_load %arg9[%parallel_loop3A_2186, %parallel_loop3A_2187, %parallel_loop3A_2188] {strides = array<i32>} : memref<2x128x128xf32, #tpu.memory_space<vmem>>, vector<16xf32>,
        %parallel_loop3A_2190 = arith.constant 16 : i32
        %parallel_loop3A_2191 = arith.muli %parallel_loop3A_101, %parallel_loop3A_2190 : i32
        %parallel_loop3A_2192 = arith.constant 1 : i32
        %parallel_loop3A_2193 = arith.addi %parallel_loop3A_2191, %parallel_loop3A_2192 : i32
        %parallel_loop3A_2194 = arith.index_cast %and3A_62 : i32 to index
        %parallel_loop3A_2195 = arith.index_cast %parallel_loop3A_2193 : i32 to index
        %parallel_loop3A_2196 = arith.constant 96 : index
        %parallel_loop3A_2197 = tpu.vector_load %arg9[%parallel_loop3A_2194, %parallel_loop3A_2195, %parallel_loop3A_2196] {strides = array<i32>} : memref<2x128x128xf32, #tpu.memory_space<vmem>>, vector<16xf32>,
        %parallel_loop3A_2198 = arith.constant 16 : i32
        %parallel_loop3A_2199 = arith.muli %parallel_loop3A_101, %parallel_loop3A_2198 : i32
        %parallel_loop3A_2200 = arith.constant 2 : i32
        %parallel_loop3A_2201 = arith.addi %parallel_loop3A_2199, %parallel_loop3A_2200 : i32
        %parallel_loop3A_2202 = arith.index_cast %and3A_62 : i32 to index
        %parallel_loop3A_2203 = arith.index_cast %parallel_loop3A_2201 : i32 to index
        %parallel_loop3A_2204 = arith.constant 96 : index
        %parallel_loop3A_2205 = tpu.vector_load %arg9[%parallel_loop3A_2202, %parallel_loop3A_2203, %parallel_loop3A_2204] {strides = array<i32>} : memref<2x128x128xf32, #tpu.memory_space<vmem>>, vector<16xf32>,
        %parallel_loop3A_2206 = arith.constant 16 : i32
        %parallel_loop3A_2207 = arith.muli %parallel_loop3A_101, %parallel_loop3A_2206 : i32
        %parallel_loop3A_2208 = arith.constant 3 : i32
        %parallel_loop3A_2209 = arith.addi %parallel_loop3A_2207, %parallel_loop3A_2208 : i32
        %parallel_loop3A_2210 = arith.index_cast %and3A_62 : i32 to index
        %parallel_loop3A_2211 = arith.index_cast %parallel_loop3A_2209 : i32 to index
        %parallel_loop3A_2212 = arith.constant 96 : index
        %parallel_loop3A_2213 = tpu.vector_load %arg9[%parallel_loop3A_2210, %parallel_loop3A_2211, %parallel_loop3A_2212] {strides = array<i32>} : memref<2x128x128xf32, #tpu.memory_space<vmem>>, vector<16xf32>,
        %parallel_loop3A_2214 = arith.constant 16 : i32
        %parallel_loop3A_2215 = arith.muli %parallel_loop3A_101, %parallel_loop3A_2214 : i32
        %parallel_loop3A_2216 = arith.constant 4 : i32
        %parallel_loop3A_2217 = arith.addi %parallel_loop3A_2215, %parallel_loop3A_2216 : i32
        %parallel_loop3A_2218 = arith.index_cast %and3A_62 : i32 to index
        %parallel_loop3A_2219 = arith.index_cast %parallel_loop3A_2217 : i32 to index
        %parallel_loop3A_2220 = arith.constant 96 : index
        %parallel_loop3A_2221 = tpu.vector_load %arg9[%parallel_loop3A_2218, %parallel_loop3A_2219, %parallel_loop3A_2220] {strides = array<i32>} : memref<2x128x128xf32, #tpu.memory_space<vmem>>, vector<16xf32>,
        %parallel_loop3A_2222 = arith.constant 16 : i32
        %parallel_loop3A_2223 = arith.muli %parallel_loop3A_101, %parallel_loop3A_2222 : i32
        %parallel_loop3A_2224 = arith.constant 5 : i32
        %parallel_loop3A_2225 = arith.addi %parallel_loop3A_2223, %parallel_loop3A_2224 : i32
        %parallel_loop3A_2226 = arith.index_cast %and3A_62 : i32 to index
        %parallel_loop3A_2227 = arith.index_cast %parallel_loop3A_2225 : i32 to index
        %parallel_loop3A_2228 = arith.constant 96 : index
        %parallel_loop3A_2229 = tpu.vector_load %arg9[%parallel_loop3A_2226, %parallel_loop3A_2227, %parallel_loop3A_2228] {strides = array<i32>} : memref<2x128x128xf32, #tpu.memory_space<vmem>>, vector<16xf32>,
        %parallel_loop3A_2230 = arith.constant 16 : i32
        %parallel_loop3A_2231 = arith.muli %parallel_loop3A_101, %parallel_loop3A_2230 : i32
        %parallel_loop3A_2232 = arith.constant 6 : i32
        %parallel_loop3A_2233 = arith.addi %parallel_loop3A_2231, %parallel_loop3A_2232 : i32
        %parallel_loop3A_2234 = arith.index_cast %and3A_62 : i32 to index
        %parallel_loop3A_2235 = arith.index_cast %parallel_loop3A_2233 : i32 to index
        %parallel_loop3A_2236 = arith.constant 96 : index
        %parallel_loop3A_2237 = tpu.vector_load %arg9[%parallel_loop3A_2234, %parallel_loop3A_2235, %parallel_loop3A_2236] {strides = array<i32>} : memref<2x128x128xf32, #tpu.memory_space<vmem>>, vector<16xf32>,
        %parallel_loop3A_2238 = arith.constant 16 : i32
        %parallel_loop3A_2239 = arith.muli %parallel_loop3A_101, %parallel_loop3A_2238 : i32
        %parallel_loop3A_2240 = arith.constant 7 : i32
        %parallel_loop3A_2241 = arith.addi %parallel_loop3A_2239, %parallel_loop3A_2240 : i32
        %parallel_loop3A_2242 = arith.index_cast %and3A_62 : i32 to index
        %parallel_loop3A_2243 = arith.index_cast %parallel_loop3A_2241 : i32 to index
        %parallel_loop3A_2244 = arith.constant 96 : index
        %parallel_loop3A_2245 = tpu.vector_load %arg9[%parallel_loop3A_2242, %parallel_loop3A_2243, %parallel_loop3A_2244] {strides = array<i32>} : memref<2x128x128xf32, #tpu.memory_space<vmem>>, vector<16xf32>,
        %parallel_loop3A_2246 = arith.constant 16 : i32
        %parallel_loop3A_2247 = arith.muli %parallel_loop3A_101, %parallel_loop3A_2246 : i32
        %parallel_loop3A_2248 = arith.constant 8 : i32
        %parallel_loop3A_2249 = arith.addi %parallel_loop3A_2247, %parallel_loop3A_2248 : i32
        %parallel_loop3A_2250 = arith.index_cast %and3A_62 : i32 to index
        %parallel_loop3A_2251 = arith.index_cast %parallel_loop3A_2249 : i32 to index
        %parallel_loop3A_2252 = arith.constant 96 : index
        %parallel_loop3A_2253 = tpu.vector_load %arg9[%parallel_loop3A_2250, %parallel_loop3A_2251, %parallel_loop3A_2252] {strides = array<i32>} : memref<2x128x128xf32, #tpu.memory_space<vmem>>, vector<16xf32>,
        %parallel_loop3A_2254 = arith.constant 16 : i32
        %parallel_loop3A_2255 = arith.muli %parallel_loop3A_101, %parallel_loop3A_2254 : i32
        %parallel_loop3A_2256 = arith.constant 9 : i32
        %parallel_loop3A_2257 = arith.addi %parallel_loop3A_2255, %parallel_loop3A_2256 : i32
        %parallel_loop3A_2258 = arith.index_cast %and3A_62 : i32 to index
        %parallel_loop3A_2259 = arith.index_cast %parallel_loop3A_2257 : i32 to index
        %parallel_loop3A_2260 = arith.constant 96 : index
        %parallel_loop3A_2261 = tpu.vector_load %arg9[%parallel_loop3A_2258, %parallel_loop3A_2259, %parallel_loop3A_2260] {strides = array<i32>} : memref<2x128x128xf32, #tpu.memory_space<vmem>>, vector<16xf32>,
        %parallel_loop3A_2262 = arith.constant 16 : i32
        %parallel_loop3A_2263 = arith.muli %parallel_loop3A_101, %parallel_loop3A_2262 : i32
        %parallel_loop3A_2264 = arith.constant 10 : i32
        %parallel_loop3A_2265 = arith.addi %parallel_loop3A_2263, %parallel_loop3A_2264 : i32
        %parallel_loop3A_2266 = arith.index_cast %and3A_62 : i32 to index
        %parallel_loop3A_2267 = arith.index_cast %parallel_loop3A_2265 : i32 to index
        %parallel_loop3A_2268 = arith.constant 96 : index
        %parallel_loop3A_2269 = tpu.vector_load %arg9[%parallel_loop3A_2266, %parallel_loop3A_2267, %parallel_loop3A_2268] {strides = array<i32>} : memref<2x128x128xf32, #tpu.memory_space<vmem>>, vector<16xf32>,
        %parallel_loop3A_2270 = arith.constant 16 : i32
        %parallel_loop3A_2271 = arith.muli %parallel_loop3A_101, %parallel_loop3A_2270 : i32
        %parallel_loop3A_2272 = arith.constant 11 : i32
        %parallel_loop3A_2273 = arith.addi %parallel_loop3A_2271, %parallel_loop3A_2272 : i32
        %parallel_loop3A_2274 = arith.index_cast %and3A_62 : i32 to index
        %parallel_loop3A_2275 = arith.index_cast %parallel_loop3A_2273 : i32 to index
        %parallel_loop3A_2276 = arith.constant 96 : index
        %parallel_loop3A_2277 = tpu.vector_load %arg9[%parallel_loop3A_2274, %parallel_loop3A_2275, %parallel_loop3A_2276] {strides = array<i32>} : memref<2x128x128xf32, #tpu.memory_space<vmem>>, vector<16xf32>,
        %parallel_loop3A_2278 = arith.constant 16 : i32
        %parallel_loop3A_2279 = arith.muli %parallel_loop3A_101, %parallel_loop3A_2278 : i32
        %parallel_loop3A_2280 = arith.constant 12 : i32
        %parallel_loop3A_2281 = arith.addi %parallel_loop3A_2279, %parallel_loop3A_2280 : i32
        %parallel_loop3A_2282 = arith.index_cast %and3A_62 : i32 to index
        %parallel_loop3A_2283 = arith.index_cast %parallel_loop3A_2281 : i32 to index
        %parallel_loop3A_2284 = arith.constant 96 : index
        %parallel_loop3A_2285 = tpu.vector_load %arg9[%parallel_loop3A_2282, %parallel_loop3A_2283, %parallel_loop3A_2284] {strides = array<i32>} : memref<2x128x128xf32, #tpu.memory_space<vmem>>, vector<16xf32>,
        %parallel_loop3A_2286 = arith.constant 16 : i32
        %parallel_loop3A_2287 = arith.muli %parallel_loop3A_101, %parallel_loop3A_2286 : i32
        %parallel_loop3A_2288 = arith.constant 13 : i32
        %parallel_loop3A_2289 = arith.addi %parallel_loop3A_2287, %parallel_loop3A_2288 : i32
        %parallel_loop3A_2290 = arith.index_cast %and3A_62 : i32 to index
        %parallel_loop3A_2291 = arith.index_cast %parallel_loop3A_2289 : i32 to index
        %parallel_loop3A_2292 = arith.constant 96 : index
        %parallel_loop3A_2293 = tpu.vector_load %arg9[%parallel_loop3A_2290, %parallel_loop3A_2291, %parallel_loop3A_2292] {strides = array<i32>} : memref<2x128x128xf32, #tpu.memory_space<vmem>>, vector<16xf32>,
        %parallel_loop3A_2294 = arith.constant 16 : i32
        %parallel_loop3A_2295 = arith.muli %parallel_loop3A_101, %parallel_loop3A_2294 : i32
        %parallel_loop3A_2296 = arith.constant 14 : i32
        %parallel_loop3A_2297 = arith.addi %parallel_loop3A_2295, %parallel_loop3A_2296 : i32
        %parallel_loop3A_2298 = arith.index_cast %and3A_62 : i32 to index
        %parallel_loop3A_2299 = arith.index_cast %parallel_loop3A_2297 : i32 to index
        %parallel_loop3A_2300 = arith.constant 96 : index
        %parallel_loop3A_2301 = tpu.vector_load %arg9[%parallel_loop3A_2298, %parallel_loop3A_2299, %parallel_loop3A_2300] {strides = array<i32>} : memref<2x128x128xf32, #tpu.memory_space<vmem>>, vector<16xf32>,
        %parallel_loop3A_2302 = arith.constant 16 : i32
        %parallel_loop3A_2303 = arith.muli %parallel_loop3A_101, %parallel_loop3A_2302 : i32
        %parallel_loop3A_2304 = arith.constant 15 : i32
        %parallel_loop3A_2305 = arith.addi %parallel_loop3A_2303, %parallel_loop3A_2304 : i32
        %parallel_loop3A_2306 = arith.index_cast %and3A_62 : i32 to index
        %parallel_loop3A_2307 = arith.index_cast %parallel_loop3A_2305 : i32 to index
        %parallel_loop3A_2308 = arith.constant 96 : index
        %parallel_loop3A_2309 = tpu.vector_load %arg9[%parallel_loop3A_2306, %parallel_loop3A_2307, %parallel_loop3A_2308] {strides = array<i32>} : memref<2x128x128xf32, #tpu.memory_space<vmem>>, vector<16xf32>,
        %parallel_loop3A_2310 = arith.subf %parallel_loop3A_2061, %parallel_loop3A_2189 : vector<16xf32>
        %parallel_loop3A_2311 = arith.addf %parallel_loop3A_2310, %get3A_13 : vector<16xf32>
        %parallel_loop3A_2312 = arith.mulf %parallel_loop3A_2311, %parallel_loop3A_2311 : vector<16xf32>
        %parallel_loop3A_2313 = arith.addf %parallel_loop3A_1993, %parallel_loop3A_2312 : vector<16xf32>
        %parallel_loop3A_2314 = arith.subf %parallel_loop3A_2069, %parallel_loop3A_2197 : vector<16xf32>
        %parallel_loop3A_2315 = arith.addf %parallel_loop3A_2314, %get3A_13 : vector<16xf32>
        %parallel_loop3A_2316 = arith.mulf %parallel_loop3A_2315, %parallel_loop3A_2315 : vector<16xf32>
        %parallel_loop3A_2317 = arith.addf %parallel_loop3A_1997, %parallel_loop3A_2316 : vector<16xf32>
        %parallel_loop3A_2318 = arith.subf %parallel_loop3A_2077, %parallel_loop3A_2205 : vector<16xf32>
        %parallel_loop3A_2319 = arith.addf %parallel_loop3A_2318, %get3A_13 : vector<16xf32>
        %parallel_loop3A_2320 = arith.mulf %parallel_loop3A_2319, %parallel_loop3A_2319 : vector<16xf32>
        %parallel_loop3A_2321 = arith.addf %parallel_loop3A_2001, %parallel_loop3A_2320 : vector<16xf32>
        %parallel_loop3A_2322 = arith.subf %parallel_loop3A_2085, %parallel_loop3A_2213 : vector<16xf32>
        %parallel_loop3A_2323 = arith.addf %parallel_loop3A_2322, %get3A_13 : vector<16xf32>
        %parallel_loop3A_2324 = arith.mulf %parallel_loop3A_2323, %parallel_loop3A_2323 : vector<16xf32>
        %parallel_loop3A_2325 = arith.addf %parallel_loop3A_2005, %parallel_loop3A_2324 : vector<16xf32>
        %parallel_loop3A_2326 = arith.subf %parallel_loop3A_2093, %parallel_loop3A_2221 : vector<16xf32>
        %parallel_loop3A_2327 = arith.addf %parallel_loop3A_2326, %get3A_13 : vector<16xf32>
        %parallel_loop3A_2328 = arith.mulf %parallel_loop3A_2327, %parallel_loop3A_2327 : vector<16xf32>
        %parallel_loop3A_2329 = arith.addf %parallel_loop3A_2009, %parallel_loop3A_2328 : vector<16xf32>
        %parallel_loop3A_2330 = arith.subf %parallel_loop3A_2101, %parallel_loop3A_2229 : vector<16xf32>
        %parallel_loop3A_2331 = arith.addf %parallel_loop3A_2330, %get3A_13 : vector<16xf32>
        %parallel_loop3A_2332 = arith.mulf %parallel_loop3A_2331, %parallel_loop3A_2331 : vector<16xf32>
        %parallel_loop3A_2333 = arith.addf %parallel_loop3A_2013, %parallel_loop3A_2332 : vector<16xf32>
        %parallel_loop3A_2334 = arith.subf %parallel_loop3A_2109, %parallel_loop3A_2237 : vector<16xf32>
        %parallel_loop3A_2335 = arith.addf %parallel_loop3A_2334, %get3A_13 : vector<16xf32>
        %parallel_loop3A_2336 = arith.mulf %parallel_loop3A_2335, %parallel_loop3A_2335 : vector<16xf32>
        %parallel_loop3A_2337 = arith.addf %parallel_loop3A_2017, %parallel_loop3A_2336 : vector<16xf32>
        %parallel_loop3A_2338 = arith.subf %parallel_loop3A_2117, %parallel_loop3A_2245 : vector<16xf32>
        %parallel_loop3A_2339 = arith.addf %parallel_loop3A_2338, %get3A_13 : vector<16xf32>
        %parallel_loop3A_2340 = arith.mulf %parallel_loop3A_2339, %parallel_loop3A_2339 : vector<16xf32>
        %parallel_loop3A_2341 = arith.addf %parallel_loop3A_2021, %parallel_loop3A_2340 : vector<16xf32>
        %parallel_loop3A_2342 = arith.subf %parallel_loop3A_2125, %parallel_loop3A_2253 : vector<16xf32>
        %parallel_loop3A_2343 = arith.addf %parallel_loop3A_2342, %get3A_13 : vector<16xf32>
        %parallel_loop3A_2344 = arith.mulf %parallel_loop3A_2343, %parallel_loop3A_2343 : vector<16xf32>
        %parallel_loop3A_2345 = arith.addf %parallel_loop3A_2025, %parallel_loop3A_2344 : vector<16xf32>
        %parallel_loop3A_2346 = arith.subf %parallel_loop3A_2133, %parallel_loop3A_2261 : vector<16xf32>
        %parallel_loop3A_2347 = arith.addf %parallel_loop3A_2346, %get3A_13 : vector<16xf32>
        %parallel_loop3A_2348 = arith.mulf %parallel_loop3A_2347, %parallel_loop3A_2347 : vector<16xf32>
        %parallel_loop3A_2349 = arith.addf %parallel_loop3A_2029, %parallel_loop3A_2348 : vector<16xf32>
        %parallel_loop3A_2350 = arith.subf %parallel_loop3A_2141, %parallel_loop3A_2269 : vector<16xf32>
        %parallel_loop3A_2351 = arith.addf %parallel_loop3A_2350, %get3A_13 : vector<16xf32>
        %parallel_loop3A_2352 = arith.mulf %parallel_loop3A_2351, %parallel_loop3A_2351 : vector<16xf32>
        %parallel_loop3A_2353 = arith.addf %parallel_loop3A_2033, %parallel_loop3A_2352 : vector<16xf32>
        %parallel_loop3A_2354 = arith.subf %parallel_loop3A_2149, %parallel_loop3A_2277 : vector<16xf32>
        %parallel_loop3A_2355 = arith.addf %parallel_loop3A_2354, %get3A_13 : vector<16xf32>
        %parallel_loop3A_2356 = arith.mulf %parallel_loop3A_2355, %parallel_loop3A_2355 : vector<16xf32>
        %parallel_loop3A_2357 = arith.addf %parallel_loop3A_2037, %parallel_loop3A_2356 : vector<16xf32>
        %parallel_loop3A_2358 = arith.subf %parallel_loop3A_2157, %parallel_loop3A_2285 : vector<16xf32>
        %parallel_loop3A_2359 = arith.addf %parallel_loop3A_2358, %get3A_13 : vector<16xf32>
        %parallel_loop3A_2360 = arith.mulf %parallel_loop3A_2359, %parallel_loop3A_2359 : vector<16xf32>
        %parallel_loop3A_2361 = arith.addf %parallel_loop3A_2041, %parallel_loop3A_2360 : vector<16xf32>
        %parallel_loop3A_2362 = arith.subf %parallel_loop3A_2165, %parallel_loop3A_2293 : vector<16xf32>
        %parallel_loop3A_2363 = arith.addf %parallel_loop3A_2362, %get3A_13 : vector<16xf32>
        %parallel_loop3A_2364 = arith.mulf %parallel_loop3A_2363, %parallel_loop3A_2363 : vector<16xf32>
        %parallel_loop3A_2365 = arith.addf %parallel_loop3A_2045, %parallel_loop3A_2364 : vector<16xf32>
        %parallel_loop3A_2366 = arith.subf %parallel_loop3A_2173, %parallel_loop3A_2301 : vector<16xf32>
        %parallel_loop3A_2367 = arith.addf %parallel_loop3A_2366, %get3A_13 : vector<16xf32>
        %parallel_loop3A_2368 = arith.mulf %parallel_loop3A_2367, %parallel_loop3A_2367 : vector<16xf32>
        %parallel_loop3A_2369 = arith.addf %parallel_loop3A_2049, %parallel_loop3A_2368 : vector<16xf32>
        %parallel_loop3A_2370 = arith.subf %parallel_loop3A_2181, %parallel_loop3A_2309 : vector<16xf32>
        %parallel_loop3A_2371 = arith.addf %parallel_loop3A_2370, %get3A_13 : vector<16xf32>
        %parallel_loop3A_2372 = arith.mulf %parallel_loop3A_2371, %parallel_loop3A_2371 : vector<16xf32>
        %parallel_loop3A_2373 = arith.addf %parallel_loop3A_2053, %parallel_loop3A_2372 : vector<16xf32>
        %parallel_loop3A_2374 = arith.constant 16 : i32
        %parallel_loop3A_2375 = arith.muli %parallel_loop3A_101, %parallel_loop3A_2374 : i32
        %parallel_loop3A_2376 = arith.constant 0 : i32
        %parallel_loop3A_2377 = arith.addi %parallel_loop3A_2375, %parallel_loop3A_2376 : i32
        %parallel_loop3A_2378 = arith.index_cast %and3A_62 : i32 to index
        %parallel_loop3A_2379 = arith.index_cast %parallel_loop3A_2377 : i32 to index
        %parallel_loop3A_2380 = arith.constant 112 : index
        %parallel_loop3A_2381 = tpu.vector_load %arg8[%parallel_loop3A_2378, %parallel_loop3A_2379, %parallel_loop3A_2380] {strides = array<i32>} : memref<2x128x128xf32, #tpu.memory_space<vmem>>, vector<16xf32>,
        %parallel_loop3A_2382 = arith.constant 16 : i32
        %parallel_loop3A_2383 = arith.muli %parallel_loop3A_101, %parallel_loop3A_2382 : i32
        %parallel_loop3A_2384 = arith.constant 1 : i32
        %parallel_loop3A_2385 = arith.addi %parallel_loop3A_2383, %parallel_loop3A_2384 : i32
        %parallel_loop3A_2386 = arith.index_cast %and3A_62 : i32 to index
        %parallel_loop3A_2387 = arith.index_cast %parallel_loop3A_2385 : i32 to index
        %parallel_loop3A_2388 = arith.constant 112 : index
        %parallel_loop3A_2389 = tpu.vector_load %arg8[%parallel_loop3A_2386, %parallel_loop3A_2387, %parallel_loop3A_2388] {strides = array<i32>} : memref<2x128x128xf32, #tpu.memory_space<vmem>>, vector<16xf32>,
        %parallel_loop3A_2390 = arith.constant 16 : i32
        %parallel_loop3A_2391 = arith.muli %parallel_loop3A_101, %parallel_loop3A_2390 : i32
        %parallel_loop3A_2392 = arith.constant 2 : i32
        %parallel_loop3A_2393 = arith.addi %parallel_loop3A_2391, %parallel_loop3A_2392 : i32
        %parallel_loop3A_2394 = arith.index_cast %and3A_62 : i32 to index
        %parallel_loop3A_2395 = arith.index_cast %parallel_loop3A_2393 : i32 to index
        %parallel_loop3A_2396 = arith.constant 112 : index
        %parallel_loop3A_2397 = tpu.vector_load %arg8[%parallel_loop3A_2394, %parallel_loop3A_2395, %parallel_loop3A_2396] {strides = array<i32>} : memref<2x128x128xf32, #tpu.memory_space<vmem>>, vector<16xf32>,
        %parallel_loop3A_2398 = arith.constant 16 : i32
        %parallel_loop3A_2399 = arith.muli %parallel_loop3A_101, %parallel_loop3A_2398 : i32
        %parallel_loop3A_2400 = arith.constant 3 : i32
        %parallel_loop3A_2401 = arith.addi %parallel_loop3A_2399, %parallel_loop3A_2400 : i32
        %parallel_loop3A_2402 = arith.index_cast %and3A_62 : i32 to index
        %parallel_loop3A_2403 = arith.index_cast %parallel_loop3A_2401 : i32 to index
        %parallel_loop3A_2404 = arith.constant 112 : index
        %parallel_loop3A_2405 = tpu.vector_load %arg8[%parallel_loop3A_2402, %parallel_loop3A_2403, %parallel_loop3A_2404] {strides = array<i32>} : memref<2x128x128xf32, #tpu.memory_space<vmem>>, vector<16xf32>,
        %parallel_loop3A_2406 = arith.constant 16 : i32
        %parallel_loop3A_2407 = arith.muli %parallel_loop3A_101, %parallel_loop3A_2406 : i32
        %parallel_loop3A_2408 = arith.constant 4 : i32
        %parallel_loop3A_2409 = arith.addi %parallel_loop3A_2407, %parallel_loop3A_2408 : i32
        %parallel_loop3A_2410 = arith.index_cast %and3A_62 : i32 to index
        %parallel_loop3A_2411 = arith.index_cast %parallel_loop3A_2409 : i32 to index
        %parallel_loop3A_2412 = arith.constant 112 : index
        %parallel_loop3A_2413 = tpu.vector_load %arg8[%parallel_loop3A_2410, %parallel_loop3A_2411, %parallel_loop3A_2412] {strides = array<i32>} : memref<2x128x128xf32, #tpu.memory_space<vmem>>, vector<16xf32>,
        %parallel_loop3A_2414 = arith.constant 16 : i32
        %parallel_loop3A_2415 = arith.muli %parallel_loop3A_101, %parallel_loop3A_2414 : i32
        %parallel_loop3A_2416 = arith.constant 5 : i32
        %parallel_loop3A_2417 = arith.addi %parallel_loop3A_2415, %parallel_loop3A_2416 : i32
        %parallel_loop3A_2418 = arith.index_cast %and3A_62 : i32 to index
        %parallel_loop3A_2419 = arith.index_cast %parallel_loop3A_2417 : i32 to index
        %parallel_loop3A_2420 = arith.constant 112 : index
        %parallel_loop3A_2421 = tpu.vector_load %arg8[%parallel_loop3A_2418, %parallel_loop3A_2419, %parallel_loop3A_2420] {strides = array<i32>} : memref<2x128x128xf32, #tpu.memory_space<vmem>>, vector<16xf32>,
        %parallel_loop3A_2422 = arith.constant 16 : i32
        %parallel_loop3A_2423 = arith.muli %parallel_loop3A_101, %parallel_loop3A_2422 : i32
        %parallel_loop3A_2424 = arith.constant 6 : i32
        %parallel_loop3A_2425 = arith.addi %parallel_loop3A_2423, %parallel_loop3A_2424 : i32
        %parallel_loop3A_2426 = arith.index_cast %and3A_62 : i32 to index
        %parallel_loop3A_2427 = arith.index_cast %parallel_loop3A_2425 : i32 to index
        %parallel_loop3A_2428 = arith.constant 112 : index
        %parallel_loop3A_2429 = tpu.vector_load %arg8[%parallel_loop3A_2426, %parallel_loop3A_2427, %parallel_loop3A_2428] {strides = array<i32>} : memref<2x128x128xf32, #tpu.memory_space<vmem>>, vector<16xf32>,
        %parallel_loop3A_2430 = arith.constant 16 : i32
        %parallel_loop3A_2431 = arith.muli %parallel_loop3A_101, %parallel_loop3A_2430 : i32
        %parallel_loop3A_2432 = arith.constant 7 : i32
        %parallel_loop3A_2433 = arith.addi %parallel_loop3A_2431, %parallel_loop3A_2432 : i32
        %parallel_loop3A_2434 = arith.index_cast %and3A_62 : i32 to index
        %parallel_loop3A_2435 = arith.index_cast %parallel_loop3A_2433 : i32 to index
        %parallel_loop3A_2436 = arith.constant 112 : index
        %parallel_loop3A_2437 = tpu.vector_load %arg8[%parallel_loop3A_2434, %parallel_loop3A_2435, %parallel_loop3A_2436] {strides = array<i32>} : memref<2x128x128xf32, #tpu.memory_space<vmem>>, vector<16xf32>,
        %parallel_loop3A_2438 = arith.constant 16 : i32
        %parallel_loop3A_2439 = arith.muli %parallel_loop3A_101, %parallel_loop3A_2438 : i32
        %parallel_loop3A_2440 = arith.constant 8 : i32
        %parallel_loop3A_2441 = arith.addi %parallel_loop3A_2439, %parallel_loop3A_2440 : i32
        %parallel_loop3A_2442 = arith.index_cast %and3A_62 : i32 to index
        %parallel_loop3A_2443 = arith.index_cast %parallel_loop3A_2441 : i32 to index
        %parallel_loop3A_2444 = arith.constant 112 : index
        %parallel_loop3A_2445 = tpu.vector_load %arg8[%parallel_loop3A_2442, %parallel_loop3A_2443, %parallel_loop3A_2444] {strides = array<i32>} : memref<2x128x128xf32, #tpu.memory_space<vmem>>, vector<16xf32>,
        %parallel_loop3A_2446 = arith.constant 16 : i32
        %parallel_loop3A_2447 = arith.muli %parallel_loop3A_101, %parallel_loop3A_2446 : i32
        %parallel_loop3A_2448 = arith.constant 9 : i32
        %parallel_loop3A_2449 = arith.addi %parallel_loop3A_2447, %parallel_loop3A_2448 : i32
        %parallel_loop3A_2450 = arith.index_cast %and3A_62 : i32 to index
        %parallel_loop3A_2451 = arith.index_cast %parallel_loop3A_2449 : i32 to index
        %parallel_loop3A_2452 = arith.constant 112 : index
        %parallel_loop3A_2453 = tpu.vector_load %arg8[%parallel_loop3A_2450, %parallel_loop3A_2451, %parallel_loop3A_2452] {strides = array<i32>} : memref<2x128x128xf32, #tpu.memory_space<vmem>>, vector<16xf32>,
        %parallel_loop3A_2454 = arith.constant 16 : i32
        %parallel_loop3A_2455 = arith.muli %parallel_loop3A_101, %parallel_loop3A_2454 : i32
        %parallel_loop3A_2456 = arith.constant 10 : i32
        %parallel_loop3A_2457 = arith.addi %parallel_loop3A_2455, %parallel_loop3A_2456 : i32
        %parallel_loop3A_2458 = arith.index_cast %and3A_62 : i32 to index
        %parallel_loop3A_2459 = arith.index_cast %parallel_loop3A_2457 : i32 to index
        %parallel_loop3A_2460 = arith.constant 112 : index
        %parallel_loop3A_2461 = tpu.vector_load %arg8[%parallel_loop3A_2458, %parallel_loop3A_2459, %parallel_loop3A_2460] {strides = array<i32>} : memref<2x128x128xf32, #tpu.memory_space<vmem>>, vector<16xf32>,
        %parallel_loop3A_2462 = arith.constant 16 : i32
        %parallel_loop3A_2463 = arith.muli %parallel_loop3A_101, %parallel_loop3A_2462 : i32
        %parallel_loop3A_2464 = arith.constant 11 : i32
        %parallel_loop3A_2465 = arith.addi %parallel_loop3A_2463, %parallel_loop3A_2464 : i32
        %parallel_loop3A_2466 = arith.index_cast %and3A_62 : i32 to index
        %parallel_loop3A_2467 = arith.index_cast %parallel_loop3A_2465 : i32 to index
        %parallel_loop3A_2468 = arith.constant 112 : index
        %parallel_loop3A_2469 = tpu.vector_load %arg8[%parallel_loop3A_2466, %parallel_loop3A_2467, %parallel_loop3A_2468] {strides = array<i32>} : memref<2x128x128xf32, #tpu.memory_space<vmem>>, vector<16xf32>,
        %parallel_loop3A_2470 = arith.constant 16 : i32
        %parallel_loop3A_2471 = arith.muli %parallel_loop3A_101, %parallel_loop3A_2470 : i32
        %parallel_loop3A_2472 = arith.constant 12 : i32
        %parallel_loop3A_2473 = arith.addi %parallel_loop3A_2471, %parallel_loop3A_2472 : i32
        %parallel_loop3A_2474 = arith.index_cast %and3A_62 : i32 to index
        %parallel_loop3A_2475 = arith.index_cast %parallel_loop3A_2473 : i32 to index
        %parallel_loop3A_2476 = arith.constant 112 : index
        %parallel_loop3A_2477 = tpu.vector_load %arg8[%parallel_loop3A_2474, %parallel_loop3A_2475, %parallel_loop3A_2476] {strides = array<i32>} : memref<2x128x128xf32, #tpu.memory_space<vmem>>, vector<16xf32>,
        %parallel_loop3A_2478 = arith.constant 16 : i32
        %parallel_loop3A_2479 = arith.muli %parallel_loop3A_101, %parallel_loop3A_2478 : i32
        %parallel_loop3A_2480 = arith.constant 13 : i32
        %parallel_loop3A_2481 = arith.addi %parallel_loop3A_2479, %parallel_loop3A_2480 : i32
        %parallel_loop3A_2482 = arith.index_cast %and3A_62 : i32 to index
        %parallel_loop3A_2483 = arith.index_cast %parallel_loop3A_2481 : i32 to index
        %parallel_loop3A_2484 = arith.constant 112 : index
        %parallel_loop3A_2485 = tpu.vector_load %arg8[%parallel_loop3A_2482, %parallel_loop3A_2483, %parallel_loop3A_2484] {strides = array<i32>} : memref<2x128x128xf32, #tpu.memory_space<vmem>>, vector<16xf32>,
        %parallel_loop3A_2486 = arith.constant 16 : i32
        %parallel_loop3A_2487 = arith.muli %parallel_loop3A_101, %parallel_loop3A_2486 : i32
        %parallel_loop3A_2488 = arith.constant 14 : i32
        %parallel_loop3A_2489 = arith.addi %parallel_loop3A_2487, %parallel_loop3A_2488 : i32
        %parallel_loop3A_2490 = arith.index_cast %and3A_62 : i32 to index
        %parallel_loop3A_2491 = arith.index_cast %parallel_loop3A_2489 : i32 to index
        %parallel_loop3A_2492 = arith.constant 112 : index
        %parallel_loop3A_2493 = tpu.vector_load %arg8[%parallel_loop3A_2490, %parallel_loop3A_2491, %parallel_loop3A_2492] {strides = array<i32>} : memref<2x128x128xf32, #tpu.memory_space<vmem>>, vector<16xf32>,
        %parallel_loop3A_2494 = arith.constant 16 : i32
        %parallel_loop3A_2495 = arith.muli %parallel_loop3A_101, %parallel_loop3A_2494 : i32
        %parallel_loop3A_2496 = arith.constant 15 : i32
        %parallel_loop3A_2497 = arith.addi %parallel_loop3A_2495, %parallel_loop3A_2496 : i32
        %parallel_loop3A_2498 = arith.index_cast %and3A_62 : i32 to index
        %parallel_loop3A_2499 = arith.index_cast %parallel_loop3A_2497 : i32 to index
        %parallel_loop3A_2500 = arith.constant 112 : index
        %parallel_loop3A_2501 = tpu.vector_load %arg8[%parallel_loop3A_2498, %parallel_loop3A_2499, %parallel_loop3A_2500] {strides = array<i32>} : memref<2x128x128xf32, #tpu.memory_space<vmem>>, vector<16xf32>,
        %parallel_loop3A_2502 = arith.constant 16 : i32
        %parallel_loop3A_2503 = arith.muli %parallel_loop3A_101, %parallel_loop3A_2502 : i32
        %parallel_loop3A_2504 = arith.constant 0 : i32
        %parallel_loop3A_2505 = arith.addi %parallel_loop3A_2503, %parallel_loop3A_2504 : i32
        %parallel_loop3A_2506 = arith.index_cast %and3A_62 : i32 to index
        %parallel_loop3A_2507 = arith.index_cast %parallel_loop3A_2505 : i32 to index
        %parallel_loop3A_2508 = arith.constant 112 : index
        %parallel_loop3A_2509 = tpu.vector_load %arg9[%parallel_loop3A_2506, %parallel_loop3A_2507, %parallel_loop3A_2508] {strides = array<i32>} : memref<2x128x128xf32, #tpu.memory_space<vmem>>, vector<16xf32>,
        %parallel_loop3A_2510 = arith.constant 16 : i32
        %parallel_loop3A_2511 = arith.muli %parallel_loop3A_101, %parallel_loop3A_2510 : i32
        %parallel_loop3A_2512 = arith.constant 1 : i32
        %parallel_loop3A_2513 = arith.addi %parallel_loop3A_2511, %parallel_loop3A_2512 : i32
        %parallel_loop3A_2514 = arith.index_cast %and3A_62 : i32 to index
        %parallel_loop3A_2515 = arith.index_cast %parallel_loop3A_2513 : i32 to index
        %parallel_loop3A_2516 = arith.constant 112 : index
        %parallel_loop3A_2517 = tpu.vector_load %arg9[%parallel_loop3A_2514, %parallel_loop3A_2515, %parallel_loop3A_2516] {strides = array<i32>} : memref<2x128x128xf32, #tpu.memory_space<vmem>>, vector<16xf32>,
        %parallel_loop3A_2518 = arith.constant 16 : i32
        %parallel_loop3A_2519 = arith.muli %parallel_loop3A_101, %parallel_loop3A_2518 : i32
        %parallel_loop3A_2520 = arith.constant 2 : i32
        %parallel_loop3A_2521 = arith.addi %parallel_loop3A_2519, %parallel_loop3A_2520 : i32
        %parallel_loop3A_2522 = arith.index_cast %and3A_62 : i32 to index
        %parallel_loop3A_2523 = arith.index_cast %parallel_loop3A_2521 : i32 to index
        %parallel_loop3A_2524 = arith.constant 112 : index
        %parallel_loop3A_2525 = tpu.vector_load %arg9[%parallel_loop3A_2522, %parallel_loop3A_2523, %parallel_loop3A_2524] {strides = array<i32>} : memref<2x128x128xf32, #tpu.memory_space<vmem>>, vector<16xf32>,
        %parallel_loop3A_2526 = arith.constant 16 : i32
        %parallel_loop3A_2527 = arith.muli %parallel_loop3A_101, %parallel_loop3A_2526 : i32
        %parallel_loop3A_2528 = arith.constant 3 : i32
        %parallel_loop3A_2529 = arith.addi %parallel_loop3A_2527, %parallel_loop3A_2528 : i32
        %parallel_loop3A_2530 = arith.index_cast %and3A_62 : i32 to index
        %parallel_loop3A_2531 = arith.index_cast %parallel_loop3A_2529 : i32 to index
        %parallel_loop3A_2532 = arith.constant 112 : index
        %parallel_loop3A_2533 = tpu.vector_load %arg9[%parallel_loop3A_2530, %parallel_loop3A_2531, %parallel_loop3A_2532] {strides = array<i32>} : memref<2x128x128xf32, #tpu.memory_space<vmem>>, vector<16xf32>,
        %parallel_loop3A_2534 = arith.constant 16 : i32
        %parallel_loop3A_2535 = arith.muli %parallel_loop3A_101, %parallel_loop3A_2534 : i32
        %parallel_loop3A_2536 = arith.constant 4 : i32
        %parallel_loop3A_2537 = arith.addi %parallel_loop3A_2535, %parallel_loop3A_2536 : i32
        %parallel_loop3A_2538 = arith.index_cast %and3A_62 : i32 to index
        %parallel_loop3A_2539 = arith.index_cast %parallel_loop3A_2537 : i32 to index
        %parallel_loop3A_2540 = arith.constant 112 : index
        %parallel_loop3A_2541 = tpu.vector_load %arg9[%parallel_loop3A_2538, %parallel_loop3A_2539, %parallel_loop3A_2540] {strides = array<i32>} : memref<2x128x128xf32, #tpu.memory_space<vmem>>, vector<16xf32>,
        %parallel_loop3A_2542 = arith.constant 16 : i32
        %parallel_loop3A_2543 = arith.muli %parallel_loop3A_101, %parallel_loop3A_2542 : i32
        %parallel_loop3A_2544 = arith.constant 5 : i32
        %parallel_loop3A_2545 = arith.addi %parallel_loop3A_2543, %parallel_loop3A_2544 : i32
        %parallel_loop3A_2546 = arith.index_cast %and3A_62 : i32 to index
        %parallel_loop3A_2547 = arith.index_cast %parallel_loop3A_2545 : i32 to index
        %parallel_loop3A_2548 = arith.constant 112 : index
        %parallel_loop3A_2549 = tpu.vector_load %arg9[%parallel_loop3A_2546, %parallel_loop3A_2547, %parallel_loop3A_2548] {strides = array<i32>} : memref<2x128x128xf32, #tpu.memory_space<vmem>>, vector<16xf32>,
        %parallel_loop3A_2550 = arith.constant 16 : i32
        %parallel_loop3A_2551 = arith.muli %parallel_loop3A_101, %parallel_loop3A_2550 : i32
        %parallel_loop3A_2552 = arith.constant 6 : i32
        %parallel_loop3A_2553 = arith.addi %parallel_loop3A_2551, %parallel_loop3A_2552 : i32
        %parallel_loop3A_2554 = arith.index_cast %and3A_62 : i32 to index
        %parallel_loop3A_2555 = arith.index_cast %parallel_loop3A_2553 : i32 to index
        %parallel_loop3A_2556 = arith.constant 112 : index
        %parallel_loop3A_2557 = tpu.vector_load %arg9[%parallel_loop3A_2554, %parallel_loop3A_2555, %parallel_loop3A_2556] {strides = array<i32>} : memref<2x128x128xf32, #tpu.memory_space<vmem>>, vector<16xf32>,
        %parallel_loop3A_2558 = arith.constant 16 : i32
        %parallel_loop3A_2559 = arith.muli %parallel_loop3A_101, %parallel_loop3A_2558 : i32
        %parallel_loop3A_2560 = arith.constant 7 : i32
        %parallel_loop3A_2561 = arith.addi %parallel_loop3A_2559, %parallel_loop3A_2560 : i32
        %parallel_loop3A_2562 = arith.index_cast %and3A_62 : i32 to index
        %parallel_loop3A_2563 = arith.index_cast %parallel_loop3A_2561 : i32 to index
        %parallel_loop3A_2564 = arith.constant 112 : index
        %parallel_loop3A_2565 = tpu.vector_load %arg9[%parallel_loop3A_2562, %parallel_loop3A_2563, %parallel_loop3A_2564] {strides = array<i32>} : memref<2x128x128xf32, #tpu.memory_space<vmem>>, vector<16xf32>,
        %parallel_loop3A_2566 = arith.constant 16 : i32
        %parallel_loop3A_2567 = arith.muli %parallel_loop3A_101, %parallel_loop3A_2566 : i32
        %parallel_loop3A_2568 = arith.constant 8 : i32
        %parallel_loop3A_2569 = arith.addi %parallel_loop3A_2567, %parallel_loop3A_2568 : i32
        %parallel_loop3A_2570 = arith.index_cast %and3A_62 : i32 to index
        %parallel_loop3A_2571 = arith.index_cast %parallel_loop3A_2569 : i32 to index
        %parallel_loop3A_2572 = arith.constant 112 : index
        %parallel_loop3A_2573 = tpu.vector_load %arg9[%parallel_loop3A_2570, %parallel_loop3A_2571, %parallel_loop3A_2572] {strides = array<i32>} : memref<2x128x128xf32, #tpu.memory_space<vmem>>, vector<16xf32>,
        %parallel_loop3A_2574 = arith.constant 16 : i32
        %parallel_loop3A_2575 = arith.muli %parallel_loop3A_101, %parallel_loop3A_2574 : i32
        %parallel_loop3A_2576 = arith.constant 9 : i32
        %parallel_loop3A_2577 = arith.addi %parallel_loop3A_2575, %parallel_loop3A_2576 : i32
        %parallel_loop3A_2578 = arith.index_cast %and3A_62 : i32 to index
        %parallel_loop3A_2579 = arith.index_cast %parallel_loop3A_2577 : i32 to index
        %parallel_loop3A_2580 = arith.constant 112 : index
        %parallel_loop3A_2581 = tpu.vector_load %arg9[%parallel_loop3A_2578, %parallel_loop3A_2579, %parallel_loop3A_2580] {strides = array<i32>} : memref<2x128x128xf32, #tpu.memory_space<vmem>>, vector<16xf32>,
        %parallel_loop3A_2582 = arith.constant 16 : i32
        %parallel_loop3A_2583 = arith.muli %parallel_loop3A_101, %parallel_loop3A_2582 : i32
        %parallel_loop3A_2584 = arith.constant 10 : i32
        %parallel_loop3A_2585 = arith.addi %parallel_loop3A_2583, %parallel_loop3A_2584 : i32
        %parallel_loop3A_2586 = arith.index_cast %and3A_62 : i32 to index
        %parallel_loop3A_2587 = arith.index_cast %parallel_loop3A_2585 : i32 to index
        %parallel_loop3A_2588 = arith.constant 112 : index
        %parallel_loop3A_2589 = tpu.vector_load %arg9[%parallel_loop3A_2586, %parallel_loop3A_2587, %parallel_loop3A_2588] {strides = array<i32>} : memref<2x128x128xf32, #tpu.memory_space<vmem>>, vector<16xf32>,
        %parallel_loop3A_2590 = arith.constant 16 : i32
        %parallel_loop3A_2591 = arith.muli %parallel_loop3A_101, %parallel_loop3A_2590 : i32
        %parallel_loop3A_2592 = arith.constant 11 : i32
        %parallel_loop3A_2593 = arith.addi %parallel_loop3A_2591, %parallel_loop3A_2592 : i32
        %parallel_loop3A_2594 = arith.index_cast %and3A_62 : i32 to index
        %parallel_loop3A_2595 = arith.index_cast %parallel_loop3A_2593 : i32 to index
        %parallel_loop3A_2596 = arith.constant 112 : index
        %parallel_loop3A_2597 = tpu.vector_load %arg9[%parallel_loop3A_2594, %parallel_loop3A_2595, %parallel_loop3A_2596] {strides = array<i32>} : memref<2x128x128xf32, #tpu.memory_space<vmem>>, vector<16xf32>,
        %parallel_loop3A_2598 = arith.constant 16 : i32
        %parallel_loop3A_2599 = arith.muli %parallel_loop3A_101, %parallel_loop3A_2598 : i32
        %parallel_loop3A_2600 = arith.constant 12 : i32
        %parallel_loop3A_2601 = arith.addi %parallel_loop3A_2599, %parallel_loop3A_2600 : i32
        %parallel_loop3A_2602 = arith.index_cast %and3A_62 : i32 to index
        %parallel_loop3A_2603 = arith.index_cast %parallel_loop3A_2601 : i32 to index
        %parallel_loop3A_2604 = arith.constant 112 : index
        %parallel_loop3A_2605 = tpu.vector_load %arg9[%parallel_loop3A_2602, %parallel_loop3A_2603, %parallel_loop3A_2604] {strides = array<i32>} : memref<2x128x128xf32, #tpu.memory_space<vmem>>, vector<16xf32>,
        %parallel_loop3A_2606 = arith.constant 16 : i32
        %parallel_loop3A_2607 = arith.muli %parallel_loop3A_101, %parallel_loop3A_2606 : i32
        %parallel_loop3A_2608 = arith.constant 13 : i32
        %parallel_loop3A_2609 = arith.addi %parallel_loop3A_2607, %parallel_loop3A_2608 : i32
        %parallel_loop3A_2610 = arith.index_cast %and3A_62 : i32 to index
        %parallel_loop3A_2611 = arith.index_cast %parallel_loop3A_2609 : i32 to index
        %parallel_loop3A_2612 = arith.constant 112 : index
        %parallel_loop3A_2613 = tpu.vector_load %arg9[%parallel_loop3A_2610, %parallel_loop3A_2611, %parallel_loop3A_2612] {strides = array<i32>} : memref<2x128x128xf32, #tpu.memory_space<vmem>>, vector<16xf32>,
        %parallel_loop3A_2614 = arith.constant 16 : i32
        %parallel_loop3A_2615 = arith.muli %parallel_loop3A_101, %parallel_loop3A_2614 : i32
        %parallel_loop3A_2616 = arith.constant 14 : i32
        %parallel_loop3A_2617 = arith.addi %parallel_loop3A_2615, %parallel_loop3A_2616 : i32
        %parallel_loop3A_2618 = arith.index_cast %and3A_62 : i32 to index
        %parallel_loop3A_2619 = arith.index_cast %parallel_loop3A_2617 : i32 to index
        %parallel_loop3A_2620 = arith.constant 112 : index
        %parallel_loop3A_2621 = tpu.vector_load %arg9[%parallel_loop3A_2618, %parallel_loop3A_2619, %parallel_loop3A_2620] {strides = array<i32>} : memref<2x128x128xf32, #tpu.memory_space<vmem>>, vector<16xf32>,
        %parallel_loop3A_2622 = arith.constant 16 : i32
        %parallel_loop3A_2623 = arith.muli %parallel_loop3A_101, %parallel_loop3A_2622 : i32
        %parallel_loop3A_2624 = arith.constant 15 : i32
        %parallel_loop3A_2625 = arith.addi %parallel_loop3A_2623, %parallel_loop3A_2624 : i32
        %parallel_loop3A_2626 = arith.index_cast %and3A_62 : i32 to index
        %parallel_loop3A_2627 = arith.index_cast %parallel_loop3A_2625 : i32 to index
        %parallel_loop3A_2628 = arith.constant 112 : index
        %parallel_loop3A_2629 = tpu.vector_load %arg9[%parallel_loop3A_2626, %parallel_loop3A_2627, %parallel_loop3A_2628] {strides = array<i32>} : memref<2x128x128xf32, #tpu.memory_space<vmem>>, vector<16xf32>,
        %parallel_loop3A_2630 = arith.subf %parallel_loop3A_2381, %parallel_loop3A_2509 : vector<16xf32>
        %parallel_loop3A_2631 = arith.addf %parallel_loop3A_2630, %get3A_15 : vector<16xf32>
        %parallel_loop3A_2632 = arith.mulf %parallel_loop3A_2631, %parallel_loop3A_2631 : vector<16xf32>
        %parallel_loop3A_2633 = arith.addf %parallel_loop3A_2313, %parallel_loop3A_2632 : vector<16xf32>
        %parallel_loop3A_2634 = arith.subf %parallel_loop3A_2389, %parallel_loop3A_2517 : vector<16xf32>
        %parallel_loop3A_2635 = arith.addf %parallel_loop3A_2634, %get3A_15 : vector<16xf32>
        %parallel_loop3A_2636 = arith.mulf %parallel_loop3A_2635, %parallel_loop3A_2635 : vector<16xf32>
        %parallel_loop3A_2637 = arith.addf %parallel_loop3A_2317, %parallel_loop3A_2636 : vector<16xf32>
        %parallel_loop3A_2638 = arith.subf %parallel_loop3A_2397, %parallel_loop3A_2525 : vector<16xf32>
        %parallel_loop3A_2639 = arith.addf %parallel_loop3A_2638, %get3A_15 : vector<16xf32>
        %parallel_loop3A_2640 = arith.mulf %parallel_loop3A_2639, %parallel_loop3A_2639 : vector<16xf32>
        %parallel_loop3A_2641 = arith.addf %parallel_loop3A_2321, %parallel_loop3A_2640 : vector<16xf32>
        %parallel_loop3A_2642 = arith.subf %parallel_loop3A_2405, %parallel_loop3A_2533 : vector<16xf32>
        %parallel_loop3A_2643 = arith.addf %parallel_loop3A_2642, %get3A_15 : vector<16xf32>
        %parallel_loop3A_2644 = arith.mulf %parallel_loop3A_2643, %parallel_loop3A_2643 : vector<16xf32>
        %parallel_loop3A_2645 = arith.addf %parallel_loop3A_2325, %parallel_loop3A_2644 : vector<16xf32>
        %parallel_loop3A_2646 = arith.subf %parallel_loop3A_2413, %parallel_loop3A_2541 : vector<16xf32>
        %parallel_loop3A_2647 = arith.addf %parallel_loop3A_2646, %get3A_15 : vector<16xf32>
        %parallel_loop3A_2648 = arith.mulf %parallel_loop3A_2647, %parallel_loop3A_2647 : vector<16xf32>
        %parallel_loop3A_2649 = arith.addf %parallel_loop3A_2329, %parallel_loop3A_2648 : vector<16xf32>
        %parallel_loop3A_2650 = arith.subf %parallel_loop3A_2421, %parallel_loop3A_2549 : vector<16xf32>
        %parallel_loop3A_2651 = arith.addf %parallel_loop3A_2650, %get3A_15 : vector<16xf32>
        %parallel_loop3A_2652 = arith.mulf %parallel_loop3A_2651, %parallel_loop3A_2651 : vector<16xf32>
        %parallel_loop3A_2653 = arith.addf %parallel_loop3A_2333, %parallel_loop3A_2652 : vector<16xf32>
        %parallel_loop3A_2654 = arith.subf %parallel_loop3A_2429, %parallel_loop3A_2557 : vector<16xf32>
        %parallel_loop3A_2655 = arith.addf %parallel_loop3A_2654, %get3A_15 : vector<16xf32>
        %parallel_loop3A_2656 = arith.mulf %parallel_loop3A_2655, %parallel_loop3A_2655 : vector<16xf32>
        %parallel_loop3A_2657 = arith.addf %parallel_loop3A_2337, %parallel_loop3A_2656 : vector<16xf32>
        %parallel_loop3A_2658 = arith.subf %parallel_loop3A_2437, %parallel_loop3A_2565 : vector<16xf32>
        %parallel_loop3A_2659 = arith.addf %parallel_loop3A_2658, %get3A_15 : vector<16xf32>
        %parallel_loop3A_2660 = arith.mulf %parallel_loop3A_2659, %parallel_loop3A_2659 : vector<16xf32>
        %parallel_loop3A_2661 = arith.addf %parallel_loop3A_2341, %parallel_loop3A_2660 : vector<16xf32>
        %parallel_loop3A_2662 = arith.subf %parallel_loop3A_2445, %parallel_loop3A_2573 : vector<16xf32>
        %parallel_loop3A_2663 = arith.addf %parallel_loop3A_2662, %get3A_15 : vector<16xf32>
        %parallel_loop3A_2664 = arith.mulf %parallel_loop3A_2663, %parallel_loop3A_2663 : vector<16xf32>
        %parallel_loop3A_2665 = arith.addf %parallel_loop3A_2345, %parallel_loop3A_2664 : vector<16xf32>
        %parallel_loop3A_2666 = arith.subf %parallel_loop3A_2453, %parallel_loop3A_2581 : vector<16xf32>
        %parallel_loop3A_2667 = arith.addf %parallel_loop3A_2666, %get3A_15 : vector<16xf32>
        %parallel_loop3A_2668 = arith.mulf %parallel_loop3A_2667, %parallel_loop3A_2667 : vector<16xf32>
        %parallel_loop3A_2669 = arith.addf %parallel_loop3A_2349, %parallel_loop3A_2668 : vector<16xf32>
        %parallel_loop3A_2670 = arith.subf %parallel_loop3A_2461, %parallel_loop3A_2589 : vector<16xf32>
        %parallel_loop3A_2671 = arith.addf %parallel_loop3A_2670, %get3A_15 : vector<16xf32>
        %parallel_loop3A_2672 = arith.mulf %parallel_loop3A_2671, %parallel_loop3A_2671 : vector<16xf32>
        %parallel_loop3A_2673 = arith.addf %parallel_loop3A_2353, %parallel_loop3A_2672 : vector<16xf32>
        %parallel_loop3A_2674 = arith.subf %parallel_loop3A_2469, %parallel_loop3A_2597 : vector<16xf32>
        %parallel_loop3A_2675 = arith.addf %parallel_loop3A_2674, %get3A_15 : vector<16xf32>
        %parallel_loop3A_2676 = arith.mulf %parallel_loop3A_2675, %parallel_loop3A_2675 : vector<16xf32>
        %parallel_loop3A_2677 = arith.addf %parallel_loop3A_2357, %parallel_loop3A_2676 : vector<16xf32>
        %parallel_loop3A_2678 = arith.subf %parallel_loop3A_2477, %parallel_loop3A_2605 : vector<16xf32>
        %parallel_loop3A_2679 = arith.addf %parallel_loop3A_2678, %get3A_15 : vector<16xf32>
        %parallel_loop3A_2680 = arith.mulf %parallel_loop3A_2679, %parallel_loop3A_2679 : vector<16xf32>
        %parallel_loop3A_2681 = arith.addf %parallel_loop3A_2361, %parallel_loop3A_2680 : vector<16xf32>
        %parallel_loop3A_2682 = arith.subf %parallel_loop3A_2485, %parallel_loop3A_2613 : vector<16xf32>
        %parallel_loop3A_2683 = arith.addf %parallel_loop3A_2682, %get3A_15 : vector<16xf32>
        %parallel_loop3A_2684 = arith.mulf %parallel_loop3A_2683, %parallel_loop3A_2683 : vector<16xf32>
        %parallel_loop3A_2685 = arith.addf %parallel_loop3A_2365, %parallel_loop3A_2684 : vector<16xf32>
        %parallel_loop3A_2686 = arith.subf %parallel_loop3A_2493, %parallel_loop3A_2621 : vector<16xf32>
        %parallel_loop3A_2687 = arith.addf %parallel_loop3A_2686, %get3A_15 : vector<16xf32>
        %parallel_loop3A_2688 = arith.mulf %parallel_loop3A_2687, %parallel_loop3A_2687 : vector<16xf32>
        %parallel_loop3A_2689 = arith.addf %parallel_loop3A_2369, %parallel_loop3A_2688 : vector<16xf32>
        %parallel_loop3A_2690 = arith.subf %parallel_loop3A_2501, %parallel_loop3A_2629 : vector<16xf32>
        %parallel_loop3A_2691 = arith.addf %parallel_loop3A_2690, %get3A_15 : vector<16xf32>
        %parallel_loop3A_2692 = arith.mulf %parallel_loop3A_2691, %parallel_loop3A_2691 : vector<16xf32>
        %parallel_loop3A_2693 = arith.addf %parallel_loop3A_2373, %parallel_loop3A_2692 : vector<16xf32>
        %parallel_loop3A_2694 = arith.constant 256 : i32
        %parallel_loop3A_2695 = arith.muli %parallel_loop3A_101, %parallel_loop3A_2694 : i32
        %parallel_loop3A_2696 = arith.constant 0 : i32
        %parallel_loop3A_2697 = arith.addi %parallel_loop3A_2695, %parallel_loop3A_2696 : i32
        %parallel_loop3A_2698 = arith.index_cast %parallel_loop3A_2697 : i32 to index
        %parallel_loop3A_2699 = tpu.vector_load %arg11[%parallel_loop3A_2698] {strides = array<i32>} : memref<2048xf32, #tpu.memory_space<vmem>>, vector<16xf32>,
        tpu.vector_store %arg11[%parallel_loop3A_2698], %parallel_loop3A_2633 {strides = array<i32>} : memref<2048xf32, #tpu.memory_space<vmem>>, vector<16xf32>,
        %parallel_loop3A_2700 = arith.constant 16 : i32
        %parallel_loop3A_2701 = arith.addi %parallel_loop3A_2695, %parallel_loop3A_2700 : i32
        %parallel_loop3A_2702 = arith.index_cast %parallel_loop3A_2701 : i32 to index
        %parallel_loop3A_2703 = tpu.vector_load %arg11[%parallel_loop3A_2702] {strides = array<i32>} : memref<2048xf32, #tpu.memory_space<vmem>>, vector<16xf32>,
        tpu.vector_store %arg11[%parallel_loop3A_2702], %parallel_loop3A_2637 {strides = array<i32>} : memref<2048xf32, #tpu.memory_space<vmem>>, vector<16xf32>,
        %parallel_loop3A_2704 = arith.constant 32 : i32
        %parallel_loop3A_2705 = arith.addi %parallel_loop3A_2695, %parallel_loop3A_2704 : i32
        %parallel_loop3A_2706 = arith.index_cast %parallel_loop3A_2705 : i32 to index
        %parallel_loop3A_2707 = tpu.vector_load %arg11[%parallel_loop3A_2706] {strides = array<i32>} : memref<2048xf32, #tpu.memory_space<vmem>>, vector<16xf32>,
        tpu.vector_store %arg11[%parallel_loop3A_2706], %parallel_loop3A_2641 {strides = array<i32>} : memref<2048xf32, #tpu.memory_space<vmem>>, vector<16xf32>,
        %parallel_loop3A_2708 = arith.constant 48 : i32
        %parallel_loop3A_2709 = arith.addi %parallel_loop3A_2695, %parallel_loop3A_2708 : i32
        %parallel_loop3A_2710 = arith.index_cast %parallel_loop3A_2709 : i32 to index
        %parallel_loop3A_2711 = tpu.vector_load %arg11[%parallel_loop3A_2710] {strides = array<i32>} : memref<2048xf32, #tpu.memory_space<vmem>>, vector<16xf32>,
        tpu.vector_store %arg11[%parallel_loop3A_2710], %parallel_loop3A_2645 {strides = array<i32>} : memref<2048xf32, #tpu.memory_space<vmem>>, vector<16xf32>,
        %parallel_loop3A_2712 = arith.constant 64 : i32
        %parallel_loop3A_2713 = arith.addi %parallel_loop3A_2695, %parallel_loop3A_2712 : i32
        %parallel_loop3A_2714 = arith.index_cast %parallel_loop3A_2713 : i32 to index
        %parallel_loop3A_2715 = tpu.vector_load %arg11[%parallel_loop3A_2714] {strides = array<i32>} : memref<2048xf32, #tpu.memory_space<vmem>>, vector<16xf32>,
        tpu.vector_store %arg11[%parallel_loop3A_2714], %parallel_loop3A_2649 {strides = array<i32>} : memref<2048xf32, #tpu.memory_space<vmem>>, vector<16xf32>,
        %parallel_loop3A_2716 = arith.constant 80 : i32
        %parallel_loop3A_2717 = arith.addi %parallel_loop3A_2695, %parallel_loop3A_2716 : i32
        %parallel_loop3A_2718 = arith.index_cast %parallel_loop3A_2717 : i32 to index
        %parallel_loop3A_2719 = tpu.vector_load %arg11[%parallel_loop3A_2718] {strides = array<i32>} : memref<2048xf32, #tpu.memory_space<vmem>>, vector<16xf32>,
        tpu.vector_store %arg11[%parallel_loop3A_2718], %parallel_loop3A_2653 {strides = array<i32>} : memref<2048xf32, #tpu.memory_space<vmem>>, vector<16xf32>,
        %parallel_loop3A_2720 = arith.constant 96 : i32
        %parallel_loop3A_2721 = arith.addi %parallel_loop3A_2695, %parallel_loop3A_2720 : i32
        %parallel_loop3A_2722 = arith.index_cast %parallel_loop3A_2721 : i32 to index
        %parallel_loop3A_2723 = tpu.vector_load %arg11[%parallel_loop3A_2722] {strides = array<i32>} : memref<2048xf32, #tpu.memory_space<vmem>>, vector<16xf32>,
        tpu.vector_store %arg11[%parallel_loop3A_2722], %parallel_loop3A_2657 {strides = array<i32>} : memref<2048xf32, #tpu.memory_space<vmem>>, vector<16xf32>,
        %parallel_loop3A_2724 = arith.constant 112 : i32
        %parallel_loop3A_2725 = arith.addi %parallel_loop3A_2695, %parallel_loop3A_2724 : i32
        %parallel_loop3A_2726 = arith.index_cast %parallel_loop3A_2725 : i32 to index
        %parallel_loop3A_2727 = tpu.vector_load %arg11[%parallel_loop3A_2726] {strides = array<i32>} : memref<2048xf32, #tpu.memory_space<vmem>>, vector<16xf32>,
        tpu.vector_store %arg11[%parallel_loop3A_2726], %parallel_loop3A_2661 {strides = array<i32>} : memref<2048xf32, #tpu.memory_space<vmem>>, vector<16xf32>,
        %parallel_loop3A_2728 = arith.constant 128 : i32
        %parallel_loop3A_2729 = arith.addi %parallel_loop3A_2695, %parallel_loop3A_2728 : i32
        %parallel_loop3A_2730 = arith.index_cast %parallel_loop3A_2729 : i32 to index
        %parallel_loop3A_2731 = tpu.vector_load %arg11[%parallel_loop3A_2730] {strides = array<i32>} : memref<2048xf32, #tpu.memory_space<vmem>>, vector<16xf32>,
        tpu.vector_store %arg11[%parallel_loop3A_2730], %parallel_loop3A_2665 {strides = array<i32>} : memref<2048xf32, #tpu.memory_space<vmem>>, vector<16xf32>,
        %parallel_loop3A_2732 = arith.constant 144 : i32
        %parallel_loop3A_2733 = arith.addi %parallel_loop3A_2695, %parallel_loop3A_2732 : i32
        %parallel_loop3A_2734 = arith.index_cast %parallel_loop3A_2733 : i32 to index
        %parallel_loop3A_2735 = tpu.vector_load %arg11[%parallel_loop3A_2734] {strides = array<i32>} : memref<2048xf32, #tpu.memory_space<vmem>>, vector<16xf32>,
        tpu.vector_store %arg11[%parallel_loop3A_2734], %parallel_loop3A_2669 {strides = array<i32>} : memref<2048xf32, #tpu.memory_space<vmem>>, vector<16xf32>,
        %parallel_loop3A_2736 = arith.constant 160 : i32
        %parallel_loop3A_2737 = arith.addi %parallel_loop3A_2695, %parallel_loop3A_2736 : i32
        %parallel_loop3A_2738 = arith.index_cast %parallel_loop3A_2737 : i32 to index
        %parallel_loop3A_2739 = tpu.vector_load %arg11[%parallel_loop3A_2738] {strides = array<i32>} : memref<2048xf32, #tpu.memory_space<vmem>>, vector<16xf32>,
        tpu.vector_store %arg11[%parallel_loop3A_2738], %parallel_loop3A_2673 {strides = array<i32>} : memref<2048xf32, #tpu.memory_space<vmem>>, vector<16xf32>,
        %parallel_loop3A_2740 = arith.constant 176 : i32
        %parallel_loop3A_2741 = arith.addi %parallel_loop3A_2695, %parallel_loop3A_2740 : i32
        %parallel_loop3A_2742 = arith.index_cast %parallel_loop3A_2741 : i32 to index
        %parallel_loop3A_2743 = tpu.vector_load %arg11[%parallel_loop3A_2742] {strides = array<i32>} : memref<2048xf32, #tpu.memory_space<vmem>>, vector<16xf32>,
        tpu.vector_store %arg11[%parallel_loop3A_2742], %parallel_loop3A_2677 {strides = array<i32>} : memref<2048xf32, #tpu.memory_space<vmem>>, vector<16xf32>,
        %parallel_loop3A_2744 = arith.constant 192 : i32
        %parallel_loop3A_2745 = arith.addi %parallel_loop3A_2695, %parallel_loop3A_2744 : i32
        %parallel_loop3A_2746 = arith.index_cast %parallel_loop3A_2745 : i32 to index
        %parallel_loop3A_2747 = tpu.vector_load %arg11[%parallel_loop3A_2746] {strides = array<i32>} : memref<2048xf32, #tpu.memory_space<vmem>>, vector<16xf32>,
        tpu.vector_store %arg11[%parallel_loop3A_2746], %parallel_loop3A_2681 {strides = array<i32>} : memref<2048xf32, #tpu.memory_space<vmem>>, vector<16xf32>,
        %parallel_loop3A_2748 = arith.constant 208 : i32
        %parallel_loop3A_2749 = arith.addi %parallel_loop3A_2695, %parallel_loop3A_2748 : i32
        %parallel_loop3A_2750 = arith.index_cast %parallel_loop3A_2749 : i32 to index
        %parallel_loop3A_2751 = tpu.vector_load %arg11[%parallel_loop3A_2750] {strides = array<i32>} : memref<2048xf32, #tpu.memory_space<vmem>>, vector<16xf32>,
        tpu.vector_store %arg11[%parallel_loop3A_2750], %parallel_loop3A_2685 {strides = array<i32>} : memref<2048xf32, #tpu.memory_space<vmem>>, vector<16xf32>,
        %parallel_loop3A_2752 = arith.constant 224 : i32
        %parallel_loop3A_2753 = arith.addi %parallel_loop3A_2695, %parallel_loop3A_2752 : i32
        %parallel_loop3A_2754 = arith.index_cast %parallel_loop3A_2753 : i32 to index
        %parallel_loop3A_2755 = tpu.vector_load %arg11[%parallel_loop3A_2754] {strides = array<i32>} : memref<2048xf32, #tpu.memory_space<vmem>>, vector<16xf32>,
        tpu.vector_store %arg11[%parallel_loop3A_2754], %parallel_loop3A_2689 {strides = array<i32>} : memref<2048xf32, #tpu.memory_space<vmem>>, vector<16xf32>,
        %parallel_loop3A_2756 = arith.constant 240 : i32
        %parallel_loop3A_2757 = arith.addi %parallel_loop3A_2695, %parallel_loop3A_2756 : i32
        %parallel_loop3A_2758 = arith.index_cast %parallel_loop3A_2757 : i32 to index
        %parallel_loop3A_2759 = tpu.vector_load %arg11[%parallel_loop3A_2758] {strides = array<i32>} : memref<2048xf32, #tpu.memory_space<vmem>>, vector<16xf32>,
        tpu.vector_store %arg11[%parallel_loop3A_2758], %parallel_loop3A_2693 {strides = array<i32>} : memref<2048xf32, #tpu.memory_space<vmem>>, vector<16xf32>,
        %parallel_loop3A_2760 = arith.constant 16 : i32
        %parallel_loop3A_2761 = vector.broadcast %parallel_loop3A_2760 : i32 to vector<16xi32>
        %parallel_loop3A_2762 = arith.muli %iota3A, %parallel_loop3A_2761 : vector<16xi32>
        %parallel_loop3A_2763 = vector.broadcast %parallel_loop3A_2695 : i32 to vector<16xi32>
        %parallel_loop3A_2764 = arith.addi %parallel_loop3A_2763, %parallel_loop3A_2762 : vector<16xi32>
        %parallel_loop3A_2765 = arith.constant 0 : i32
        %parallel_loop3A_2766 = vector.broadcast %parallel_loop3A_2765 : i32 to vector<16xi32>
        %parallel_loop3A_2767 = arith.addi %parallel_loop3A_2764, %parallel_loop3A_2766 : vector<16xi32>
        %parallel_loop3A_2768 = tpu.vector_load_idx %arg11[%parallel_loop3A_2767] : memref<2048xf32, #tpu.memory_space<vmem>>[vector<16xi32>], vector<16xf32>,
        %parallel_loop3A_2769 = arith.constant 1 : i32
        %parallel_loop3A_2770 = vector.broadcast %parallel_loop3A_2769 : i32 to vector<16xi32>
        %parallel_loop3A_2771 = arith.addi %parallel_loop3A_2764, %parallel_loop3A_2770 : vector<16xi32>
        %parallel_loop3A_2772 = tpu.vector_load_idx %arg11[%parallel_loop3A_2771] : memref<2048xf32, #tpu.memory_space<vmem>>[vector<16xi32>], vector<16xf32>,
        %parallel_loop3A_2773 = arith.constant 2 : i32
        %parallel_loop3A_2774 = vector.broadcast %parallel_loop3A_2773 : i32 to vector<16xi32>
        %parallel_loop3A_2775 = arith.addi %parallel_loop3A_2764, %parallel_loop3A_2774 : vector<16xi32>
        %parallel_loop3A_2776 = tpu.vector_load_idx %arg11[%parallel_loop3A_2775] : memref<2048xf32, #tpu.memory_space<vmem>>[vector<16xi32>], vector<16xf32>,
        %parallel_loop3A_2777 = arith.constant 3 : i32
        %parallel_loop3A_2778 = vector.broadcast %parallel_loop3A_2777 : i32 to vector<16xi32>
        %parallel_loop3A_2779 = arith.addi %parallel_loop3A_2764, %parallel_loop3A_2778 : vector<16xi32>
        %parallel_loop3A_2780 = tpu.vector_load_idx %arg11[%parallel_loop3A_2779] : memref<2048xf32, #tpu.memory_space<vmem>>[vector<16xi32>], vector<16xf32>,
        %parallel_loop3A_2781 = arith.constant 4 : i32
        %parallel_loop3A_2782 = vector.broadcast %parallel_loop3A_2781 : i32 to vector<16xi32>
        %parallel_loop3A_2783 = arith.addi %parallel_loop3A_2764, %parallel_loop3A_2782 : vector<16xi32>
        %parallel_loop3A_2784 = tpu.vector_load_idx %arg11[%parallel_loop3A_2783] : memref<2048xf32, #tpu.memory_space<vmem>>[vector<16xi32>], vector<16xf32>,
        %parallel_loop3A_2785 = arith.constant 5 : i32
        %parallel_loop3A_2786 = vector.broadcast %parallel_loop3A_2785 : i32 to vector<16xi32>
        %parallel_loop3A_2787 = arith.addi %parallel_loop3A_2764, %parallel_loop3A_2786 : vector<16xi32>
        %parallel_loop3A_2788 = tpu.vector_load_idx %arg11[%parallel_loop3A_2787] : memref<2048xf32, #tpu.memory_space<vmem>>[vector<16xi32>], vector<16xf32>,
        %parallel_loop3A_2789 = arith.constant 6 : i32
        %parallel_loop3A_2790 = vector.broadcast %parallel_loop3A_2789 : i32 to vector<16xi32>
        %parallel_loop3A_2791 = arith.addi %parallel_loop3A_2764, %parallel_loop3A_2790 : vector<16xi32>
        %parallel_loop3A_2792 = tpu.vector_load_idx %arg11[%parallel_loop3A_2791] : memref<2048xf32, #tpu.memory_space<vmem>>[vector<16xi32>], vector<16xf32>,
        %parallel_loop3A_2793 = arith.constant 7 : i32
        %parallel_loop3A_2794 = vector.broadcast %parallel_loop3A_2793 : i32 to vector<16xi32>
        %parallel_loop3A_2795 = arith.addi %parallel_loop3A_2764, %parallel_loop3A_2794 : vector<16xi32>
        %parallel_loop3A_2796 = tpu.vector_load_idx %arg11[%parallel_loop3A_2795] : memref<2048xf32, #tpu.memory_space<vmem>>[vector<16xi32>], vector<16xf32>,
        %parallel_loop3A_2797 = arith.constant 8 : i32
        %parallel_loop3A_2798 = vector.broadcast %parallel_loop3A_2797 : i32 to vector<16xi32>
        %parallel_loop3A_2799 = arith.addi %parallel_loop3A_2764, %parallel_loop3A_2798 : vector<16xi32>
        %parallel_loop3A_2800 = tpu.vector_load_idx %arg11[%parallel_loop3A_2799] : memref<2048xf32, #tpu.memory_space<vmem>>[vector<16xi32>], vector<16xf32>,
        %parallel_loop3A_2801 = arith.constant 9 : i32
        %parallel_loop3A_2802 = vector.broadcast %parallel_loop3A_2801 : i32 to vector<16xi32>
        %parallel_loop3A_2803 = arith.addi %parallel_loop3A_2764, %parallel_loop3A_2802 : vector<16xi32>
        %parallel_loop3A_2804 = tpu.vector_load_idx %arg11[%parallel_loop3A_2803] : memref<2048xf32, #tpu.memory_space<vmem>>[vector<16xi32>], vector<16xf32>,
        %parallel_loop3A_2805 = arith.constant 10 : i32
        %parallel_loop3A_2806 = vector.broadcast %parallel_loop3A_2805 : i32 to vector<16xi32>
        %parallel_loop3A_2807 = arith.addi %parallel_loop3A_2764, %parallel_loop3A_2806 : vector<16xi32>
        %parallel_loop3A_2808 = tpu.vector_load_idx %arg11[%parallel_loop3A_2807] : memref<2048xf32, #tpu.memory_space<vmem>>[vector<16xi32>], vector<16xf32>,
        %parallel_loop3A_2809 = arith.constant 11 : i32
        %parallel_loop3A_2810 = vector.broadcast %parallel_loop3A_2809 : i32 to vector<16xi32>
        %parallel_loop3A_2811 = arith.addi %parallel_loop3A_2764, %parallel_loop3A_2810 : vector<16xi32>
        %parallel_loop3A_2812 = tpu.vector_load_idx %arg11[%parallel_loop3A_2811] : memref<2048xf32, #tpu.memory_space<vmem>>[vector<16xi32>], vector<16xf32>,
        %parallel_loop3A_2813 = arith.constant 12 : i32
        %parallel_loop3A_2814 = vector.broadcast %parallel_loop3A_2813 : i32 to vector<16xi32>
        %parallel_loop3A_2815 = arith.addi %parallel_loop3A_2764, %parallel_loop3A_2814 : vector<16xi32>
        %parallel_loop3A_2816 = tpu.vector_load_idx %arg11[%parallel_loop3A_2815] : memref<2048xf32, #tpu.memory_space<vmem>>[vector<16xi32>], vector<16xf32>,
        %parallel_loop3A_2817 = arith.constant 13 : i32
        %parallel_loop3A_2818 = vector.broadcast %parallel_loop3A_2817 : i32 to vector<16xi32>
        %parallel_loop3A_2819 = arith.addi %parallel_loop3A_2764, %parallel_loop3A_2818 : vector<16xi32>
        %parallel_loop3A_2820 = tpu.vector_load_idx %arg11[%parallel_loop3A_2819] : memref<2048xf32, #tpu.memory_space<vmem>>[vector<16xi32>], vector<16xf32>,
        %parallel_loop3A_2821 = arith.constant 14 : i32
        %parallel_loop3A_2822 = vector.broadcast %parallel_loop3A_2821 : i32 to vector<16xi32>
        %parallel_loop3A_2823 = arith.addi %parallel_loop3A_2764, %parallel_loop3A_2822 : vector<16xi32>
        %parallel_loop3A_2824 = tpu.vector_load_idx %arg11[%parallel_loop3A_2823] : memref<2048xf32, #tpu.memory_space<vmem>>[vector<16xi32>], vector<16xf32>,
        %parallel_loop3A_2825 = arith.constant 15 : i32
        %parallel_loop3A_2826 = vector.broadcast %parallel_loop3A_2825 : i32 to vector<16xi32>
        %parallel_loop3A_2827 = arith.addi %parallel_loop3A_2764, %parallel_loop3A_2826 : vector<16xi32>
        %parallel_loop3A_2828 = tpu.vector_load_idx %arg11[%parallel_loop3A_2827] : memref<2048xf32, #tpu.memory_space<vmem>>[vector<16xi32>], vector<16xf32>,
        %parallel_loop3A_2829 = arith.addf %parallel_loop3A_2768, %parallel_loop3A_2772 : vector<16xf32>
        %parallel_loop3A_2830 = arith.addf %parallel_loop3A_2776, %parallel_loop3A_2780 : vector<16xf32>
        %parallel_loop3A_2831 = arith.addf %parallel_loop3A_2784, %parallel_loop3A_2788 : vector<16xf32>
        %parallel_loop3A_2832 = arith.addf %parallel_loop3A_2792, %parallel_loop3A_2796 : vector<16xf32>
        %parallel_loop3A_2833 = arith.addf %parallel_loop3A_2800, %parallel_loop3A_2804 : vector<16xf32>
        %parallel_loop3A_2834 = arith.addf %parallel_loop3A_2808, %parallel_loop3A_2812 : vector<16xf32>
        %parallel_loop3A_2835 = arith.addf %parallel_loop3A_2816, %parallel_loop3A_2820 : vector<16xf32>
        %parallel_loop3A_2836 = arith.addf %parallel_loop3A_2824, %parallel_loop3A_2828 : vector<16xf32>
        %parallel_loop3A_2837 = arith.addf %parallel_loop3A_2829, %parallel_loop3A_2830 : vector<16xf32>
        %parallel_loop3A_2838 = arith.addf %parallel_loop3A_2831, %parallel_loop3A_2832 : vector<16xf32>
        %parallel_loop3A_2839 = arith.addf %parallel_loop3A_2833, %parallel_loop3A_2834 : vector<16xf32>
        %parallel_loop3A_2840 = arith.addf %parallel_loop3A_2835, %parallel_loop3A_2836 : vector<16xf32>
        %parallel_loop3A_2841 = arith.addf %parallel_loop3A_2837, %parallel_loop3A_2838 : vector<16xf32>
        %parallel_loop3A_2842 = arith.addf %parallel_loop3A_2839, %parallel_loop3A_2840 : vector<16xf32>
        %parallel_loop3A_2843 = arith.addf %parallel_loop3A_2841, %parallel_loop3A_2842 : vector<16xf32>
        %parallel_loop3A_2844 = tpu.bitcast %parallel_loop3A_2843 : vector<16xf32> -> vector<16xi32>
        %parallel_loop3A_2845 = arith.constant 1 : i32
        %parallel_loop3A_2846 = vector.broadcast %parallel_loop3A_2845 : i32 to vector<16xi32>
        %parallel_loop3A_2847 = arith.shrsi %parallel_loop3A_2844, %parallel_loop3A_2846 : vector<16xi32>
        %parallel_loop3A_2848 = arith.constant 1597463007 : i32
        %parallel_loop3A_2849 = vector.broadcast %parallel_loop3A_2848 : i32 to vector<16xi32>
        %parallel_loop3A_2850 = arith.subi %parallel_loop3A_2849, %parallel_loop3A_2847 : vector<16xi32>
        %parallel_loop3A_2851 = tpu.bitcast %parallel_loop3A_2850 : vector<16xi32> -> vector<16xf32>
        %parallel_loop3A_2852 = arith.constant 5.000000e-01 : f32
        %parallel_loop3A_2853 = vector.broadcast %parallel_loop3A_2852 : f32 to vector<16xf32>
        %parallel_loop3A_2854 = arith.mulf %parallel_loop3A_2843, %parallel_loop3A_2853 : vector<16xf32>
        %parallel_loop3A_2855 = arith.mulf %parallel_loop3A_2854, %parallel_loop3A_2851 : vector<16xf32>
        %parallel_loop3A_2856 = arith.mulf %parallel_loop3A_2855, %parallel_loop3A_2851 : vector<16xf32>
        %parallel_loop3A_2857 = arith.constant 1.500000e+00 : f32
        %parallel_loop3A_2858 = vector.broadcast %parallel_loop3A_2857 : f32 to vector<16xf32>
        %parallel_loop3A_2859 = arith.subf %parallel_loop3A_2858, %parallel_loop3A_2856 : vector<16xf32>
        %parallel_loop3A_2860 = arith.mulf %parallel_loop3A_2851, %parallel_loop3A_2859 : vector<16xf32>
        %parallel_loop3A_2861 = arith.mulf %parallel_loop3A_2854, %parallel_loop3A_2860 : vector<16xf32>
        %parallel_loop3A_2862 = arith.mulf %parallel_loop3A_2861, %parallel_loop3A_2860 : vector<16xf32>
        %parallel_loop3A_2863 = arith.constant 1.500000e+00 : f32
        %parallel_loop3A_2864 = vector.broadcast %parallel_loop3A_2863 : f32 to vector<16xf32>
        %parallel_loop3A_2865 = arith.subf %parallel_loop3A_2864, %parallel_loop3A_2862 : vector<16xf32>
        %parallel_loop3A_2866 = arith.mulf %parallel_loop3A_2860, %parallel_loop3A_2865 : vector<16xf32>
        %parallel_loop3A_2867 = arith.mulf %parallel_loop3A_2854, %parallel_loop3A_2866 : vector<16xf32>
        %parallel_loop3A_2868 = arith.mulf %parallel_loop3A_2867, %parallel_loop3A_2866 : vector<16xf32>
        %parallel_loop3A_2869 = arith.constant 1.500000e+00 : f32
        %parallel_loop3A_2870 = vector.broadcast %parallel_loop3A_2869 : f32 to vector<16xf32>
        %parallel_loop3A_2871 = arith.subf %parallel_loop3A_2870, %parallel_loop3A_2868 : vector<16xf32>
        %parallel_loop3A_2872 = arith.mulf %parallel_loop3A_2866, %parallel_loop3A_2871 : vector<16xf32>
        %parallel_loop3A_2873 = arith.mulf %parallel_loop3A_2843, %parallel_loop3A_2872 : vector<16xf32>
        %parallel_loop3A_2874 = arith.constant 8 : i32
        %parallel_loop3A_2875 = arith.muli %scan3A_59, %parallel_loop3A_2874 : i32
        %parallel_loop3A_2876 = arith.addi %parallel_loop3A_2875, %parallel_loop3A_101 : i32
        %parallel_loop3A_2877 = arith.constant 16 : i32
        %parallel_loop3A_2878 = arith.muli %parallel_loop3A_2876, %parallel_loop3A_2877 : i32
        %parallel_loop3A_2879 = arith.index_cast %parallel_loop3A_2878 : i32 to index
        %parallel_loop3A_2880 = tpu.vector_load %arg12[%parallel_loop3A_2879] {strides = array<i32>} : memref<512xf32, #tpu.memory_space<vmem>>, vector<16xf32>,
        tpu.vector_store %arg12[%parallel_loop3A_2879], %parallel_loop3A_2873 {strides = array<i32>} : memref<512xf32, #tpu.memory_space<vmem>>, vector<16xf32>,
      } {sc.loop_unroll_factor = 1 : i64, sc.parallel_access}
      %scan3A_100 = arith.constant 0 : i32
      scf.yield %scan3A_100 : i32
    }
    %scan3A_54 = arith.constant 4 : i32
    %mul3A_55 = arith.constant 4 : i32
    %mul3A_56 = arith.muli %add3A, %mul3A_55 : i32
    %mul3A_57 = arith.constant 128 : i32
    %mul3A_58 = arith.muli %mul3A_56, %mul3A_57 : i32
    "tpu.region"() ({
      %run_scoped3A = tpu.sem_alloc : memref<!tpu.dma_semaphore, #tpu.memory_space<semaphore_mem>>
      %dma_start3A_59 = tpu.memref_slice %arg6[%mul3A_58] : memref<16384xf32, #tpu.memory_space<hbm>> -> memref<512xf32, #tpu.memory_space<hbm>>
      %dma_start3A_60 = tpu.memref_slice %arg6[%mul3A_58] : memref<16384xf32, #tpu.memory_space<hbm>> -> memref<512xf32, #tpu.memory_space<hbm>>
      tpu.enqueue_dma source(%arg12 : memref<512xf32, #tpu.memory_space<vmem>>) target(%dma_start3A_60 : memref<512xf32, #tpu.memory_space<hbm>>) target_semaphore(%run_scoped3A : memref<!tpu.dma_semaphore, #tpu.memory_space<semaphore_mem>>)
      %dma_wait3A = tpu.memref_slice %arg6[%mul3A_58] : memref<16384xf32, #tpu.memory_space<hbm>> -> memref<512xf32, #tpu.memory_space<hbm>>
      %dma_wait3A_61 = tpu.memref_slice %arg6[%mul3A_58] : memref<16384xf32, #tpu.memory_space<hbm>> -> memref<512xf32, #tpu.memory_space<hbm>>
      tpu.wait_dma2 semaphore(%run_scoped3A : memref<!tpu.dma_semaphore, #tpu.memory_space<semaphore_mem>>) src(%arg12 : memref<512xf32, #tpu.memory_space<vmem>>) dst(%dma_wait3A_61 : memref<512xf32, #tpu.memory_space<hbm>>)
      tpu.yield
    }) : () -> ()
    return
  }
}

</mosaic_0001>

<sc_bundles>
// kernel: kernel.3.cloned.1.call-start
scs
__scs_entry_jumppad:
0x0: {  	(pc) =	sbr.rel $0x88, $3  }
0x1: {  	(tag) =	ssettag $0x0;
	lr =	simm.s32 $0x1  }
0x2: {  	[smem:$0x3F9D] =	sst lr;
	_ =	strace $0xD0000000  }
0x3: {  	_ = 	snop  }
0x4: {  	_ = 	snop  }
0x5: {  	_ = 	snop  }
0x6: {  	_ = 	snop  }
0x7: {  	_ = 	snop  }
__scs_overlays_trampoline_lowered:
0x8: {  	[smem:$0x3FAC] =	sst s0  }
0x9: {  	[smem:$0x3FAD] =	sst s1  }
0xa: {  	[smem:$0x3FAE] =	sst s2  }
0xb: {  	[smem:$0x3FAF] =	sst s3  }
0xc: {  	[smem:$0x3FB0] =	sst s4  }
0xd: {  	[smem:$0x3FB1] =	sst s5  }
0xe: {  	[smem:$0x3FB2] =	sst s6  }
0xf: {  	[smem:$0x3FB3] =	sst s7  }
0x10: {  	[smem:$0x3FB4] =	sst s8  }
0x11: {  	[smem:$0x3FB5] =	sst s9;
	s0 =	simm.s32 @!p0 $0x0  }
0x12: {  	s1 =	sld [smem:$0x3F9B];
	s0 =	simm.s32 @p0 $0x1  }
0x13: {  	[smem:$0x3FB6] =	sst s0;
	s0 =	simm.s32 @!p1 $0x0  }
0x14: {  	s2 =	sld [smem:$0x3F9A];
	s0 =	simm.s32 @p1 $0x1  }
0x15: {  	[smem:$0x3FB7] =	sst s0;
	s0 =	simm.s32 @!p2 $0x0  }
0x16: {  	s3 =	sld [smem:$0x3FDB];
	s0 =	simm.s32 @p2 $0x1  }
0x17: {  	s4 =	simm.s32 $0x1BF5;
	[smem:$0x3FB9] =	sst s0  }
0x18: {  	s0 =	sld [smem:$0x3F9C];
	_ =	swait.ge [sflag:s4], $0x0  }
0x19: {  	s7 =	sld [smem:$0x3F9D]  }
0x1a: {  	s8 =	sadd.s32 $0xFFFFE003, lr  }
0x1b: {  	s9 =	sadd.s32 $0xFFFFFEF7, lr;
	s5 =	simm.s32 $0xFFFFFFFF;
	p2 =	slt.u32 s8, $0xFFFFF086  }
0x1c: {  	p1 =	slt.u32 s9, $0xF7A;
	s5 =	simm.s32 @!p2 $0x0  }
0x1d: {  	s5 =	simm.s32 @p1 $0x1;
	p0 =	seq.s32 s7, s2  }
0x1e: {  	s7 =	smul.u32 @!p0 $0xF7A, s2;
	p2 =	seq.s32 @!p0 s5, $0x0  }
0x1f: {  	s9 =	smul.u32 $0xF7A, s1;
	s8 =	simm.s32 @!p0 $0x1BF5;
	p2 =	por !p2, p0  }
0x20: {  	[sflag:s8] =	ssyncset.s32 @!p0 $0xFFFFF086;
	s6 =	sadd.s32 @!p0 s3, s7;
	s7 =	simm.s32 @!p0 $0x108  }
0x21: {  	s3 =	sadd.s32 s3, s9;
	s6 =	sadd.s32 @!p0 $0x88, s6;
	s7 =	simm.s32 @p2 $0x1082  }
0x22: {  	[simem:s7], [sflag:s8] =	dma.local @!p0 [hbm:s6], $0xF7A  }
0x23: {  	s9 =	sor.u32 $0xD0000000, s2;
	s6 =	simm.s32 $0x108;
	_ =	swait.ge @!p0 [sflag:s8], $0x0  }
0x24: {  	s3 =	sadd.s32 $0x88, s3;
	s6 =	simm.s32 @!p1 $0x1082;
	[sflag:s4] =	ssyncset.s32 $0xFFFFF086  }
0x25: {  	[simem:s6], [sflag:s4] =	dma.local [hbm:s3], $0xF7A  }
0x26: {  	[smem:$0x3F9D] =	sst s1;
	(tag) =	ssettag s2;
	_ =	strace s9  }
0x27: {  	s1 =	sld [smem:$0x3FAD]  }
0x28: {  	s2 =	sld [smem:$0x3FAE]  }
0x29: {  	s4 =	sld [smem:$0x3FB0]  }
0x2a: {  	p0 =	seq.s32 s5, $0x0;
	s5 =	sld [smem:$0x3FB1]  }
0x2b: {  	s6 =	sld [smem:$0x3FB2]  }
0x2c: {  	s7 =	sld [smem:$0x3FB3]  }
0x2d: {  	s3 =	simm.s32 $0x108;
	s8 =	sld [smem:$0x3FB4]  }
0x2e: {  	s3 =	simm.s32 @!p0 $0x1082;
	s9 =	sld [smem:$0x3FB5]  }
0x2f: {  	lr =	sadd.s32 s0, s3;
	s0 =	sld [smem:$0x3FAC]  }
0x30: {  	s3 =	sld [smem:$0x3FAF]  }
0x31: {  	[smem:$0x3FB8] =	sst s10  }
0x32: {  	s10 =	sld [smem:$0x3FB6];
	_ =	sdelay $0x3  }
0x33: {  	p0 =	seq.s32 s10, $0x1;
	s10 =	sld [smem:$0x3FB8];
	_ =	sdelay $0x3  }
0x34: {  	[smem:$0x3FB8] =	sst s10  }
0x35: {  	s10 =	sld [smem:$0x3FB7];
	_ =	sdelay $0x3  }
0x36: {  	p1 =	seq.s32 s10, $0x1;
	s10 =	sld [smem:$0x3FB8];
	_ =	sdelay $0x3  }
0x37: {  	[smem:$0x3FB8] =	sst s10  }
0x38: {  	s10 =	sld [smem:$0x3FB9]  }
0x39: {  	_ = 	snop;
	(pc) =	sbr.ind lr, $3  }
0x3a: {  	_ = 	snop  }
0x3b: {  	_ = 	snop  }
0x3c: {  	p2 =	seq.s32 s10, $0x1;
	s10 =	sld [smem:$0x3FB8]  }
0x3d: {  	_ =	shalt  }
0x3e: {  	_ =	shalt  }
0x3f: {  	_ =	shalt  }
0x40: {  	_ =	shalt  }
0x41: {  	_ =	shalt  }
0x42: {  	_ =	shalt  }
0x43: {  	_ =	shalt  }
0x44: {  	_ =	shalt  }
0x45: {  	_ =	shalt  }
0x46: {  	_ =	shalt  }
0x47: {  	_ =	shalt  }
0x48: {  	_ =	shalt  }
0x49: {  	_ =	shalt  }
0x4a: {  	_ =	shalt  }
0x4b: {  	_ =	shalt  }
0x4c: {  	_ =	shalt  }
0x4d: {  	_ =	shalt  }
0x4e: {  	_ =	shalt  }
0x4f: {  	_ =	shalt  }
0x50: {  	_ =	shalt  }
0x51: {  	_ =	shalt  }
0x52: {  	_ =	shalt  }
0x53: {  	_ =	shalt  }
0x54: {  	_ =	shalt  }
0x55: {  	_ =	shalt  }
0x56: {  	_ =	shalt  }
0x57: {  	_ =	shalt  }
0x58: {  	_ =	shalt  }
0x59: {  	_ =	shalt  }
0x5a: {  	_ =	shalt  }
0x5b: {  	_ =	shalt  }
0x5c: {  	_ =	shalt  }
0x5d: {  	_ =	shalt  }
0x5e: {  	_ =	shalt  }
0x5f: {  	_ =	shalt  }
0x60: {  	_ =	shalt  }
0x61: {  	_ =	shalt  }
0x62: {  	_ =	shalt  }
0x63: {  	_ =	shalt  }
0x64: {  	_ =	shalt  }
0x65: {  	_ =	shalt  }
0x66: {  	_ =	shalt  }
0x67: {  	_ =	shalt  }
0x68: {  	_ =	shalt  }
0x69: {  	_ =	shalt  }
0x6a: {  	_ =	shalt  }
0x6b: {  	_ =	shalt  }
0x6c: {  	_ =	shalt  }
0x6d: {  	_ =	shalt  }
0x6e: {  	_ =	shalt  }
0x6f: {  	_ =	shalt  }
0x70: {  	_ =	shalt  }
0x71: {  	_ =	shalt  }
0x72: {  	_ =	shalt  }
0x73: {  	_ =	shalt  }
0x74: {  	_ =	shalt  }
0x75: {  	_ =	shalt  }
0x76: {  	_ =	shalt  }
0x77: {  	_ =	shalt  }
0x78: {  	_ =	shalt  }
0x79: {  	_ =	shalt  }
0x7a: {  	_ =	shalt  }
0x7b: {  	_ =	shalt  }
0x7c: {  	_ =	shalt  }
0x7d: {  	_ =	shalt  }
0x7e: {  	_ =	shalt  }
0x7f: {  	_ =	shalt  }
0x80: {  	_ =	shalt  }
0x81: {  	_ =	shalt  }
0x82: {  	_ =	shalt  }
0x83: {  	_ =	shalt  }
0x84: {  	_ =	shalt  }
0x85: {  	_ =	shalt  }
0x86: {  	_ =	shalt  }
0x87: {  	_ =	shalt  }
.Lfunc_end0:
.L_simem_size_0:
called_computation_lowered:
.L_overlay_start_0:
0x88: {  	s2 =	sld [smem:$0x3FD9]  }
0x89: {  	s3 =	sld [smem:$0x3FFE];
	_ =	sdelay $0x1  }
0x8a: {  	s1 =	srdreg.scid  }
0x8b: {  	s0 =	sand.u32 $0x1, s1  }
0x8c: {  	s18 =	sshll.u32 s0, $0xA;
	s2 =	sadd.s32 s3, s2  }
0x8d: {  	s2 =	sadd.s32 s2, s18  }
0x8e: {  	[smem:$0x3FC4] =	sst s2  }
0x8f: {  	_ = 	snop  }
0x90: {  	s2 =	sld [smem:$0x3FC9]  }
0x91: {  	s19 =	sld [smem:$0x3FC8]  }
0x92: {  	s4 =	sld [smem:$0x3FC7]  }
0x93: {  	s5 =	sld [smem:$0x3FC6]  }
0x94: {  	s6 =	sld [smem:$0x3FD0];
	(tm) =	ssettm $0x1  }
0x95: {  	s7 =	sld [smem:$0x3FFB];
	_ =	sdelay $0x3  }
0x96: {  	_ =	strace s7  }
0x97: {  	s7 =	sld [smem:$0x3FFC];
	_ =	sdelay $0x3  }
0x98: {  	_ =	strace s7  }
0x99: {  	s7 =	sld [smem:$0x3FFD];
	_ =	sdelay $0x3  }
0x9a: {  	_ =	strace s7  }
0x9b: {  	_ =	strace $0x8FFFFFFF  }
0x9c: {  	s20 =	sld [smem:$0x3FDB];
	_ =	sdelay $0x1  }
0x9d: {  	s8 =	simm.s32 $_scs_section_size  }
0x9e: {  	s9 =	simm.s32 $_size__tile_overlayer_lowered;
	s10 =	simm.s32 $_tile_overlayer_lowered  }
0x9f: {  	s23 =	simm.s32 $0x1BFF;
	s22 =	sshll.u32 s10, $0x1;
	s7 =	sadd.s32 s8, s20  }
0xa0: {  	s11 =	simm.s32 $0x0;
	s21 =	sshll.u32 s9, $0x1;
	s9 =	sadd.s32 s22, s7  }
0xa1: {  	[timem:s11], [sflag:s23] =	dma.local [hbm:s9], s21  }
0xa2: {  	_ =	swait.ge [sflag:s23], s21  }
0xa3: {  	s8 =	ssub.s32 $0x0, s21;
	[sflag:s23] =	ssyncset.done $0x0  }
0xa4: {  	[sflag:s23] =	ssyncadd.s32 s8;
	_ =	sdelay $0x1  }
0xa5: {  	s24 =	simm.s32 $0x1B8B  }
0xa6: {  	_ =	swait.ge [sflag:s24], $0x1  }
0xa7: {  	[sflag:s24] =	ssyncset.done $0x0  }
0xa8: {  	s25 =	simm.s32 $0x1B8E;
	[sflag:s24] =	ssyncadd.s32 $0xFFFFFFFF  }
0xa9: {  	s26 =	simm.s32 $execute0_lowered;
	[smem:$0x3FD2] =	sst s25  }
0xaa: {  	s8 =	sshll.u32 s26, $0x1;
	_ =	strace $0x80000046;
	[dreg:$0x1] =	wrdreg $0xFFFFFFFF  }
0xab: {  	s28 =	simm.s32 $_size_execute0_lowered;
	s7 =	sadd.s32 s7, s8;
	[dreg:$0x0] =	wrdreg $0x0  }
0xac: {  	s8 =	sshll.u32 s28, $0x1;
	[dreg:$0x2] =	wrdreg s7  }
0xad: {  	[dreg:$0x3] =	wrdreg s8  }
0xae: {  	[dreg:$0x4] =	wrdreg $0xC0  }
0xaf: {  	_ =	task [dreg:s11], $0x5FFFF  }
0xb0: {  	[dreg:$0x1] =	wrdreg $0xFFFFFFFF  }
0xb1: {  	[dreg:$0x0] =	wrdreg $0x60  }
0xb2: {  	[dreg:$0x2] =	wrdreg s2  }
0xb3: {  	[dreg:$0x3] =	wrdreg s19  }
0xb4: {  	[dreg:$0x4] =	wrdreg s4  }
0xb5: {  	[dreg:$0x5] =	wrdreg s5  }
0xb6: {  	[dreg:$0x6] =	wrdreg s6  }
0xb7: {  	[dreg:$0x7] =	wrdreg $0x9  }
0xb8: {  	_ =	task.clear_ibuf [dreg:s11], $0x8FFFF;
	_ =	strace $0x90000046  }
0xb9: {  	s29 =	simm.s32 $0x9;
	_ =	strace $0x80000048  }
0xba: {  	_ =	swait.ge [sflag:s29], $0x1  }
0xbb: {  	[sflag:s29] =	ssyncadd.s32 $0xFFFFFFFF  }
0xbc: {  	_ =	strace $0x90000048  }
0xbd: {  	_ =	sfence  }
0xbe: {  	s30 =	sld [smem:$0x0];
	_ =	sdelay $0x2  }
0xbf: {  	s31 =	sshll.u32 s1, $0xD;
	s1 =	sshrl.u32 s1, $0x2  }
0xc0: {  	s3 =	sand.u32 $0x4000, s31;
	s1 =	sadd.s32 s1, s30  }
0xc1: {  	s0 =	sor.u32 s3, s0;
	s1 =	sshll.u32 s1, $0x11  }
0xc2: {  	s0 =	sor.u32 s1, s0  }
0xc3: {  	s0 =	sadd.s32 $0x8F2B, s0  }
0xc4: {  	[sflag:s0] =	ssyncadd.remote.s32 $0x1  }
0xc5: {  	_ =	sfence.sel $0xFFFF  }
0xc6: {  	[dreg:$0x0] =	wrdreg $0xFFFFFFFF;
	(pc) =	sbr.abs _section_cstart, $3  }
0xc7: {  	[dreg:$0x1] =	wrdreg $0xFFFFFFFF  }
0xc8: {  	_ =	task.clear_ibuf [dreg:s11], $0x2FFFF;
	_ =	strace $0x9FFFFFFF  }
0xc9: {  	(tm) =	ssettm $0x7FFFFFFF  }
tec
execute0_lowered:
.L_overlay_start_1:
0x0: {  	(tag) =	ssettag $0x1  }
0x1: {  	s0 =	rddreg [dreg:$0x0]  }
0x2: {  	s2 =	rddreg [dreg:$0x1];
	v0 =	vlaneseq.u32  }
0x3: {  	s1 =	rddreg [dreg:$0x2];
	s8 =	simm.s32 $0x0;
	v16 =	vmul.u32 $0x10, v0  }
0x4: {  	[smem:$0x7FF] =	sst s8  }
0x5: {  	s3 =	rddreg [dreg:$0x4];
	_ =	strace $0x80000047;
	v25 =	vor.u32 $0x1, v16;
	[tilespmem:$0x1FEF0] =	vst v16  }
0x6: {  	v26 =	vor.u32 $0x2, v16;
	[tilespmem:$0x1FF10] =	vst v25  }
0x7: {  	v27 =	vor.u32 $0x3, v16;
	[tilespmem:$0x1FF20] =	vst v26  }
0x8: {  	v28 =	vor.u32 $0x4, v16;
	[tilespmem:$0x1FF30] =	vst v27  }
0x9: {  	v29 =	vor.u32 $0x5, v16;
	[tilespmem:$0x1FF40] =	vst v28  }
0xa: {  	v30 =	vor.u32 $0x6, v16;
	[tilespmem:$0x1FF50] =	vst v29  }
0xb: {  	v31 =	vor.u32 $0x7, v16;
	[tilespmem:$0x1FF60] =	vst v30  }
0xc: {  	v32 =	vor.u32 $0x8, v16;
	[tilespmem:$0x1FF70] =	vst v31  }
0xd: {  	v33 =	vor.u32 $0x9, v16;
	[tilespmem:$0x1FF80] =	vst v32  }
0xe: {  	s4 =	srdreg.scid;
	s6 =	stileid.u32;
	v34 =	vor.u32 $0xA, v16;
	[tilespmem:$0x1FF90] =	vst v33  }
0xf: {  	s4 =	sand.u32 $0x1, s4;
	s6 =	sshll.u32 s6, $0x1;
	v35 =	vor.u32 $0xB, v16;
	[tilespmem:$0x1FFA0] =	vst v34  }
0x10: {  	s5 =	ssub.s32 $0x2, s4;
	s4 =	sor.u32 s4, s6;
	v36 =	vor.u32 $0xC, v16;
	[tilespmem:$0x1FFB0] =	vst v35  }
0x11: {  	s14 =	simm.s32 $0x10280;
	v1 =	vand.u32 $0x7, v0;
	s29 =	sshll.u32 s4, $0x6;
	v37 =	vor.u32 $0xD, v16;
	[tilespmem:$0x1FFC0] =	vst v36  }
0x12: {  	v1 =	vmul.u32 $0x10, v1;
	s7 =	sshrl.u32 s5, $0x1;
	s4 =	sshll.u32 s4, $0xD;
	v38 =	vor.u32 $0xE, v16;
	s2 =	sadd.s32 s2, s29;
	[tilespmem:$0x1FFD0] =	vst v37  }
0x13: {  	v40 =	vor.u32 $0xF, v16;
	s5 =	ssub.s32 s5, s7;
	s30 =	sadd.s32 s3, s29;
	[tilespmem:$0x1FFE0] =	vst v38;
	[dreg:$0xa] =	wrdreg s2  }
0x14: {  	v17 =	vor.u32 $0xFFFFFF80, v1;
	s6 =	sadd.s32 s0, s4;
	[tilespmem:$0x1FFF0] =	vst v40;
	[dreg:$0xb] =	wrdreg s30;
	s31 =	smax.u32 s5, $0x1  }
0x15: {  	s3 =	simm.s32 $0x0;
	s2 =	simm.s32 $0x5;
	[tilespmem:$0x1FF00] =	vst v17;
	[dreg:$0xc] =	wrdreg s31  }
.LBB2_1:
0x16: {  	[dreg:$0xd] =	wrdreg s3  }
0x17: {  	s0 =	rddreg [dreg:$0xa]  }
0x18: {  	[tilespmem:s8], [sflag:$0x5] =	stream.linear.gather [hbm4b:s0+s8], $0x200, $0x38;
	[tilespmem:$0x10C80] =	vst v63  }
0x19: {  	_ =	swait.ge [sflag:s2], $0x200  }
0x1a: {  	[sflag:s2] =	ssyncset.done $0x0  }
0x1b: {  	[sflag:s2] =	ssyncadd.s32 $0xFFFFFE00  }
0x1c: {  	s28 =	simm.s32 $0x10200;
	s26 =	rddreg [dreg:$0x3]  }
0x1d: {  	[tilespmem:s28], [sflag:$0x5] =	stream.linear.gather [hbm4b:s26+s8], $0x80, $0x38;
	[tilespmem:$0x10C80] =	vst v63  }
0x1e: {  	_ =	swait.ge [sflag:s2], $0x80  }
0x1f: {  	[sflag:s2] =	ssyncset.done $0x0  }
0x20: {  	[sflag:s2] =	ssyncadd.s32 $0xFFFFFF80  }
0x21: {  	v39 =	vld [tilespmem:$0x10200]  }
0x22: {  	v18 =	vld [tilespmem:$0x10210]  }
0x23: {  	v19 =	vld [tilespmem:$0x10220]  }
0x24: {  	v20 =	vld [tilespmem:$0x10230]  }
0x25: {  	v21 =	vld [tilespmem:$0x10240]  }
0x26: {  	v22 =	vld [tilespmem:$0x10250]  }
0x27: {  	s29 =	simm.s32 $0x80;
	s30 =	simm.s32 $0x8200;
	v23 =	vld [tilespmem:$0x10260]  }
0x28: {  	v24 =	vld [tilespmem:$0x10270];
	[tilespmem:s30], [sflag:$0x1] =	stream.indirect.gather [hbm4b:s1+s29], $0x80, s8, s29, $0xb8  }
0x29: {  	s31 =	simm.s32 $0x200;
	s17 =	simm.s32 $0x0  }
0x2a: {  	[tilespmem:s31], [sflag:$0x3] =	stream.linear.gather [hbm4b:s6+s8], $0x4000, $0x38;
	[tilespmem:$0x10C80] =	vst v63  }
.LBB2_3:
0x2b: {  	s0 =	smov.u32 s17;
	s2 =	sand.u32 $0x1, s17;
	s17 =	sadd.s32 $0x1, s17  }
0x2c: {  	s31 =	simm.s32 $0x0;
	s3 =	sadd.s32 $0x1, s2;
	s23 =	sadd.s32 $0x3, s2  }
0x2d: {  	p0 =	seq.s32 s0, $0x3;
	s18 =	sshll.u32 s2, $0xE;
	s0 =	sshll.u32 s0, $0x7  }
0x2e: {  	_ =	swait.ge [sflag:s3], $0x4000;
	s4 =	sand.u32 @!p0 $0x1, s17;
	s7 =	sshll.u32 @!p0 s17, $0x7  }
0x2f: {  	s9 =	simm.s32 @!p0 $0x80;
	s2 =	sor.u32 $0x80, s18;
	s24 =	sor.u32 $0x100, s18  }
0x30: {  	s25 =	sor.u32 $0x180, s18;
	s26 =	sor.u32 $0x200, s18;
	s19 =	sor.u32 $0x280, s18  }
0x31: {  	s20 =	sor.u32 $0x300, s18;
	s21 =	sor.u32 $0x380, s18;
	s22 =	sor.u32 $0x400, s18  }
0x32: {  	s0 =	sand.u32 $0x3FFFFF80, s0;
	s28 =	sor.u32 $0x680, s18;
	s29 =	sor.u32 $0x700, s18  }
0x33: {  	s30 =	sor.u32 $0x780, s18;
	[sflag:s3] =	ssyncset.done $0x0;
	s5 =	sshll.u32 @!p0 s4, $0xE  }
0x34: {  	s7 =	sand.u32 @!p0 $0x3FFFFF80, s7;
	s8 =	sadd.s32 @!p0 $0x1, s4;
	[sflag:s3] =	ssyncadd.s32 $0xFFFFC000  }
0x35: {  	s4 =	sadd.s32 @!p0 $0x3, s4;
	_ =	swait.ge [sflag:s23], $0x4000;
	[dreg:$0x6] =	wrdreg s2  }
0x36: {  	s0 =	sadd.s32 $0x10A80, s0;
	s3 =	sor.u32 @!p0 $0x8200, s5;
	[dreg:$0x7] =	wrdreg s24  }
0x37: {  	s5 =	sor.u32 @!p0 $0x200, s5;
	[dreg:$0x8] =	wrdreg s25;
	[sflag:s23] =	ssyncset.done $0x0  }
0x38: {  	[dreg:$0x9] =	wrdreg s26;
	s24 =	sor.u32 $0x500, s18;
	[sflag:s23] =	ssyncadd.s32 $0xFFFFC000  }
0x39: {  	[tilespmem:s3], [sflag:s8] =	stream.indirect.gather @!p0 [hbm4b:s1+s9], $0x80, s7, s9, $0xb8;
	[tilespmem:$0x10C80] =	vst v63  }
0x3a: {  	v0 =	vmov s0;
	s25 =	sor.u32 $0x580, s18;
	s26 =	sor.u32 $0x600, s18;
	s3 =	sshll.u32 @!p0 s17, $0xB  }
0x3b: {  	[tilespmem:$0x1FEE0] =	vst v0;
	s23 =	sor.u32 $0x480, s18;
	s7 =	simm.s32 @!p0 $0x0;
	s3 =	sadd.s32 @!p0 s3, s6  }
0x3c: {  	[tilespmem:s5], [sflag:s4] =	stream.linear.gather @!p0 [hbm4b:s3+s7], $0x4000, $0x38;
	[tilespmem:$0x10C80] =	vst v63  }
.LBB2_4:
0x3d: {  	s12 =	sshll.u32 s31, $0xB  }
0x3e: {  	s0 =	rddreg [dreg:$0x6];
	s10 =	sor.u32 s18, s12  }
0x3f: {  	s2 =	rddreg [dreg:$0x7];
	s15 =	sor.u32 s0, s12;
	v34 =	vld [tilespmem:s10+$0x200]  }
0x40: {  	s3 =	rddreg [dreg:$0x8];
	s16 =	sor.u32 s2, s12;
	v35 =	vld [tilespmem:s15+$0x200]  }
0x41: {  	s13 =	rddreg [dreg:$0x9];
	s9 =	sor.u32 s3, s12;
	v40 =	vld [tilespmem:s16+$0x200]  }
0x42: {  	s4 =	sor.u32 s13, s12;
	v41 =	vld [tilespmem:s9+$0x200]  }
0x43: {  	s8 =	sor.u32 s19, s12;
	v46 =	vld [tilespmem:s4+$0x200]  }
0x44: {  	s7 =	sor.u32 s20, s12;
	v47 =	vld [tilespmem:s8+$0x200]  }
0x45: {  	s5 =	sor.u32 s21, s12;
	v52 =	vld [tilespmem:s7+$0x200]  }
0x46: {  	s13 =	sor.u32 s22, s12;
	v53 =	vld [tilespmem:s5+$0x200]  }
0x47: {  	s11 =	sor.u32 s23, s12;
	v58 =	vld [tilespmem:s13+$0x200]  }
0x48: {  	s2 =	sor.u32 s24, s12;
	v59 =	vld [tilespmem:s11+$0x200]  }
0x49: {  	s3 =	sor.u32 s25, s12;
	v60 =	vld [tilespmem:s2+$0x200]  }
0x4a: {  	s0 =	sor.u32 s26, s12;
	v61 =	vld [tilespmem:s3+$0x200]  }
0x4b: {  	v62 =	vld [tilespmem:s0+$0x200]  }
0x4c: {  	v63 =	vld [tilespmem:s10+$0x8200]  }
0x4d: {  	v0 =	vld [tilespmem:s10+$0x210]  }
0x4e: {  	v1 =	vld [tilespmem:s10+$0x8210]  }
0x4f: {  	v54 =	vld [tilespmem:s10+$0x220]  }
0x50: {  	v55 =	vld [tilespmem:s10+$0x8220]  }
0x51: {  	v48 =	vld [tilespmem:s10+$0x230]  }
0x52: {  	v49 =	vld [tilespmem:s10+$0x8230]  }
0x53: {  	v2 =	vld [tilespmem:s10+$0x240]  }
0x54: {  	v43 =	vld [tilespmem:s10+$0x8240]  }
0x55: {  	v15 =	vld [tilespmem:s10+$0x250]  }
0x56: {  	v28 =	vld [tilespmem:s10+$0x8250]  }
0x57: {  	v29 =	vld [tilespmem:s10+$0x260]  }
0x58: {  	v30 =	vld [tilespmem:s10+$0x8260]  }
0x59: {  	v31 =	vld [tilespmem:s10+$0x270]  }
0x5a: {  	v32 =	vld [tilespmem:s10+$0x8270]  }
0x5b: {  	v3 =	vld [tilespmem:s15+$0x8200]  }
0x5c: {  	v4 =	vld [tilespmem:s15+$0x210]  }
0x5d: {  	v5 =	vld [tilespmem:s15+$0x8210]  }
0x5e: {  	v56 =	vld [tilespmem:s15+$0x220]  }
0x5f: {  	v57 =	vld [tilespmem:s15+$0x8220]  }
0x60: {  	v50 =	vld [tilespmem:s15+$0x230]  }
0x61: {  	v51 =	vld [tilespmem:s15+$0x8230]  }
0x62: {  	v44 =	vld [tilespmem:s15+$0x240]  }
0x63: {  	v45 =	vld [tilespmem:s15+$0x8240]  }
0x64: {  	v6 =	vld [tilespmem:s15+$0x250]  }
0x65: {  	v33 =	vld [tilespmem:s15+$0x8250]  }
0x66: {  	v36 =	vld [tilespmem:s15+$0x260]  }
0x67: {  	v37 =	vld [tilespmem:s15+$0x8260]  }
0x68: {  	v38 =	vld [tilespmem:s15+$0x270]  }
0x69: {  	v42 =	vld [tilespmem:s15+$0x8270]  }
0x6a: {  	v8 =	vld [tilespmem:s16+$0x8200]  }
0x6b: {  	v9 =	vld [tilespmem:s9+$0x8200]  }
0x6c: {  	v10 =	vld [tilespmem:s4+$0x8200]  }
0x6d: {  	v11 =	vld [tilespmem:s8+$0x8200]  }
0x6e: {  	v12 =	vld [tilespmem:s7+$0x8200]  }
0x6f: {  	v13 =	vld [tilespmem:s5+$0x8200]  }
0x70: {  	v14 =	vld [tilespmem:s13+$0x8200]  }
0x71: {  	v16 =	vld [tilespmem:s2+$0x8200]  }
0x72: {  	v25 =	vld [tilespmem:s3+$0x8200]  }
0x73: {  	s10 =	sor.u32 s28, s12;
	s15 =	sor.u32 s29, s12;
	s12 =	sor.u32 s30, s12;
	v17 =	vld [tilespmem:s0+$0x8200]  }
0x74: {  	v7 =	vld [tilespmem:s12+$0x200]  }
0x75: {  	v26 =	vld [tilespmem:s10+$0x8200]  }
0x76: {  	v27 =	vld [tilespmem:s15+$0x8200]  }
0x77: {  	[tilespmem:$0x1FE10] =	vst v2;
	v2 =	vld [tilespmem:s10+$0x200]  }
0x78: {  	[tilespmem:$0x1FE40] =	vst v6;
	v6 =	vld [tilespmem:s15+$0x200]  }
0x79: {  	[tilespmem:$0x1FE20] =	vst v15;
	v15 =	vld [tilespmem:s11+$0x8200]  }
0x7a: {  	[tilespmem:$0x1FE30] =	vst v28;
	v28 =	vld [tilespmem:s12+$0x8200]  }
0x7b: {  	[tilespmem:$0x1FE60] =	vst v29;
	v29 =	vld [tilespmem:s16+$0x210]  }
0x7c: {  	[tilespmem:$0x1FE70] =	vst v30;
	v30 =	vld [tilespmem:s9+$0x210]  }
0x7d: {  	[tilespmem:$0x1FEA0] =	vst v31;
	v31 =	vld [tilespmem:s4+$0x210]  }
0x7e: {  	[tilespmem:$0x1FEB0] =	vst v32;
	v32 =	vld [tilespmem:s8+$0x210]  }
0x7f: {  	[tilespmem:$0x1FE50] =	vst v33;
	v33 =	vld [tilespmem:s7+$0x210]  }
0x80: {  	[tilespmem:$0x1FE80] =	vst v36;
	v36 =	vld [tilespmem:s5+$0x210]  }
0x81: {  	[tilespmem:$0x1FE90] =	vst v37;
	v37 =	vld [tilespmem:s13+$0x210]  }
0x82: {  	[tilespmem:$0x1FEC0] =	vst v38;
	v38 =	vld [tilespmem:s11+$0x210]  }
0x83: {  	v3 =	vsub.f32 v35, v3;
	v35 =	vld [tilespmem:s2+$0x210]  }
0x84: {  	v34 =	vsub.f32 v34, v63;
	v63 =	vld [tilespmem:s3+$0x210]  }
0x85: {  	v8 =	vsub.f32 v40, v8;
	v40 =	vld [tilespmem:s0+$0x210]  }
0x86: {  	v9 =	vsub.f32 v41, v9;
	v41 =	vld [tilespmem:s10+$0x210]  }
0x87: {  	[tilespmem:$0x1FED0] =	vst v42;
	v42 =	vld [tilespmem:s15+$0x210]  }
0x88: {  	v13 =	vsub.f32 v53, v13;
	v53 =	vld [tilespmem:s16+$0x8210]  }
0x89: {  	v10 =	vsub.f32 v46, v10;
	v14 =	vsub.f32 v58, v14;
	v58 =	vld [tilespmem:s9+$0x8210]  }
0x8a: {  	v11 =	vsub.f32 v47, v11;
	v0 =	vsub.f32 v0, v1;
	v1 =	vld [tilespmem:s4+$0x8210]  }
0x8b: {  	v12 =	vsub.f32 v52, v12;
	v4 =	vsub.f32 v4, v5;
	v5 =	vld [tilespmem:s8+$0x8210]  }
0x8c: {  	v16 =	vsub.f32 v60, v16;
	v25 =	vsub.f32 v61, v25;
	v47 =	vld [tilespmem:s5+$0x8210]  }
0x8d: {  	v17 =	vsub.f32 v62, v17;
	v61 =	vld [tilespmem:s16+$0x8220];
	v55 =	vsub.f32 v54, v55  }
0x8e: {  	v46 =	vld [tilespmem:s16+$0x250];
	v57 =	vsub.f32 v56, v57;
	v34 =	vadd.f32 v34, v39  }
0x8f: {  	v54 =	vld [tilespmem:s11+$0x8220];
	v3 =	vadd.f32 v3, v39;
	v8 =	vadd.f32 v8, v39  }
0x90: {  	v56 =	vld [tilespmem:s10+$0x220];
	v9 =	vadd.f32 v9, v39;
	v0 =	vadd.f32 v0, v18  }
0x91: {  	v4 =	vadd.f32 v4, v18;
	v2 =	vsub.f32 v2, v26;
	v26 =	vld [tilespmem:s12+$0x210]  }
0x92: {  	v10 =	vadd.f32 v10, v39;
	v15 =	vsub.f32 v59, v15;
	v59 =	vld [tilespmem:s7+$0x8210]  }
0x93: {  	v11 =	vadd.f32 v11, v39;
	v6 =	vsub.f32 v6, v27;
	v27 =	vld [tilespmem:s13+$0x8210]  }
0x94: {  	v12 =	vadd.f32 v12, v39;
	v7 =	vsub.f32 v7, v28;
	v28 =	vld [tilespmem:s11+$0x8210]  }
0x95: {  	v30 =	vsub.f32 v30, v58;
	v58 =	vadd.f32 v13, v39;
	v13 =	vld [tilespmem:s10+$0x8210]  }
0x96: {  	v34 =	vmul.f32 v34, v34;
	v0 =	vmul.f32 v0, v0;
	v1 =	vsub.f32 v31, v1;
	v31 =	vld [tilespmem:s12+$0x8210]  }
0x97: {  	v3 =	vmul.f32 v3, v3;
	v4 =	vmul.f32 v4, v4;
	v36 =	vsub.f32 v36, v47;
	v47 =	vld [tilespmem:s16+$0x8250]  }
0x98: {  	v29 =	vsub.f32 v29, v53;
	v60 =	vadd.f32 v0, v34;
	v34 =	vld [tilespmem:s2+$0x8210]  }
0x99: {  	v3 =	vadd.f32 v4, v3;
	v4 =	vld [tilespmem:s3+$0x8210];
	v30 =	vadd.f32 v30, v18  }
0x9a: {  	v0 =	vmul.f32 v11, v11;
	v29 =	vadd.f32 v29, v18;
	v11 =	vmul.f32 v58, v58;
	v58 =	vld [tilespmem:s16+$0x230]  }
0x9b: {  	v14 =	vadd.f32 v14, v39;
	v16 =	vadd.f32 v16, v39;
	v53 =	vmul.f32 v30, v30;
	v30 =	vld [tilespmem:s0+$0x8210]  }
0x9c: {  	v25 =	vadd.f32 v25, v39;
	v36 =	vadd.f32 v36, v18;
	v52 =	vmul.f32 v29, v29;
	v29 =	vld [tilespmem:s15+$0x8210]  }
0x9d: {  	v5 =	vsub.f32 v32, v5;
	v59 =	vsub.f32 v33, v59;
	v33 =	vld [tilespmem:s16+$0x220]  }
0x9e: {  	v17 =	vadd.f32 v17, v39;
	v27 =	vsub.f32 v37, v27;
	v37 =	vmul.f32 v36, v36;
	v36 =	vld [tilespmem:s8+$0x220]  }
0x9f: {  	v8 =	vmul.f32 v8, v8;
	v5 =	vadd.f32 v5, v18;
	v26 =	vsub.f32 v26, v31;
	v31 =	vld [tilespmem:s7+$0x220]  }
0xa0: {  	v9 =	vmul.f32 v9, v9;
	v1 =	vadd.f32 v1, v18;
	v13 =	vsub.f32 v41, v13;
	v41 =	vld [tilespmem:s3+$0x220]  }
0xa1: {  	v10 =	vmul.f32 v10, v10;
	v5 =	vmul.f32 v5, v5;
	v8 =	vadd.f32 v52, v8;
	v52 =	vld [tilespmem:s16+$0x240]  }
0xa2: {  	v15 =	vadd.f32 v15, v39;
	v1 =	vmul.f32 v1, v1;
	v9 =	vadd.f32 v53, v9;
	v53 =	vld [tilespmem:s16+$0x8240]  }
0xa3: {  	v2 =	vadd.f32 v2, v39;
	v5 =	vadd.f32 v5, v0;
	v0 =	vld [tilespmem:s16+$0x260]  }
0xa4: {  	v28 =	vsub.f32 v38, v28;
	v10 =	vadd.f32 v1, v10;
	v1 =	vld [tilespmem:s16+$0x8260]  }
0xa5: {  	v4 =	vsub.f32 v63, v4;
	v63 =	vld [tilespmem:s9+$0x8220];
	v32 =	vadd.f32 v59, v18  }
0xa6: {  	v59 =	vld [tilespmem:s16+$0x8230];
	v27 =	vadd.f32 v27, v18;
	v28 =	vadd.f32 v28, v18  }
0xa7: {  	v15 =	vmul.f32 v15, v15;
	v11 =	vadd.f32 v37, v11;
	v37 =	vadd.f32 v55, v19;
	v55 =	vld [tilespmem:s2+$0x8220]  }
0xa8: {  	v38 =	vmul.f32 v27, v27;
	v27 =	vmul.f32 v28, v28;
	v40 =	vsub.f32 v40, v30;
	v30 =	vld [tilespmem:s9+$0x220]  }
0xa9: {  	v12 =	vmul.f32 v12, v12;
	v13 =	vadd.f32 v13, v18;
	v33 =	vsub.f32 v33, v61;
	v61 =	vld [tilespmem:s7+$0x8220]  }
0xaa: {  	v32 =	vmul.f32 v32, v32;
	v15 =	vadd.f32 v27, v15;
	v27 =	vsub.f32 v35, v34;
	v34 =	vld [tilespmem:s16+$0x270]  }
0xab: {  	v14 =	vmul.f32 v14, v14;
	v2 =	vmul.f32 v2, v2;
	v29 =	vsub.f32 v42, v29;
	v35 =	vld [tilespmem:s16+$0x8270]  }
0xac: {  	v4 =	vadd.f32 v4, v18;
	v13 =	vmul.f32 v13, v13;
	v12 =	vadd.f32 v32, v12;
	v32 =	vld [tilespmem:s4+$0x220]  }
0xad: {  	v25 =	vmul.f32 v25, v25;
	v37 =	vmul.f32 v37, v37;
	v62 =	vadd.f32 v29, v18;
	v29 =	vld [tilespmem:s5+$0x220]  }
0xae: {  	v4 =	vmul.f32 v4, v4;
	v14 =	vadd.f32 v38, v14;
	v2 =	vadd.f32 v13, v2;
	v13 =	vld [tilespmem:s11+$0x220]  }
0xaf: {  	v28 =	vadd.f32 v40, v18;
	v40 =	vld [tilespmem:s2+$0x220];
	v38 =	vadd.f32 v57, v19  }
0xb0: {  	v37 =	vadd.f32 v37, v60;
	v57 =	vld [tilespmem:s15+$0x220];
	v4 =	vadd.f32 v4, v25  }
0xb1: {  	v16 =	vmul.f32 v16, v16;
	v60 =	vld [tilespmem:s12+$0x220];
	v25 =	vadd.f32 v26, v18;
	v27 =	vadd.f32 v27, v18  }
0xb2: {  	v17 =	vmul.f32 v17, v17;
	v7 =	vadd.f32 v7, v39;
	v26 =	vld [tilespmem:s13+$0x220];
	v33 =	vadd.f32 v33, v19  }
0xb3: {  	v6 =	vadd.f32 v6, v39;
	v42 =	vmul.f32 v25, v25;
	v25 =	vld [tilespmem:s4+$0x8220];
	v27 =	vmul.f32 v27, v27  }
0xb4: {  	v7 =	vmul.f32 v7, v7;
	v33 =	vmul.f32 v33, v33;
	v31 =	vsub.f32 v31, v61;
	v61 =	vld [tilespmem:s0+$0x8220]  }
0xb5: {  	v13 =	vsub.f32 v13, v54;
	v54 =	vld [tilespmem:s12+$0x8220];
	v16 =	vadd.f32 v27, v16;
	v27 =	vmul.f32 v28, v28  }
0xb6: {  	v6 =	vmul.f32 v6, v6;
	v7 =	vadd.f32 v42, v7;
	v28 =	vsub.f32 v30, v63;
	v63 =	vld [tilespmem:s13+$0x8220]  }
0xb7: {  	v8 =	vadd.f32 v33, v8;
	v33 =	vld [tilespmem:s13+$0x230];
	v17 =	vadd.f32 v27, v17;
	v27 =	vmul.f32 v62, v62  }
0xb8: {  	v42 =	vld [tilespmem:s10+$0x230];
	v31 =	vadd.f32 v31, v19;
	v25 =	vsub.f32 v32, v25  }
0xb9: {  	v28 =	vadd.f32 v28, v19;
	v6 =	vadd.f32 v27, v6;
	v27 =	vld [tilespmem:s8+$0x8220]  }
0xba: {  	v30 =	vld [tilespmem:s0+$0x220];
	v31 =	vmul.f32 v31, v31  }
0xbb: {  	v62 =	vld [tilespmem:s5+$0x8220];
	v25 =	vadd.f32 v25, v19;
	v28 =	vmul.f32 v28, v28;
	v26 =	vsub.f32 v26, v63  }
0xbc: {  	v12 =	vadd.f32 v31, v12;
	v31 =	vld [tilespmem:s5+$0x230]  }
0xbd: {  	v63 =	vld [tilespmem:s15+$0x8220];
	v25 =	vmul.f32 v25, v25;
	v9 =	vadd.f32 v28, v9;
	v26 =	vadd.f32 v26, v19  }
0xbe: {  	v28 =	vsub.f32 v40, v55;
	v40 =	vld [tilespmem:s2+$0x230];
	v27 =	vsub.f32 v36, v27  }
0xbf: {  	v10 =	vadd.f32 v25, v10;
	v25 =	vld [tilespmem:s3+$0x8220];
	v26 =	vmul.f32 v26, v26  }
0xc0: {  	v38 =	vmul.f32 v38, v38;
	v36 =	vld [tilespmem:s11+$0x230];
	v27 =	vadd.f32 v27, v19  }
0xc1: {  	v14 =	vadd.f32 v26, v14;
	v26 =	vsub.f32 v30, v61;
	v30 =	vld [tilespmem:s7+$0x230]  }
0xc2: {  	v3 =	vadd.f32 v38, v3;
	v61 =	vsub.f32 v50, v51;
	v50 =	vld [tilespmem:$0x1FE10]  }
0xc3: {  	v13 =	vadd.f32 v13, v19;
	v51 =	vsub.f32 v44, v45;
	v44 =	vld [tilespmem:$0x1FEA0];
	v27 =	vmul.f32 v27, v27  }
0xc4: {  	v25 =	vsub.f32 v41, v25;
	v41 =	vadd.f32 v61, v20;
	v61 =	vld [tilespmem:s13+$0x8230]  }
0xc5: {  	v5 =	vadd.f32 v27, v5;
	v27 =	vsub.f32 v29, v62;
	v62 =	vld [tilespmem:s10+$0x8220]  }
0xc6: {  	v25 =	vadd.f32 v25, v19;
	v29 =	vsub.f32 v57, v63;
	v63 =	vld [tilespmem:s4+$0x8230]  }
0xc7: {  	v26 =	vadd.f32 v26, v19;
	v57 =	vsub.f32 v60, v54;
	v54 =	vld [tilespmem:s8+$0x8230]  }
0xc8: {  	v28 =	vadd.f32 v28, v19;
	v60 =	vsub.f32 v48, v49;
	v55 =	vmul.f32 v25, v25;
	v25 =	vld [tilespmem:s4+$0x230]  }
0xc9: {  	v26 =	vmul.f32 v26, v26;
	v27 =	vadd.f32 v27, v19;
	v32 =	vadd.f32 v57, v19;
	v57 =	vld [tilespmem:s5+$0x8230]  }
0xca: {  	v38 =	vadd.f32 v60, v20;
	v60 =	vsub.f32 v58, v59;
	v58 =	vld [tilespmem:s15+$0x8230]  }
0xcb: {  	v17 =	vadd.f32 v26, v17;
	v4 =	vadd.f32 v55, v4;
	v55 =	vld [tilespmem:s7+$0x8230]  }
0xcc: {  	v27 =	vmul.f32 v27, v27;
	v26 =	vmul.f32 v38, v38;
	v38 =	vadd.f32 v60, v20;
	v60 =	vld [tilespmem:s12+$0x8230]  }
0xcd: {  	v13 =	vmul.f32 v13, v13;
	v32 =	vmul.f32 v32, v32;
	v56 =	vsub.f32 v56, v62;
	v62 =	vld [tilespmem:s9+$0x8230]  }
0xce: {  	v11 =	vadd.f32 v27, v11;
	v27 =	vmul.f32 v28, v28;
	v28 =	vld [tilespmem:s9+$0x230]  }
0xcf: {  	v13 =	vadd.f32 v13, v15;
	v7 =	vadd.f32 v32, v7;
	v32 =	vld [tilespmem:s0+$0x230]  }
0xd0: {  	v26 =	vadd.f32 v26, v37;
	v37 =	vadd.f32 v51, v21;
	v51 =	vld [tilespmem:s10+$0x8240]  }
0xd1: {  	v29 =	vadd.f32 v29, v19;
	v15 =	vadd.f32 v56, v19;
	v56 =	vmul.f32 v41, v41;
	v41 =	vld [tilespmem:s3+$0x230]  }
0xd2: {  	v25 =	vsub.f32 v25, v63;
	v63 =	vld [tilespmem:s2+$0x8230]  }
0xd3: {  	v29 =	vmul.f32 v29, v29;
	v31 =	vsub.f32 v31, v57;
	v57 =	vld [tilespmem:s12+$0x230]  }
0xd4: {  	v16 =	vadd.f32 v27, v16;
	v27 =	vld [tilespmem:s8+$0x230]  }
0xd5: {  	v6 =	vadd.f32 v29, v6;
	v29 =	vsub.f32 v30, v55;
	v55 =	vld [tilespmem:s0+$0x8230]  }
0xd6: {  	v3 =	vadd.f32 v56, v3;
	v56 =	vld [tilespmem:s10+$0x8230]  }
0xd7: {  	v30 =	vsub.f32 v33, v61;
	v61 =	vld [tilespmem:s9+$0x240]  }
0xd8: {  	v33 =	vsub.f32 v50, v43;
	v50 =	vld [tilespmem:s0+$0x8240]  }
0xd9: {  	v28 =	vsub.f32 v28, v62;
	v62 =	vld [tilespmem:s11+$0x8230]  }
0xda: {  	v15 =	vmul.f32 v15, v15;
	v25 =	vadd.f32 v25, v20;
	v59 =	vsub.f32 v40, v63;
	v63 =	vld [tilespmem:s8+$0x240]  }
0xdb: {  	v31 =	vadd.f32 v31, v20;
	v49 =	vsub.f32 v57, v60;
	v57 =	vld [tilespmem:s7+$0x8240]  }
0xdc: {  	v2 =	vadd.f32 v15, v2;
	v30 =	vadd.f32 v30, v20;
	v60 =	vld [tilespmem:s11+$0x8240]  }
0xdd: {  	v29 =	vadd.f32 v29, v20;
	v25 =	vmul.f32 v25, v25;
	v15 =	vsub.f32 v27, v54;
	v27 =	vld [tilespmem:s15+$0x230]  }
0xde: {  	v54 =	vld [tilespmem:s3+$0x8230];
	v30 =	vmul.f32 v30, v30  }
0xdf: {  	v29 =	vmul.f32 v29, v29;
	v10 =	vadd.f32 v25, v10;
	v25 =	vmul.f32 v31, v31;
	v31 =	vld [tilespmem:s2+$0x240]  }
0xe0: {  	v28 =	vadd.f32 v28, v20;
	v14 =	vadd.f32 v30, v14;
	v30 =	vld [tilespmem:s11+$0x240]  }
0xe1: {  	v12 =	vadd.f32 v29, v12;
	v29 =	vsub.f32 v42, v56;
	v42 =	vld [tilespmem:s0+$0x240]  }
0xe2: {  	v15 =	vadd.f32 v15, v20;
	v28 =	vmul.f32 v28, v28;
	v56 =	vld [tilespmem:s8+$0x8240]  }
0xe3: {  	v11 =	vadd.f32 v25, v11;
	v25 =	vsub.f32 v36, v62;
	v62 =	vld [tilespmem:s4+$0x240]  }
0xe4: {  	v36 =	vadd.f32 v59, v20;
	v59 =	vld [tilespmem:s13+$0x8240];
	v9 =	vadd.f32 v28, v9  }
0xe5: {  	v29 =	vadd.f32 v29, v20;
	v28 =	vsub.f32 v41, v54;
	v41 =	vld [tilespmem:s7+$0x240]  }
0xe6: {  	v15 =	vmul.f32 v15, v15;
	v54 =	vsub.f32 v52, v53;
	v52 =	vld [tilespmem:s9+$0x250]  }
0xe7: {  	v25 =	vadd.f32 v25, v20;
	v36 =	vmul.f32 v36, v36;
	v48 =	vmul.f32 v29, v29;
	v29 =	vld [tilespmem:s13+$0x240]  }
0xe8: {  	v5 =	vadd.f32 v15, v5;
	v15 =	vsub.f32 v32, v55;
	v55 =	vld [tilespmem:s4+$0x8240]  }
0xe9: {  	v16 =	vadd.f32 v36, v16;
	v36 =	vld [tilespmem:s3+$0x240]  }
0xea: {  	v25 =	vmul.f32 v25, v25;
	v43 =	vadd.f32 v54, v21;
	v54 =	vld [tilespmem:s4+$0x250]  }
0xeb: {  	v28 =	vadd.f32 v28, v20;
	v2 =	vadd.f32 v48, v2;
	v48 =	vld [tilespmem:s12+$0x240]  }
0xec: {  	v13 =	vadd.f32 v25, v13;
	v25 =	vld [tilespmem:s5+$0x240]  }
0xed: {  	v15 =	vadd.f32 v15, v20;
	v28 =	vmul.f32 v28, v28;
	v45 =	vsub.f32 v41, v57;
	v57 =	vld [tilespmem:s7+$0x250]  }
0xee: {  	v38 =	vmul.f32 v38, v38;
	v41 =	vld [tilespmem:s2+$0x250]  }
0xef: {  	v15 =	vmul.f32 v15, v15;
	v4 =	vadd.f32 v28, v4;
	v28 =	vadd.f32 v49, v20;
	v49 =	vld [tilespmem:s3+$0x8240]  }
0xf0: {  	v8 =	vadd.f32 v38, v8;
	v29 =	vsub.f32 v29, v59;
	v59 =	vld [tilespmem:s13+$0x250]  }
0xf1: {  	v15 =	vadd.f32 v15, v17;
	v17 =	vsub.f32 v27, v58;
	v27 =	vld [tilespmem:s9+$0x8240];
	v58 =	vmul.f32 v43, v43  }
0xf2: {  	v40 =	vadd.f32 v45, v21;
	v45 =	vld [tilespmem:$0x1FE50];
	v28 =	vmul.f32 v28, v28  }
0xf3: {  	v8 =	vadd.f32 v58, v8;
	v58 =	vld [tilespmem:s5+$0x250]  }
0xf4: {  	v7 =	vadd.f32 v28, v7;
	v28 =	vsub.f32 v30, v60;
	v60 =	vld [tilespmem:s4+$0x8250]  }
0xf5: {  	v40 =	vmul.f32 v40, v40;
	v30 =	vsub.f32 v42, v50;
	v42 =	vld [tilespmem:s0+$0x250]  }
0xf6: {  	v17 =	vadd.f32 v17, v20;
	v50 =	vld [tilespmem:s15+$0x250]  }
0xf7: {  	v12 =	vadd.f32 v40, v12;
	v40 =	vld [tilespmem:s11+$0x250]  }
0xf8: {  	v17 =	vmul.f32 v17, v17;
	v53 =	vsub.f32 v36, v49;
	v49 =	vld [tilespmem:s10+$0x250];
	v27 =	vsub.f32 v61, v27  }
0xf9: {  	v61 =	vsub.f32 v62, v55;
	v62 =	vld [tilespmem:s10+$0x240];
	v28 =	vadd.f32 v28, v21  }
0xfa: {  	v37 =	vmul.f32 v37, v37;
	v6 =	vadd.f32 v17, v6;
	v17 =	vld [tilespmem:s5+$0x8240];
	v27 =	vadd.f32 v27, v21  }
0xfb: {  	v55 =	vld [tilespmem:s8+$0x250];
	v28 =	vmul.f32 v28, v28  }
0xfc: {  	v3 =	vadd.f32 v37, v3;
	v37 =	vadd.f32 v61, v21;
	v61 =	vld [tilespmem:$0x1FE20];
	v27 =	vmul.f32 v27, v27  }
0xfd: {  	v13 =	vadd.f32 v28, v13;
	v28 =	vadd.f32 v53, v21;
	v53 =	vld [tilespmem:s13+$0x8250]  }
0xfe: {  	v9 =	vadd.f32 v27, v9;
	v27 =	vsub.f32 v63, v56;
	v63 =	vld [tilespmem:s15+$0x240]  }
0xff: {  	v17 =	vsub.f32 v25, v17;
	v25 =	vld [tilespmem:s2+$0x8240]  }
0x100: {  	v56 =	vsub.f32 v62, v51;
	v28 =	vmul.f32 v28, v28;
	v51 =	vld [tilespmem:s7+$0x8250]  }
0x101: {  	v30 =	vadd.f32 v30, v21;
	v62 =	vld [tilespmem:$0x1FE30]  }
0x102: {  	v4 =	vadd.f32 v28, v4;
	v28 =	vsub.f32 v54, v60;
	v54 =	vld [tilespmem:s11+$0x8250]  }
0x103: {  	v29 =	vadd.f32 v29, v21;
	v36 =	vadd.f32 v56, v21;
	v56 =	vld [tilespmem:s12+$0x250]  }
0x104: {  	v30 =	vmul.f32 v30, v30;
	v27 =	vadd.f32 v27, v21;
	v17 =	vadd.f32 v17, v21;
	v60 =	vld [tilespmem:s15+$0x8250]  }
0x105: {  	v25 =	vsub.f32 v31, v25;
	v31 =	vsub.f32 v57, v51;
	v57 =	vld [tilespmem:s0+$0x8250]  }
0x106: {  	v15 =	vadd.f32 v30, v15;
	v27 =	vmul.f32 v27, v27;
	v30 =	vsub.f32 v61, v62;
	v61 =	vld [tilespmem:s12+$0x8250]  }
0x107: {  	v33 =	vadd.f32 v33, v21;
	v29 =	vmul.f32 v29, v29;
	v17 =	vmul.f32 v17, v17;
	v51 =	vld [tilespmem:s5+$0x260]  }
0x108: {  	v37 =	vmul.f32 v37, v37;
	v28 =	vadd.f32 v28, v22;
	v5 =	vadd.f32 v27, v5;
	v27 =	vld [tilespmem:s15+$0x8240]  }
0x109: {  	v14 =	vadd.f32 v29, v14;
	v11 =	vadd.f32 v17, v11;
	v17 =	vld [tilespmem:s12+$0x8240]  }
0x10a: {  	v10 =	vadd.f32 v37, v10;
	v28 =	vmul.f32 v28, v28;
	v29 =	vsub.f32 v50, v60;
	v50 =	vld [tilespmem:s7+$0x260]  }
0x10b: {  	v33 =	vmul.f32 v33, v33;
	v30 =	vadd.f32 v30, v22;
	v31 =	vadd.f32 v31, v22;
	v60 =	vld [tilespmem:s7+$0x8260]  }
0x10c: {  	v10 =	vadd.f32 v28, v10;
	v28 =	vld [tilespmem:s9+$0x8270]  }
0x10d: {  	v26 =	vadd.f32 v33, v26;
	v30 =	vmul.f32 v30, v30;
	v62 =	vmul.f32 v31, v31;
	v31 =	vld [tilespmem:s9+$0x260]  }
0x10e: {  	v25 =	vadd.f32 v25, v21;
	v27 =	vsub.f32 v63, v27;
	v63 =	vld [tilespmem:$0x1FE40]  }
0x10f: {  	v26 =	vadd.f32 v30, v26;
	v30 =	vsub.f32 v40, v54;
	v54 =	vld [tilespmem:$0x1FE70]  }
0x110: {  	v25 =	vmul.f32 v25, v25;
	v17 =	vsub.f32 v48, v17;
	v12 =	vadd.f32 v62, v12;
	v62 =	vld [tilespmem:s3+$0x260]  }
0x111: {  	v48 =	vsub.f32 v46, v47;
	v46 =	vld [tilespmem:s10+$0x260];
	v27 =	vadd.f32 v27, v21  }
0x112: {  	v0 =	vsub.f32 v0, v1;
	v16 =	vadd.f32 v25, v16;
	v47 =	vld [tilespmem:s13+$0x8260]  }
0x113: {  	v17 =	vadd.f32 v17, v21;
	v43 =	vadd.f32 v48, v22;
	v48 =	vld [tilespmem:s4+$0x260];
	v25 =	vmul.f32 v27, v27  }
0x114: {  	v36 =	vmul.f32 v36, v36;
	v29 =	vadd.f32 v29, v22;
	v27 =	vld [tilespmem:s9+$0x8250]  }
0x115: {  	v0 =	vadd.f32 v0, v23;
	v17 =	vmul.f32 v17, v17;
	v6 =	vadd.f32 v25, v6;
	v25 =	vld [tilespmem:s8+$0x8250]  }
0x116: {  	v2 =	vadd.f32 v36, v2;
	v29 =	vmul.f32 v29, v29;
	v36 =	vsub.f32 v63, v45;
	v63 =	vld [tilespmem:s9+$0x8260]  }
0x117: {  	v30 =	vadd.f32 v30, v22;
	v45 =	vld [tilespmem:$0x1FEB0];
	v7 =	vadd.f32 v17, v7  }
0x118: {  	v43 =	vmul.f32 v43, v43;
	v17 =	vld [tilespmem:s3+$0x250];
	v36 =	vadd.f32 v36, v22;
	v6 =	vadd.f32 v29, v6  }
0x119: {  	v30 =	vmul.f32 v30, v30;
	v29 =	vsub.f32 v50, v60;
	v50 =	vld [tilespmem:s3+$0x8260];
	v27 =	vsub.f32 v52, v27  }
0x11a: {  	v8 =	vadd.f32 v43, v8;
	v52 =	vld [tilespmem:s5+$0x8250];
	v25 =	vsub.f32 v55, v25  }
0x11b: {  	v13 =	vadd.f32 v30, v13;
	v36 =	vmul.f32 v36, v36;
	v27 =	vadd.f32 v27, v22;
	v55 =	vld [tilespmem:s3+$0x8250]  }
0x11c: {  	v31 =	vsub.f32 v31, v63;
	v63 =	vld [tilespmem:s0+$0x260];
	v25 =	vadd.f32 v25, v22  }
0x11d: {  	v3 =	vadd.f32 v36, v3;
	v36 =	vsub.f32 v56, v61;
	v56 =	vld [tilespmem:$0x1FE80];
	v27 =	vmul.f32 v27, v27  }
0x11e: {  	v31 =	vadd.f32 v31, v23;
	v1 =	vsub.f32 v62, v50;
	v50 =	vld [tilespmem:s11+$0x8270];
	v25 =	vmul.f32 v25, v25  }
0x11f: {  	v36 =	vadd.f32 v36, v22;
	v9 =	vadd.f32 v27, v9;
	v27 =	vld [tilespmem:s2+$0x8250]  }
0x120: {  	v0 =	vmul.f32 v0, v0;
	v17 =	vsub.f32 v17, v55;
	v55 =	vld [tilespmem:s11+$0x260];
	v5 =	vadd.f32 v25, v5  }
0x121: {  	v25 =	vsub.f32 v58, v52;
	v58 =	vsub.f32 v59, v53;
	v59 =	vld [tilespmem:s10+$0x8250]  }
0x122: {  	v0 =	vadd.f32 v0, v8;
	v31 =	vmul.f32 v31, v31;
	v36 =	vmul.f32 v36, v36;
	v52 =	vld [tilespmem:s13+$0x260]  }
0x123: {  	v29 =	vadd.f32 v29, v23;
	v53 =	vld [tilespmem:$0x1FE60];
	v17 =	vadd.f32 v17, v22  }
0x124: {  	v7 =	vadd.f32 v36, v7;
	v8 =	vadd.f32 v31, v9;
	v31 =	vld [tilespmem:s4+$0x8270]  }
0x125: {  	v36 =	vsub.f32 v44, v45;
	v45 =	vld [tilespmem:$0x1FF40];
	v25 =	vadd.f32 v25, v22;
	v17 =	vmul.f32 v17, v17  }
0x126: {  	v33 =	vadd.f32 v58, v22;
	v58 =	vld [tilespmem:s2+$0x260];
	v27 =	vsub.f32 v41, v27  }
0x127: {  	v29 =	vmul.f32 v29, v29;
	v4 =	vadd.f32 v17, v4;
	v17 =	vsub.f32 v49, v59;
	v49 =	vld [tilespmem:s8+$0x260]  }
0x128: {  	v25 =	vmul.f32 v25, v25;
	v27 =	vadd.f32 v27, v22;
	v40 =	vsub.f32 v53, v54;
	v59 =	vld [tilespmem:s4+$0x8260]  }
0x129: {  	v52 =	vsub.f32 v52, v47;
	v53 =	vld [tilespmem:s15+$0x260];
	v17 =	vadd.f32 v17, v22  }
0x12a: {  	v12 =	vadd.f32 v29, v12;
	v47 =	vld [tilespmem:$0x1FEC0];
	v11 =	vadd.f32 v25, v11;
	v25 =	vmul.f32 v27, v27  }
0x12b: {  	v33 =	vmul.f32 v33, v33;
	v27 =	vld [tilespmem:s9+$0x270];
	v29 =	vadd.f32 v52, v23;
	v17 =	vmul.f32 v17, v17  }
0x12c: {  	v16 =	vadd.f32 v25, v16;
	v25 =	vsub.f32 v42, v57;
	v57 =	vld [tilespmem:$0x1FE90]  }
0x12d: {  	v14 =	vadd.f32 v33, v14;
	v2 =	vadd.f32 v17, v2;
	v17 =	vld [tilespmem:s8+$0x8260]  }
0x12e: {  	v52 =	vld [tilespmem:s2+$0x8270];
	v29 =	vmul.f32 v29, v29;
	v30 =	vsub.f32 v48, v59;
	v25 =	vadd.f32 v25, v22  }
0x12f: {  	v40 =	vadd.f32 v40, v23;
	v48 =	vld [tilespmem:s11+$0x8260]  }
0x130: {  	v14 =	vadd.f32 v29, v14;
	v29 =	vld [tilespmem:s7+$0x8270];
	v30 =	vadd.f32 v30, v23;
	v25 =	vmul.f32 v25, v25  }
0x131: {  	v27 =	vsub.f32 v27, v28;
	v43 =	vsub.f32 v56, v57;
	v56 =	vld [tilespmem:s15+$0x8260]  }
0x132: {  	v15 =	vadd.f32 v25, v15;
	v25 =	vmul.f32 v40, v40;
	v17 =	vsub.f32 v49, v17;
	v49 =	vld [tilespmem:s2+$0x8260]  }
0x133: {  	v34 =	vsub.f32 v34, v35;
	v1 =	vadd.f32 v1, v23;
	v57 =	vld [tilespmem:s12+$0x8260]  }
0x134: {  	v30 =	vmul.f32 v30, v30;
	v27 =	vadd.f32 v27, v24;
	v25 =	vadd.f32 v25, v26;
	v26 =	vld [tilespmem:s5+$0x8260]  }
0x135: {  	v34 =	vadd.f32 v34, v24;
	v1 =	vmul.f32 v1, v1;
	v36 =	vadd.f32 v36, v24;
	v40 =	vld [tilespmem:s8+$0x270]  }
0x136: {  	v10 =	vadd.f32 v30, v10;
	v30 =	vld [tilespmem:s4+$0x270];
	v27 =	vmul.f32 v27, v27;
	v17 =	vadd.f32 v17, v23  }
0x137: {  	v36 =	vmul.f32 v36, v36;
	v1 =	vadd.f32 v1, v4;
	v54 =	vsub.f32 v58, v49;
	v58 =	vld [tilespmem:s8+$0x8270]  }
0x138: {  	v43 =	vadd.f32 v43, v23;
	v8 =	vadd.f32 v27, v8;
	v17 =	vmul.f32 v17, v17;
	v49 =	vld [tilespmem:s11+$0x270]  }
0x139: {  	v60 =	vsub.f32 v53, v56;
	v26 =	vsub.f32 v51, v26;
	v51 =	vld [tilespmem:s0+$0x8260]  }
0x13a: {  	v61 =	vmul.f32 v43, v43;
	v25 =	vadd.f32 v36, v25;
	v5 =	vadd.f32 v17, v5;
	v17 =	vld [tilespmem:s10+$0x8260]  }
0x13b: {  	v53 =	vld [tilespmem:s3+$0x270];
	v30 =	vsub.f32 v30, v31;
	v33 =	vadd.f32 v54, v23;
	v54 =	vmul.f32 v34, v34  }
0x13c: {  	v56 =	vld [tilespmem:s0+$0x270];
	v3 =	vadd.f32 v61, v3;
	v26 =	vadd.f32 v26, v23  }
0x13d: {  	v61 =	vld [tilespmem:s5+$0x8270];
	v30 =	vadd.f32 v30, v24;
	v33 =	vmul.f32 v33, v33;
	v0 =	vadd.f32 v54, v0  }
0x13e: {  	v54 =	vld [tilespmem:$0x1FF50];
	v26 =	vmul.f32 v26, v26;
	v27 =	vsub.f32 v40, v58;
	v35 =	vsub.f32 v49, v50  }
0x13f: {  	v9 =	vsub.f32 v63, v51;
	v17 =	vsub.f32 v46, v17;
	v63 =	vld [tilespmem:s13+$0x270]  }
0x140: {  	v16 =	vadd.f32 v33, v16;
	v46 =	vld [tilespmem:s13+$0x8270];
	v11 =	vadd.f32 v26, v11  }
0x141: {  	v30 =	vmul.f32 v30, v30;
	v58 =	vld [tilespmem:s10+$0x270];
	v26 =	vsub.f32 v55, v48;
	v27 =	vadd.f32 v27, v24  }
0x142: {  	v55 =	vld [tilespmem:s12+$0x260];
	v9 =	vadd.f32 v9, v23;
	v17 =	vadd.f32 v17, v23  }
0x143: {  	v10 =	vadd.f32 v30, v10;
	v48 =	vld [tilespmem:$0x1FED0];
	v35 =	vadd.f32 v35, v24;
	v27 =	vmul.f32 v27, v27  }
0x144: {  	v51 =	vld [tilespmem:s2+$0x270];
	v26 =	vadd.f32 v26, v23;
	v9 =	vmul.f32 v9, v9;
	v59 =	vmul.f32 v17, v17  }
0x145: {  	v17 =	vld [tilespmem:s5+$0x270];
	v33 =	vsub.f32 v63, v46;
	v5 =	vadd.f32 v27, v5  }
0x146: {  	v26 =	vmul.f32 v26, v26;
	v63 =	vld [tilespmem:s12+$0x8270];
	v9 =	vadd.f32 v9, v15;
	v2 =	vadd.f32 v59, v2  }
0x147: {  	v62 =	vsub.f32 v55, v57;
	v15 =	vadd.f32 v60, v23;
	v55 =	vld [tilespmem:s3+$0x8270]  }
0x148: {  	v44 =	vmul.f32 v35, v35;
	v38 =	vsub.f32 v47, v48;
	v57 =	vld [tilespmem:s0+$0x8270];
	v13 =	vadd.f32 v26, v13  }
0x149: {  	v26 =	vld [tilespmem:s7+$0x270];
	v33 =	vadd.f32 v33, v24;
	v4 =	vadd.f32 v62, v23;
	v15 =	vmul.f32 v15, v15  }
0x14a: {  	v59 =	vld [tilespmem:s10+$0x8270];
	v38 =	vadd.f32 v38, v24;
	v17 =	vsub.f32 v17, v61  }
0x14b: {  	v60 =	vld [tilespmem:s15+$0x270];
	v46 =	vadd.f32 v44, v13;
	v4 =	vmul.f32 v4, v4;
	v6 =	vadd.f32 v15, v6  }
0x14c: {  	v61 =	vld [tilespmem:s15+$0x8270];
	s15 =	sshll.u32 s31, $0x8;
	v38 =	vmul.f32 v38, v38;
	v17 =	vadd.f32 v17, v24;
	v47 =	vsub.f32 v53, v55  }
0x14d: {  	v62 =	vld [tilespmem:s12+$0x270];
	[tilespmem:s15+$0x10280] =	vst v25;
	v25 =	vmul.f32 v33, v33;
	v49 =	vsub.f32 v56, v57;
	v4 =	vadd.f32 v4, v7  }
0x14e: {  	v50 =	vld [tilespmem:$0x1FF70];
	[tilespmem:s15+$0x102A0] =	vst v0;
	v3 =	vadd.f32 v38, v3;
	v26 =	vsub.f32 v26, v29  }
0x14f: {  	v30 =	vld [tilespmem:$0x1FF60];
	[tilespmem:s15+$0x102B0] =	vst v8;
	v14 =	vadd.f32 v25, v14;
	v17 =	vmul.f32 v17, v17;
	v7 =	vadd.f32 v49, v24  }
0x150: {  	v35 =	vld [tilespmem:$0x1FFB0];
	v26 =	vadd.f32 v26, v24;
	[tilespmem:s15+$0x10290] =	vst v3;
	v3 =	vadd.f32 v47, v24  }
0x151: {  	v27 =	vld [tilespmem:$0x1FF30];
	[tilespmem:s15+$0x102C0] =	vst v10;
	v55 =	vsub.f32 v60, v61;
	v11 =	vadd.f32 v17, v11  }
0x152: {  	v48 =	vld [tilespmem:$0x1FFA0];
	[tilespmem:s15+$0x102D0] =	vst v5;
	v17 =	vsub.f32 v51, v52;
	v52 =	vsub.f32 v58, v59;
	v7 =	vmul.f32 v7, v7  }
0x153: {  	[tilespmem:s15+$0x10310] =	vst v46;
	v25 =	vld [tilespmem:$0x1FF10];
	v58 =	vsub.f32 v62, v63;
	v26 =	vmul.f32 v26, v26;
	v5 =	vadd.f32 v55, v24  }
0x154: {  	v33 =	vld [tilespmem:$0x1FF90];
	[tilespmem:s15+$0x10300] =	vst v14;
	v3 =	vmul.f32 v3, v3;
	v51 =	vadd.f32 v17, v24;
	v63 =	vadd.f32 v7, v9  }
0x155: {  	v53 =	vld [tilespmem:$0x1FFC0];
	v10 =	vadd.f32 v52, v24;
	[tilespmem:s15+$0x102F0] =	vst v11;
	v12 =	vadd.f32 v26, v12;
	v5 =	vmul.f32 v5, v5  }
0x156: {  	v56 =	vld [tilespmem:$0x1FFD0];
	v62 =	vadd.f32 v58, v24;
	v1 =	vadd.f32 v3, v1;
	v8 =	vmul.f32 v51, v51;
	[tilespmem:s15+$0x10340] =	vst v63  }
0x157: {  	v57 =	vld [tilespmem:$0x1FF80];
	v61 =	vmul.f32 v10, v10;
	[tilespmem:s15+$0x102E0] =	vst v12;
	v5 =	vadd.f32 v5, v6  }
0x158: {  	v60 =	vld [tilespmem:$0x1FFE0];
	v13 =	vor.u32 s15, v25;
	v11 =	vmul.f32 v62, v62;
	[tilespmem:s15+$0x10330] =	vst v1;
	v8 =	vadd.f32 v8, v16  }
0x159: {  	v15 =	vor.u32 s15, v27;
	v59 =	vld [tilespmem:$0x1FFF0];
	v2 =	vadd.f32 v61, v2;
	[tilespmem:s15+$0x10360] =	vst v5  }
0x15a: {  	v28 =	vor.u32 s15, v45;
	v17 =	vld [tilespmem:$0x1FF00];
	v3 =	vadd.f32 v11, v4;
	[tilespmem:s15+$0x10320] =	vst v8  }
0x15b: {  	v29 =	vor.u32 s15, v54;
	v26 =	vld [tilespmem:$0x1FF20];
	[tilespmem:s15+$0x10350] =	vst v2  }
0x15c: {  	v30 =	vor.u32 s15, v30;
	v16 =	vld [tilespmem:$0x1FEF0];
	[tilespmem:s15+$0x10370] =	vst v3  }
0x15d: {  	v41 =	vor.u32 s15, v50;
	v0 =	vld.idx.msk [tilespmem:v13+s14+$0x0], $0xffff  }
0x15e: {  	v42 =	vor.u32 s15, v57;
	v4 =	vld.idx.msk [tilespmem:v15+s14+$0x0], $0xffff  }
0x15f: {  	v44 =	vor.u32 s15, v48;
	v3 =	vld.idx.msk [tilespmem:v28+s14+$0x0], $0xffff  }
0x160: {  	v45 =	vor.u32 s15, v35;
	v5 =	vld.idx.msk [tilespmem:v29+s14+$0x0], $0xffff  }
0x161: {  	v47 =	vor.u32 s15, v56;
	v6 =	vld.idx.msk [tilespmem:v30+s14+$0x0], $0xffff  }
0x162: {  	v49 =	vor.u32 s15, v59;
	v7 =	vld.idx.msk [tilespmem:v41+s14+$0x0], $0xffff  }
0x163: {  	v43 =	vor.u32 s15, v33;
	v8 =	vld.idx.msk [tilespmem:v42+s14+$0x0], $0xffff  }
0x164: {  	v14 =	vor.u32 s15, v26;
	v10 =	vld.idx.msk [tilespmem:v44+s14+$0x0], $0xffff  }
0x165: {  	v48 =	vor.u32 s15, v60;
	v11 =	vld.idx.msk [tilespmem:v45+s14+$0x0], $0xffff;
	v9 =	vor.u32 s15, v16  }
0x166: {  	v13 =	vld.idx.msk [tilespmem:v47+s14+$0x0], $0xffff;
	v12 =	vand.u32 v17, v9  }
0x167: {  	v46 =	vor.u32 s15, v53;
	v15 =	vld.idx.msk [tilespmem:v49+s14+$0x0], $0xffff  }
0x168: {  	v9 =	vld.idx.msk [tilespmem:v43+s14+$0x0], $0xffff  }
0x169: {  	v2 =	vld.idx.msk [tilespmem:v14+s14+$0x0], $0xffff  }
0x16a: {  	v14 =	vld.idx.msk [tilespmem:v48+s14+$0x0], $0xffff  }
0x16b: {  	v1 =	vld.idx.msk [tilespmem:v12+s14+$0x0], $0xffff  }
0x16c: {  	v12 =	vld.idx.msk [tilespmem:v46+s14+$0x0], $0xffff;
	_ =	sdelay $0x1  }
0x16d: {  	v51 =	vadd.f32 v5, v3;
	v52 =	vadd.f32 v7, v6  }
0x16e: {  	v54 =	vadd.f32 v11, v10;
	v53 =	vadd.f32 v9, v8  }
0x16f: {  	v50 =	vadd.f32 v4, v2;
	v56 =	vadd.f32 v15, v14  }
0x170: {  	v0 =	vadd.f32 v0, v1;
	v55 =	vadd.f32 v13, v12  }
0x171: {  	v57 =	vadd.f32 v52, v51;
	v58 =	vadd.f32 v54, v53  }
0x172: {  	v0 =	vadd.f32 v50, v0;
	v59 =	vadd.f32 v56, v55;
	_ =	sdelay $0x1  }
0x173: {  	v0 =	vadd.f32 v57, v0;
	v60 =	vadd.f32 v59, v58;
	_ =	sdelay $0x1  }
0x174: {  	v0 =	vadd.f32 v60, v0;
	_ =	sdelay $0x1  }
0x175: {  	v1 =	vshra.s32 v0, $0x1;
	v61 =	vmul.f32 $5.000000000e-01, v0  }
0x176: {  	v1 =	vsub.s32 $0x5F3759DF, v1  }
0x177: {  	v62 =	vmul.f32 v1, v61;
	_ =	sdelay $0x1  }
0x178: {  	v3 =	vmul.f32 v1, v62;
	_ =	sdelay $0x1  }
0x179: {  	v3 =	vsub.f32 $1.500000000e+00, v3;
	_ =	sdelay $0x1  }
0x17a: {  	v1 =	vmul.f32 v1, v3;
	_ =	sdelay $0x1  }
0x17b: {  	v3 =	vmul.f32 v1, v61;
	_ =	sdelay $0x1  }
0x17c: {  	v3 =	vmul.f32 v3, v1;
	_ =	sdelay $0x1  }
0x17d: {  	v3 =	vsub.f32 $1.500000000e+00, v3;
	_ =	sdelay $0x1  }
0x17e: {  	v1 =	vmul.f32 v3, v1;
	_ =	sdelay $0x1  }
0x17f: {  	v2 =	vmul.f32 v1, v61;
	_ =	sdelay $0x1  }
0x180: {  	v63 =	vld [tilespmem:$0x1FEE0];
	v2 =	vmul.f32 v2, v1;
	_ =	sdelay $0x1  }
0x181: {  	v2 =	vsub.f32 $1.500000000e+00, v2  }
0x182: {  	p0 =	seq.s32 s31, $0x7  }
.Ltmp0:
0x183: {  	v1 =	vmul.f32 v2, v1;
	(pc) =	sbr.rel @!p0 .LBB2_4-.Ltmp0, $4  }
0x184: {  	_ = 	snop  }
0x185: {  	s16 =	sshll.u32 s31, $0x4;
	v0 =	vmul.f32 v1, v0  }
0x186: {  	s0 =	sand.u32 $0x3FFFFFF0, s16  }
0x187: {  	s31 =	sadd.s32 $0x1, s31;
	[tilespmem:v63+s0+$0x0 ss:$0x1] =	vst.idx.msk $0xffff, v0  }
0x188: {  	p0 =	seq.s32 s17, $0x4  }
.Ltmp1:
0x189: {  	_ = 	snop;
	(pc) =	sbr.rel @!p0 .LBB2_3-.Ltmp1, $1  }
0x18a: {  	_ =	sdelay $0x3  }
0x18b: {  	s8 =	simm.s32 $0x0;
	s0 =	rddreg [dreg:$0xb];
	s2 =	simm.s32 $0x10A80  }
0x18c: {  	[hbm4b:s0+s8] =	stream.linear.scatter [tilespmem:s2], [sflag:$0x5], $0x200, $0x38;
	[tilespmem:$0x10C80] =	vst v63  }
0x18d: {  	s2 =	simm.s32 $0x5  }
0x18e: {  	_ =	swait.ge [sflag:s2], $0x200  }
0x18f: {  	s3 =	rddreg [dreg:$0xd]  }
0x190: {  	s31 =	rddreg [dreg:$0xc];
	s3 =	sadd.s32 $0x1, s3  }
0x191: {  	p0 =	sne.s32 s3, s31  }
.Ltmp2:
0x192: {  	_ = 	snop;
	(pc) =	sbr.rel @p0 .LBB2_1-.Ltmp2, $3  }
0x193: {  	_ =	sdelay $0x1  }
0x194: {  	[sflag:s2] =	ssyncset.done $0x0  }
0x195: {  	[sflag:s2] =	ssyncadd.s32 $0xFFFFFE00  }
0x196: {  	_ =	sfence.sel $0x180000  }
0x197: {  	[bflag:$0x0] =	sbarrier.arrive $0xFFFF  }
0x198: {  	_ =	strace $0x90000047  }
0x199: {  	s0 =	stileid.u32;
	[bflag:$0x2] =	sbarrier.arrive $0xFFFF  }
0x19a: {  	p0 =	sne.s32 s0, $0x0;
	s0 =	rddreg [dreg:$0x5]  }
0x19b: {  	s0 =	sadd.s32 @!p0 $0x100000, s0  }
0x19c: {  	[sflag:s0] =	ssyncadd.tile.s32 @!p0 $0x1;
	_ =	shalt  }
.Lfunc_end2:
_tile_overlayer_lowered:
.L_overlay_start_2:
0x19d: {  	(tag) =	ssettag $0x2  }
0x19e: {  	s0 =	rddreg [dreg:$0x0];
	s2 =	stileid.u32  }
0x19f: {  	s1 =	rddreg [dreg:$0x1];
	p0 =	sne.s32 s2, $0x0  }
0x1a0: {  	s3 =	rddreg [dreg:$0x2];
	[bflag:$0x3] =	sbarrier.arrive $0xFFFF;
	s2 =	simm.s32 @!p0 $0x1C05  }
0x1a1: {  	[timem:s3], [sflag:s2] =	dma.local @!p0 [hbm:s0], s1  }
0x1a2: {  	s0 =	simm.s32 @!p0 $0x5  }
0x1a3: {  	_ =	swait.ge @!p0 [sflag:s0], s1  }
0x1a4: {  	s1 =	ssub.s32 @!p0 $0x0, s1;
	[sflag:s0] =	ssyncset.done @!p0 $0x0  }
0x1a5: {  	[sflag:s0] =	ssyncadd.s32 @!p0 s1  }
0x1a6: {  	[bflag:$0x3] =	sbarrier.arrive $0xFFFF  }
0x1a7: {  	_ =	shalt  }

</sc_bundles>
